<compile_context>
chip_gen: v7x
topology: tpu7x:2x2x1
jax: 0.10.2.dev20260603
libtpu: 0.0.44.dev20260713+nightly
codegen_flags: <defaults>
</compile_context>

<pallas_src>
import functools

import jax
import jax.numpy as jnp
from jax import lax
from jax.experimental import pallas as pl
from jax.experimental.pallas import tpu as pltpu
from jax.experimental.pallas import tpu_sc as plsc

E = 640000
NC, NS = 2, 16
NW = NC * NS
C = E // NW
BF = 128
NBATCH = C // BF + (1 if C % BF else 0)
INT_DIM = 32

_mesh = plsc.VectorSubcoreMesh(core_axis_name="c", subcore_axis_name="s")


def _body(i0, i1, i2, i3, amt, tm, t0, t1, t2, t3, linp, out,
          i0v, i1v, i2v, i3v, r0, r1, r2, r3, linb, av, tv, wv, sem):
    wid = lax.axis_index("s") * NC + lax.axis_index("c")
    base0 = wid * C
    pltpu.sync_copy(linp, wv)
    wa = [wv[pl.ds(h * 16, 16)] for h in range(4)]
    ba = [wv[pl.ds(64 + h * 16, 16)] for h in range(4)]
    wt = [wv[pl.ds(128 + h * 16, 16)] for h in range(4)]
    bt = [wv[pl.ds(192 + h * 16, 16)] for h in range(4)]

    def do_batch(k, _):
        base = base0 + jnp.minimum(k * BF, C - BF)
        pltpu.sync_copy(i0.at[pl.ds(base, BF)], i0v)
        pltpu.sync_copy(i1.at[pl.ds(base, BF)], i1v)
        pltpu.sync_copy(i2.at[pl.ds(base, BF)], i2v)
        pltpu.sync_copy(i3.at[pl.ds(base, BF)], i3v)
        pltpu.sync_copy(amt.at[pl.ds(base, BF)], av)
        pltpu.sync_copy(tm.at[pl.ds(base, BF)], tv)
        cps = [
            pltpu.async_copy(t0.at[i0v], r0, sem),
            pltpu.async_copy(t1.at[i1v], r1, sem),
            pltpu.async_copy(t2.at[i2v], r2, sem),
            pltpu.async_copy(t3.at[i3v], r3, sem),
        ]
        def lin_g(g, _):
            a16 = av[pl.ds(g * 16, 16)]
            t16 = tv[pl.ds(g * 16, 16)]
            for ee in range(16):
                a = jnp.full((16,), a16[ee], jnp.float32)
                t = jnp.full((16,), t16[ee], jnp.float32)
                e = g * 16 + ee
                for h in range(4):
                    linb[e, pl.ds(h * 16, 16)] = a * wa[h] + ba[h]
                    linb[e, pl.ds(64 + h * 16, 16)] = t * wt[h] + bt[h]
            return 0
        lax.fori_loop(0, BF // 16, lin_g, 0)
        for cp in cps:
            cp.wait()
        pltpu.sync_copy(r0, out.at[pl.ds(base, BF), pl.ds(0, 32)])
        pltpu.sync_copy(r1, out.at[pl.ds(base, BF), pl.ds(32, 32)])
        pltpu.sync_copy(r2, out.at[pl.ds(base, BF), pl.ds(64, 32)])
        pltpu.sync_copy(r3, out.at[pl.ds(base, BF), pl.ds(96, 32)])
        pltpu.sync_copy(linb, out.at[pl.ds(base, BF), pl.ds(128, 128)])
        return 0

    lax.fori_loop(0, NBATCH, do_batch, 0)


_sc_call = functools.partial(
    pl.kernel,
    out_type=jax.ShapeDtypeStruct((E, 256), jnp.float32),
    mesh=_mesh,
    compiler_params=pltpu.CompilerParams(use_tc_tiling_on_sc=False),
    scratch_types=[
        pltpu.VMEM((BF,), jnp.int32),
        pltpu.VMEM((BF,), jnp.int32),
        pltpu.VMEM((BF,), jnp.int32),
        pltpu.VMEM((BF,), jnp.int32),
        pltpu.VMEM((BF, INT_DIM), jnp.float32),
        pltpu.VMEM((BF, INT_DIM), jnp.float32),
        pltpu.VMEM((BF, INT_DIM), jnp.float32),
        pltpu.VMEM((BF, INT_DIM), jnp.float32),
        pltpu.VMEM((BF, 128), jnp.float32),
        pltpu.VMEM((BF,), jnp.float32),
        pltpu.VMEM((BF,), jnp.float32),
        pltpu.VMEM((256,), jnp.float32),
        pltpu.SemaphoreType.DMA,
    ],
)(_body)


def kernel(edge_feature, emb0, emb1, emb2, emb3, W_amount, b_amount, W_time, b_time):
    idx = edge_feature[:, :4].astype(jnp.int32)
    linp = jnp.concatenate([W_amount[0], b_amount, W_time[0], b_time])
    return _sc_call(idx[:, 0], idx[:, 1], idx[:, 2], idx[:, 3],
                    edge_feature[:, 4], edge_feature[:, 5],
                    emb0, emb1, emb2, emb3, linp)

# --- scband reference (transcript-rebuilt; emitter-appended) ---
"""Pipeline reference for scband-transaction-edge-encoder-41068477284883 (READ-ONLY COPY).

The authoritative reference and input builder live on the scoring server;
editing this copy changes nothing except your own understanding.
"""

import jax, jax.numpy as jnp
import numpy as np

E = 640000
VOCABS = [50, 8, 252, 252]
INT_DIM = 32
AMT_DIM = 64
TIME_DIM = 64


def _xavier(key, shape):
    fan_in, fan_out = shape[0], shape[1]
    a = float(np.sqrt(6.0 / (fan_in + fan_out)))
    return jax.random.uniform(key, shape, jnp.float32, -a, a)


def setup_inputs(seed: int = 0) -> dict:
    key = jax.random.key(seed)
    ks = jax.random.split(key, 16)
    # first 4 columns: integer-valued categorical features stored as float (as in the torch batch)
    int_cols = [jax.random.randint(ks[i], (E,), 0, v).astype(jnp.float32) for i, v in enumerate(VOCABS)]
    amount = jax.random.normal(ks[4], (E,), jnp.float32)
    time_f = jax.random.normal(ks[5], (E,), jnp.float32)
    edge_feature = jnp.stack(int_cols + [amount, time_f], axis=1)
    inp = {"edge_feature": edge_feature}
    for i, v in enumerate(VOCABS):
        inp[f"emb{i}"] = _xavier(ks[6 + i], (v, INT_DIM))
    inp["W_amount"] = _xavier(ks[10], (1, AMT_DIM))
    inp["b_amount"] = jnp.zeros((AMT_DIM,), jnp.float32)
    inp["W_time"] = _xavier(ks[11], (1, TIME_DIM))
    inp["b_time"] = jnp.zeros((TIME_DIM,), jnp.float32)
    return inp


def reference(edge_feature, emb0, emb1, emb2, emb3, W_amount, b_amount, W_time, b_time):
    tables = [emb0, emb1, emb2, emb3]
    parts = []
    for i in range(4):
        idx = edge_feature[:, i].astype(jnp.int32)  # batch.edge_feature[:, i].long()
        parts.append(jnp.take(tables[i], idx, axis=0))
    parts.append(edge_feature[:, 4:5] @ W_amount + b_amount)  # linear_amount
    parts.append(edge_feature[:, 5:6] @ W_time + b_time)      # linear_time
    return jnp.concatenate(parts, axis=1)

if __name__ == "__main__":
    import jax
    _d = setup_inputs()
    print(jax.jit(kernel)(*tuple(_d.values())))

</pallas_src>

<mosaic_0001>
#map = affine_map<(d0, d1) -> (0)>
#map1 = affine_map<(d0, d1) -> (0, 0)>
module attributes {stable_mosaic.version = 14 : i64} {
  func.func @_body(%arg0: i32, %arg1: i32, %arg2: memref<640000xi32, #tpu.memory_space<hbm>>, %arg3: memref<640000xi32, #tpu.memory_space<hbm>>, %arg4: memref<640000xi32, #tpu.memory_space<hbm>>, %arg5: memref<640000xi32, #tpu.memory_space<hbm>>, %arg6: memref<640000xf32, #tpu.memory_space<hbm>>, %arg7: memref<640000xf32, #tpu.memory_space<hbm>>, %arg8: memref<50x32xf32, #tpu.memory_space<hbm>>, %arg9: memref<8x32xf32, #tpu.memory_space<hbm>>, %arg10: memref<252x32xf32, #tpu.memory_space<hbm>>, %arg11: memref<252x32xf32, #tpu.memory_space<hbm>>, %arg12: memref<256xf32, #tpu.memory_space<hbm>>, %arg13: memref<640000x256xf32, #tpu.memory_space<hbm>>, %arg14: memref<128xi32, #tpu.memory_space<vmem>>, %arg15: memref<128xi32, #tpu.memory_space<vmem>>, %arg16: memref<128xi32, #tpu.memory_space<vmem>>, %arg17: memref<128xi32, #tpu.memory_space<vmem>>, %arg18: memref<128x32xf32, #tpu.memory_space<vmem>>, %arg19: memref<128x32xf32, #tpu.memory_space<vmem>>, %arg20: memref<128x32xf32, #tpu.memory_space<vmem>>, %arg21: memref<128x32xf32, #tpu.memory_space<vmem>>, %arg22: memref<128x128xf32, #tpu.memory_space<vmem>>, %arg23: memref<128xf32, #tpu.memory_space<vmem>>, %arg24: memref<128xf32, #tpu.memory_space<vmem>>, %arg25: memref<256xf32, #tpu.memory_space<vmem>>, %arg26: memref<!tpu.dma_semaphore, #tpu.memory_space<semaphore_mem>>) attributes {dimension_semantics = [#tpu.dimension_semantics<core_parallel>, #tpu.dimension_semantics<subcore_parallel>], iteration_bounds = array<i64: 2, 16>, scalar_prefetch = 0 : i64, scratch_operands = 13 : i64, tpu.core_type = #tpu.core_type<sc_vector_subcore>, window_params = [{transform_indices = #map}, {transform_indices = #map}, {transform_indices = #map}, {transform_indices = #map}, {transform_indices = #map}, {transform_indices = #map}, {transform_indices = #map1}, {transform_indices = #map1}, {transform_indices = #map1}, {transform_indices = #map1}, {transform_indices = #map}, {transform_indices = #map1}]} {
    %mul3A = arith.constant 2 : i32
    %mul3A_0 = arith.muli %arg1, %mul3A : i32
    %add3A = arith.addi %mul3A_0, %arg0 : i32
    %mul3A_1 = arith.constant 20000 : i32
    %mul3A_2 = arith.muli %add3A, %mul3A_1 : i32
    "tpu.region"() ({
      %run_scoped3A = tpu.sem_alloc : memref<!tpu.dma_semaphore, #tpu.memory_space<semaphore_mem>>
      tpu.enqueue_dma source(%arg12 : memref<256xf32, #tpu.memory_space<hbm>>) target(%arg25 : memref<256xf32, #tpu.memory_space<vmem>>) target_semaphore(%run_scoped3A : memref<!tpu.dma_semaphore, #tpu.memory_space<semaphore_mem>>)
      tpu.wait_dma2 semaphore(%run_scoped3A : memref<!tpu.dma_semaphore, #tpu.memory_space<semaphore_mem>>) src(%arg12 : memref<256xf32, #tpu.memory_space<hbm>>) dst(%arg25 : memref<256xf32, #tpu.memory_space<vmem>>)
      tpu.yield
    }) : () -> ()
    %get3A = arith.constant 0 : index
    %get3A_3 = tpu.vector_load %arg25[%get3A] {strides = array<i32>} : memref<256xf32, #tpu.memory_space<vmem>>, vector<16xf32>,
    %get3A_4 = vector.shape_cast %get3A_3 : vector<16xf32> to vector<16xf32>
    %get3A_5 = arith.constant 16 : index
    %get3A_6 = tpu.vector_load %arg25[%get3A_5] {strides = array<i32>} : memref<256xf32, #tpu.memory_space<vmem>>, vector<16xf32>,
    %get3A_7 = vector.shape_cast %get3A_6 : vector<16xf32> to vector<16xf32>
    %get3A_8 = arith.constant 32 : index
    %get3A_9 = tpu.vector_load %arg25[%get3A_8] {strides = array<i32>} : memref<256xf32, #tpu.memory_space<vmem>>, vector<16xf32>,
    %get3A_10 = vector.shape_cast %get3A_9 : vector<16xf32> to vector<16xf32>
    %get3A_11 = arith.constant 48 : index
    %get3A_12 = tpu.vector_load %arg25[%get3A_11] {strides = array<i32>} : memref<256xf32, #tpu.memory_space<vmem>>, vector<16xf32>,
    %get3A_13 = vector.shape_cast %get3A_12 : vector<16xf32> to vector<16xf32>
    %get3A_14 = arith.constant 64 : index
    %get3A_15 = tpu.vector_load %arg25[%get3A_14] {strides = array<i32>} : memref<256xf32, #tpu.memory_space<vmem>>, vector<16xf32>,
    %get3A_16 = vector.shape_cast %get3A_15 : vector<16xf32> to vector<16xf32>
    %get3A_17 = arith.constant 80 : index
    %get3A_18 = tpu.vector_load %arg25[%get3A_17] {strides = array<i32>} : memref<256xf32, #tpu.memory_space<vmem>>, vector<16xf32>,
    %get3A_19 = vector.shape_cast %get3A_18 : vector<16xf32> to vector<16xf32>
    %get3A_20 = arith.constant 96 : index
    %get3A_21 = tpu.vector_load %arg25[%get3A_20] {strides = array<i32>} : memref<256xf32, #tpu.memory_space<vmem>>, vector<16xf32>,
    %get3A_22 = vector.shape_cast %get3A_21 : vector<16xf32> to vector<16xf32>
    %get3A_23 = arith.constant 112 : index
    %get3A_24 = tpu.vector_load %arg25[%get3A_23] {strides = array<i32>} : memref<256xf32, #tpu.memory_space<vmem>>, vector<16xf32>,
    %get3A_25 = vector.shape_cast %get3A_24 : vector<16xf32> to vector<16xf32>
    %get3A_26 = arith.constant 128 : index
    %get3A_27 = tpu.vector_load %arg25[%get3A_26] {strides = array<i32>} : memref<256xf32, #tpu.memory_space<vmem>>, vector<16xf32>,
    %get3A_28 = vector.shape_cast %get3A_27 : vector<16xf32> to vector<16xf32>
    %get3A_29 = arith.constant 144 : index
    %get3A_30 = tpu.vector_load %arg25[%get3A_29] {strides = array<i32>} : memref<256xf32, #tpu.memory_space<vmem>>, vector<16xf32>,
    %get3A_31 = vector.shape_cast %get3A_30 : vector<16xf32> to vector<16xf32>
    %get3A_32 = arith.constant 160 : index
    %get3A_33 = tpu.vector_load %arg25[%get3A_32] {strides = array<i32>} : memref<256xf32, #tpu.memory_space<vmem>>, vector<16xf32>,
    %get3A_34 = vector.shape_cast %get3A_33 : vector<16xf32> to vector<16xf32>
    %get3A_35 = arith.constant 176 : index
    %get3A_36 = tpu.vector_load %arg25[%get3A_35] {strides = array<i32>} : memref<256xf32, #tpu.memory_space<vmem>>, vector<16xf32>,
    %get3A_37 = vector.shape_cast %get3A_36 : vector<16xf32> to vector<16xf32>
    %get3A_38 = arith.constant 192 : index
    %get3A_39 = tpu.vector_load %arg25[%get3A_38] {strides = array<i32>} : memref<256xf32, #tpu.memory_space<vmem>>, vector<16xf32>,
    %get3A_40 = vector.shape_cast %get3A_39 : vector<16xf32> to vector<16xf32>
    %get3A_41 = arith.constant 208 : index
    %get3A_42 = tpu.vector_load %arg25[%get3A_41] {strides = array<i32>} : memref<256xf32, #tpu.memory_space<vmem>>, vector<16xf32>,
    %get3A_43 = vector.shape_cast %get3A_42 : vector<16xf32> to vector<16xf32>
    %get3A_44 = arith.constant 224 : index
    %get3A_45 = tpu.vector_load %arg25[%get3A_44] {strides = array<i32>} : memref<256xf32, #tpu.memory_space<vmem>>, vector<16xf32>,
    %get3A_46 = vector.shape_cast %get3A_45 : vector<16xf32> to vector<16xf32>
    %get3A_47 = arith.constant 240 : index
    %get3A_48 = tpu.vector_load %arg25[%get3A_47] {strides = array<i32>} : memref<256xf32, #tpu.memory_space<vmem>>, vector<16xf32>,
    %get3A_49 = vector.shape_cast %get3A_48 : vector<16xf32> to vector<16xf32>
    %scan3A = arith.constant 0 : i32
    %scan3A_50 = arith.constant 0 : i32
    %scan3A_51 = arith.constant 157 : i32
    %scan3A_52 = arith.addi %scan3A_50, %scan3A_51 : i32
    %scan3A_53 = arith.constant 1 : i32
    %scan3A_54 = scf.for %scan3A_56 = %scan3A_50 to %scan3A_52 step %scan3A_53 iter_args(%scan3A_57 = %scan3A) -> (i32)  : i32 {
      %mul3A_58 = arith.constant 128 : i32
      %mul3A_59 = arith.muli %scan3A_56, %mul3A_58 : i32
      %min3A = arith.constant 19872 : i32
      %min3A_60 = arith.minsi %mul3A_59, %min3A : i32
      %add3A_61 = arith.addi %mul3A_2, %min3A_60 : i32
      "tpu.region"() ({
        %run_scoped3A = tpu.sem_alloc : memref<!tpu.dma_semaphore, #tpu.memory_space<semaphore_mem>>
        %dma_start3A_92 = tpu.memref_slice %arg2[%add3A_61] : memref<640000xi32, #tpu.memory_space<hbm>> -> memref<128xi32, #tpu.memory_space<hbm>>
        %dma_start3A_93 = tpu.memref_slice %arg2[%add3A_61] : memref<640000xi32, #tpu.memory_space<hbm>> -> memref<128xi32, #tpu.memory_space<hbm>>
        tpu.enqueue_dma source(%dma_start3A_93 : memref<128xi32, #tpu.memory_space<hbm>>) target(%arg14 : memref<128xi32, #tpu.memory_space<vmem>>) target_semaphore(%run_scoped3A : memref<!tpu.dma_semaphore, #tpu.memory_space<semaphore_mem>>)
        %dma_wait3A_94 = tpu.memref_slice %arg2[%add3A_61] : memref<640000xi32, #tpu.memory_space<hbm>> -> memref<128xi32, #tpu.memory_space<hbm>>
        %dma_wait3A_95 = tpu.memref_slice %arg2[%add3A_61] : memref<640000xi32, #tpu.memory_space<hbm>> -> memref<128xi32, #tpu.memory_space<hbm>>
        tpu.wait_dma2 semaphore(%run_scoped3A : memref<!tpu.dma_semaphore, #tpu.memory_space<semaphore_mem>>) src(%dma_wait3A_95 : memref<128xi32, #tpu.memory_space<hbm>>) dst(%arg14 : memref<128xi32, #tpu.memory_space<vmem>>)
        tpu.yield
      }) : () -> ()
      "tpu.region"() ({
        %run_scoped3A = tpu.sem_alloc : memref<!tpu.dma_semaphore, #tpu.memory_space<semaphore_mem>>
        %dma_start3A_92 = tpu.memref_slice %arg3[%add3A_61] : memref<640000xi32, #tpu.memory_space<hbm>> -> memref<128xi32, #tpu.memory_space<hbm>>
        %dma_start3A_93 = tpu.memref_slice %arg3[%add3A_61] : memref<640000xi32, #tpu.memory_space<hbm>> -> memref<128xi32, #tpu.memory_space<hbm>>
        tpu.enqueue_dma source(%dma_start3A_93 : memref<128xi32, #tpu.memory_space<hbm>>) target(%arg15 : memref<128xi32, #tpu.memory_space<vmem>>) target_semaphore(%run_scoped3A : memref<!tpu.dma_semaphore, #tpu.memory_space<semaphore_mem>>)
        %dma_wait3A_94 = tpu.memref_slice %arg3[%add3A_61] : memref<640000xi32, #tpu.memory_space<hbm>> -> memref<128xi32, #tpu.memory_space<hbm>>
        %dma_wait3A_95 = tpu.memref_slice %arg3[%add3A_61] : memref<640000xi32, #tpu.memory_space<hbm>> -> memref<128xi32, #tpu.memory_space<hbm>>
        tpu.wait_dma2 semaphore(%run_scoped3A : memref<!tpu.dma_semaphore, #tpu.memory_space<semaphore_mem>>) src(%dma_wait3A_95 : memref<128xi32, #tpu.memory_space<hbm>>) dst(%arg15 : memref<128xi32, #tpu.memory_space<vmem>>)
        tpu.yield
      }) : () -> ()
      "tpu.region"() ({
        %run_scoped3A = tpu.sem_alloc : memref<!tpu.dma_semaphore, #tpu.memory_space<semaphore_mem>>
        %dma_start3A_92 = tpu.memref_slice %arg4[%add3A_61] : memref<640000xi32, #tpu.memory_space<hbm>> -> memref<128xi32, #tpu.memory_space<hbm>>
        %dma_start3A_93 = tpu.memref_slice %arg4[%add3A_61] : memref<640000xi32, #tpu.memory_space<hbm>> -> memref<128xi32, #tpu.memory_space<hbm>>
        tpu.enqueue_dma source(%dma_start3A_93 : memref<128xi32, #tpu.memory_space<hbm>>) target(%arg16 : memref<128xi32, #tpu.memory_space<vmem>>) target_semaphore(%run_scoped3A : memref<!tpu.dma_semaphore, #tpu.memory_space<semaphore_mem>>)
        %dma_wait3A_94 = tpu.memref_slice %arg4[%add3A_61] : memref<640000xi32, #tpu.memory_space<hbm>> -> memref<128xi32, #tpu.memory_space<hbm>>
        %dma_wait3A_95 = tpu.memref_slice %arg4[%add3A_61] : memref<640000xi32, #tpu.memory_space<hbm>> -> memref<128xi32, #tpu.memory_space<hbm>>
        tpu.wait_dma2 semaphore(%run_scoped3A : memref<!tpu.dma_semaphore, #tpu.memory_space<semaphore_mem>>) src(%dma_wait3A_95 : memref<128xi32, #tpu.memory_space<hbm>>) dst(%arg16 : memref<128xi32, #tpu.memory_space<vmem>>)
        tpu.yield
      }) : () -> ()
      "tpu.region"() ({
        %run_scoped3A = tpu.sem_alloc : memref<!tpu.dma_semaphore, #tpu.memory_space<semaphore_mem>>
        %dma_start3A_92 = tpu.memref_slice %arg5[%add3A_61] : memref<640000xi32, #tpu.memory_space<hbm>> -> memref<128xi32, #tpu.memory_space<hbm>>
        %dma_start3A_93 = tpu.memref_slice %arg5[%add3A_61] : memref<640000xi32, #tpu.memory_space<hbm>> -> memref<128xi32, #tpu.memory_space<hbm>>
        tpu.enqueue_dma source(%dma_start3A_93 : memref<128xi32, #tpu.memory_space<hbm>>) target(%arg17 : memref<128xi32, #tpu.memory_space<vmem>>) target_semaphore(%run_scoped3A : memref<!tpu.dma_semaphore, #tpu.memory_space<semaphore_mem>>)
        %dma_wait3A_94 = tpu.memref_slice %arg5[%add3A_61] : memref<640000xi32, #tpu.memory_space<hbm>> -> memref<128xi32, #tpu.memory_space<hbm>>
        %dma_wait3A_95 = tpu.memref_slice %arg5[%add3A_61] : memref<640000xi32, #tpu.memory_space<hbm>> -> memref<128xi32, #tpu.memory_space<hbm>>
        tpu.wait_dma2 semaphore(%run_scoped3A : memref<!tpu.dma_semaphore, #tpu.memory_space<semaphore_mem>>) src(%dma_wait3A_95 : memref<128xi32, #tpu.memory_space<hbm>>) dst(%arg17 : memref<128xi32, #tpu.memory_space<vmem>>)
        tpu.yield
      }) : () -> ()
      "tpu.region"() ({
        %run_scoped3A = tpu.sem_alloc : memref<!tpu.dma_semaphore, #tpu.memory_space<semaphore_mem>>
        %dma_start3A_92 = tpu.memref_slice %arg6[%add3A_61] : memref<640000xf32, #tpu.memory_space<hbm>> -> memref<128xf32, #tpu.memory_space<hbm>>
        %dma_start3A_93 = tpu.memref_slice %arg6[%add3A_61] : memref<640000xf32, #tpu.memory_space<hbm>> -> memref<128xf32, #tpu.memory_space<hbm>>
        tpu.enqueue_dma source(%dma_start3A_93 : memref<128xf32, #tpu.memory_space<hbm>>) target(%arg23 : memref<128xf32, #tpu.memory_space<vmem>>) target_semaphore(%run_scoped3A : memref<!tpu.dma_semaphore, #tpu.memory_space<semaphore_mem>>)
        %dma_wait3A_94 = tpu.memref_slice %arg6[%add3A_61] : memref<640000xf32, #tpu.memory_space<hbm>> -> memref<128xf32, #tpu.memory_space<hbm>>
        %dma_wait3A_95 = tpu.memref_slice %arg6[%add3A_61] : memref<640000xf32, #tpu.memory_space<hbm>> -> memref<128xf32, #tpu.memory_space<hbm>>
        tpu.wait_dma2 semaphore(%run_scoped3A : memref<!tpu.dma_semaphore, #tpu.memory_space<semaphore_mem>>) src(%dma_wait3A_95 : memref<128xf32, #tpu.memory_space<hbm>>) dst(%arg23 : memref<128xf32, #tpu.memory_space<vmem>>)
        tpu.yield
      }) : () -> ()
      "tpu.region"() ({
        %run_scoped3A = tpu.sem_alloc : memref<!tpu.dma_semaphore, #tpu.memory_space<semaphore_mem>>
        %dma_start3A_92 = tpu.memref_slice %arg7[%add3A_61] : memref<640000xf32, #tpu.memory_space<hbm>> -> memref<128xf32, #tpu.memory_space<hbm>>
        %dma_start3A_93 = tpu.memref_slice %arg7[%add3A_61] : memref<640000xf32, #tpu.memory_space<hbm>> -> memref<128xf32, #tpu.memory_space<hbm>>
        tpu.enqueue_dma source(%dma_start3A_93 : memref<128xf32, #tpu.memory_space<hbm>>) target(%arg24 : memref<128xf32, #tpu.memory_space<vmem>>) target_semaphore(%run_scoped3A : memref<!tpu.dma_semaphore, #tpu.memory_space<semaphore_mem>>)
        %dma_wait3A_94 = tpu.memref_slice %arg7[%add3A_61] : memref<640000xf32, #tpu.memory_space<hbm>> -> memref<128xf32, #tpu.memory_space<hbm>>
        %dma_wait3A_95 = tpu.memref_slice %arg7[%add3A_61] : memref<640000xf32, #tpu.memory_space<hbm>> -> memref<128xf32, #tpu.memory_space<hbm>>
        tpu.wait_dma2 semaphore(%run_scoped3A : memref<!tpu.dma_semaphore, #tpu.memory_space<semaphore_mem>>) src(%dma_wait3A_95 : memref<128xf32, #tpu.memory_space<hbm>>) dst(%arg24 : memref<128xf32, #tpu.memory_space<vmem>>)
        tpu.yield
      }) : () -> ()
      %dma_start3A = arith.constant 0 : i32
      %dma_start3A_62 = arith.constant 0 : i32
      %dma_start3A_63 = tpu.memref_slice %arg8[%dma_start3A, %dma_start3A_62] : memref<50x32xf32, #tpu.memory_space<hbm>> -> memref<50x32xf32, #tpu.memory_space<hbm>>
      tpu.enqueue_indirect_dma source(%dma_start3A_63 : memref<50x32xf32, #tpu.memory_space<hbm>>) target(%arg18 : memref<128x32xf32, #tpu.memory_space<vmem>>) offsets(%arg14 : memref<128xi32, #tpu.memory_space<vmem>>) semaphore(%arg26 : memref<!tpu.dma_semaphore, #tpu.memory_space<semaphore_mem>>)
      %dma_start3A_64 = arith.constant 0 : i32
      %dma_start3A_65 = arith.constant 0 : i32
      %dma_start3A_66 = tpu.memref_slice %arg9[%dma_start3A_64, %dma_start3A_65] : memref<8x32xf32, #tpu.memory_space<hbm>> -> memref<8x32xf32, #tpu.memory_space<hbm>>
      tpu.enqueue_indirect_dma source(%dma_start3A_66 : memref<8x32xf32, #tpu.memory_space<hbm>>) target(%arg19 : memref<128x32xf32, #tpu.memory_space<vmem>>) offsets(%arg15 : memref<128xi32, #tpu.memory_space<vmem>>) semaphore(%arg26 : memref<!tpu.dma_semaphore, #tpu.memory_space<semaphore_mem>>)
      %dma_start3A_67 = arith.constant 0 : i32
      %dma_start3A_68 = arith.constant 0 : i32
      %dma_start3A_69 = tpu.memref_slice %arg10[%dma_start3A_67, %dma_start3A_68] : memref<252x32xf32, #tpu.memory_space<hbm>> -> memref<252x32xf32, #tpu.memory_space<hbm>>
      tpu.enqueue_indirect_dma source(%dma_start3A_69 : memref<252x32xf32, #tpu.memory_space<hbm>>) target(%arg20 : memref<128x32xf32, #tpu.memory_space<vmem>>) offsets(%arg16 : memref<128xi32, #tpu.memory_space<vmem>>) semaphore(%arg26 : memref<!tpu.dma_semaphore, #tpu.memory_space<semaphore_mem>>)
      %dma_start3A_70 = arith.constant 0 : i32
      %dma_start3A_71 = arith.constant 0 : i32
      %dma_start3A_72 = tpu.memref_slice %arg11[%dma_start3A_70, %dma_start3A_71] : memref<252x32xf32, #tpu.memory_space<hbm>> -> memref<252x32xf32, #tpu.memory_space<hbm>>
      tpu.enqueue_indirect_dma source(%dma_start3A_72 : memref<252x32xf32, #tpu.memory_space<hbm>>) target(%arg21 : memref<128x32xf32, #tpu.memory_space<vmem>>) offsets(%arg17 : memref<128xi32, #tpu.memory_space<vmem>>) semaphore(%arg26 : memref<!tpu.dma_semaphore, #tpu.memory_space<semaphore_mem>>)
      %scan3A_73 = arith.constant 0 : i32
      %scan3A_74 = arith.constant 0 : i32
      %scan3A_75 = arith.constant 8 : i32
      %scan3A_76 = arith.addi %scan3A_74, %scan3A_75 : i32
      %scan3A_77 = arith.constant 1 : i32
      %scan3A_78 = scf.for %scan3A_92 = %scan3A_74 to %scan3A_76 step %scan3A_77 iter_args(%scan3A_93 = %scan3A_73) -> (i32)  : i32 {
        %mul3A_94 = arith.constant 16 : i32
        %mul3A_95 = arith.muli %scan3A_92, %mul3A_94 : i32
        %get3A_96 = arith.index_cast %mul3A_95 : i32 to index
        %get3A_97 = tpu.vector_load %arg23[%get3A_96] {strides = array<i32>} : memref<128xf32, #tpu.memory_space<vmem>>, vector<16xf32>,
        %get3A_98 = vector.shape_cast %get3A_97 : vector<16xf32> to vector<16xf32>
        %mul3A_99 = arith.constant 16 : i32
        %mul3A_100 = arith.muli %scan3A_92, %mul3A_99 : i32
        %get3A_101 = arith.index_cast %mul3A_100 : i32 to index
        %get3A_102 = tpu.vector_load %arg24[%get3A_101] {strides = array<i32>} : memref<128xf32, #tpu.memory_space<vmem>>, vector<16xf32>,
        %get3A_103 = vector.shape_cast %get3A_102 : vector<16xf32> to vector<16xf32>
        %slice3A = vector.extract_strided_slice %get3A_98 {offsets = [0], sizes = [1], strides = [1]} : vector<16xf32> to vector<1xf32>
        %squeeze3A = vector.extract %slice3A[0] : f32 from vector<1xf32>
        %broadcast_in_dim3A = vector.broadcast %squeeze3A : f32 to vector<16xf32>
        %slice3A_104 = vector.extract_strided_slice %get3A_103 {offsets = [0], sizes = [1], strides = [1]} : vector<16xf32> to vector<1xf32>
        %squeeze3A_105 = vector.extract %slice3A_104[0] : f32 from vector<1xf32>
        %broadcast_in_dim3A_106 = vector.broadcast %squeeze3A_105 : f32 to vector<16xf32>
        %mul3A_107 = arith.constant 16 : i32
        %mul3A_108 = arith.muli %scan3A_92, %mul3A_107 : i32
        %add3A_109 = arith.constant 0 : i32
        %add3A_110 = arith.addi %mul3A_108, %add3A_109 : i32
        %mul3A_111 = arith.mulf %broadcast_in_dim3A, %get3A_4 : vector<16xf32>
        %add3A_112 = arith.addf %mul3A_111, %get3A_16 : vector<16xf32>
        %swap3A = arith.index_cast %add3A_110 : i32 to index
        %swap3A_113 = arith.constant 0 : index
        %swap3A_114 = tpu.vector_load %arg22[%swap3A, %swap3A_113] {strides = array<i32>} : memref<128x128xf32, #tpu.memory_space<vmem>>, vector<1x16xf32>,
        %swap3A_115 = vector.shape_cast %swap3A_114 : vector<1x16xf32> to vector<16xf32>
        %swap3A_116 = vector.shape_cast %add3A_112 : vector<16xf32> to vector<1x16xf32>
        tpu.vector_store %arg22[%swap3A, %swap3A_113], %swap3A_116 {strides = array<i32>} : memref<128x128xf32, #tpu.memory_space<vmem>>, vector<1x16xf32>,
        %mul3A_117 = arith.mulf %broadcast_in_dim3A_106, %get3A_28 : vector<16xf32>
        %add3A_118 = arith.addf %mul3A_117, %get3A_40 : vector<16xf32>
        %swap3A_119 = arith.index_cast %add3A_110 : i32 to index
        %swap3A_120 = arith.constant 64 : index
        %swap3A_121 = tpu.vector_load %arg22[%swap3A_119, %swap3A_120] {strides = array<i32>} : memref<128x128xf32, #tpu.memory_space<vmem>>, vector<1x16xf32>,
        %swap3A_122 = vector.shape_cast %swap3A_121 : vector<1x16xf32> to vector<16xf32>
        %swap3A_123 = vector.shape_cast %add3A_118 : vector<16xf32> to vector<1x16xf32>
        tpu.vector_store %arg22[%swap3A_119, %swap3A_120], %swap3A_123 {strides = array<i32>} : memref<128x128xf32, #tpu.memory_space<vmem>>, vector<1x16xf32>,
        %mul3A_124 = arith.mulf %broadcast_in_dim3A, %get3A_7 : vector<16xf32>
        %add3A_125 = arith.addf %mul3A_124, %get3A_19 : vector<16xf32>
        %swap3A_126 = arith.index_cast %add3A_110 : i32 to index
        %swap3A_127 = arith.constant 16 : index
        %swap3A_128 = tpu.vector_load %arg22[%swap3A_126, %swap3A_127] {strides = array<i32>} : memref<128x128xf32, #tpu.memory_space<vmem>>, vector<1x16xf32>,
        %swap3A_129 = vector.shape_cast %swap3A_128 : vector<1x16xf32> to vector<16xf32>
        %swap3A_130 = vector.shape_cast %add3A_125 : vector<16xf32> to vector<1x16xf32>
        tpu.vector_store %arg22[%swap3A_126, %swap3A_127], %swap3A_130 {strides = array<i32>} : memref<128x128xf32, #tpu.memory_space<vmem>>, vector<1x16xf32>,
        %mul3A_131 = arith.mulf %broadcast_in_dim3A_106, %get3A_31 : vector<16xf32>
        %add3A_132 = arith.addf %mul3A_131, %get3A_43 : vector<16xf32>
        %swap3A_133 = arith.index_cast %add3A_110 : i32 to index
        %swap3A_134 = arith.constant 80 : index
        %swap3A_135 = tpu.vector_load %arg22[%swap3A_133, %swap3A_134] {strides = array<i32>} : memref<128x128xf32, #tpu.memory_space<vmem>>, vector<1x16xf32>,
        %swap3A_136 = vector.shape_cast %swap3A_135 : vector<1x16xf32> to vector<16xf32>
        %swap3A_137 = vector.shape_cast %add3A_132 : vector<16xf32> to vector<1x16xf32>
        tpu.vector_store %arg22[%swap3A_133, %swap3A_134], %swap3A_137 {strides = array<i32>} : memref<128x128xf32, #tpu.memory_space<vmem>>, vector<1x16xf32>,
        %mul3A_138 = arith.mulf %broadcast_in_dim3A, %get3A_10 : vector<16xf32>
        %add3A_139 = arith.addf %mul3A_138, %get3A_22 : vector<16xf32>
        %swap3A_140 = arith.index_cast %add3A_110 : i32 to index
        %swap3A_141 = arith.constant 32 : index
        %swap3A_142 = tpu.vector_load %arg22[%swap3A_140, %swap3A_141] {strides = array<i32>} : memref<128x128xf32, #tpu.memory_space<vmem>>, vector<1x16xf32>,
        %swap3A_143 = vector.shape_cast %swap3A_142 : vector<1x16xf32> to vector<16xf32>
        %swap3A_144 = vector.shape_cast %add3A_139 : vector<16xf32> to vector<1x16xf32>
        tpu.vector_store %arg22[%swap3A_140, %swap3A_141], %swap3A_144 {strides = array<i32>} : memref<128x128xf32, #tpu.memory_space<vmem>>, vector<1x16xf32>,
        %mul3A_145 = arith.mulf %broadcast_in_dim3A_106, %get3A_34 : vector<16xf32>
        %add3A_146 = arith.addf %mul3A_145, %get3A_46 : vector<16xf32>
        %swap3A_147 = arith.index_cast %add3A_110 : i32 to index
        %swap3A_148 = arith.constant 96 : index
        %swap3A_149 = tpu.vector_load %arg22[%swap3A_147, %swap3A_148] {strides = array<i32>} : memref<128x128xf32, #tpu.memory_space<vmem>>, vector<1x16xf32>,
        %swap3A_150 = vector.shape_cast %swap3A_149 : vector<1x16xf32> to vector<16xf32>
        %swap3A_151 = vector.shape_cast %add3A_146 : vector<16xf32> to vector<1x16xf32>
        tpu.vector_store %arg22[%swap3A_147, %swap3A_148], %swap3A_151 {strides = array<i32>} : memref<128x128xf32, #tpu.memory_space<vmem>>, vector<1x16xf32>,
        %mul3A_152 = arith.mulf %broadcast_in_dim3A, %get3A_13 : vector<16xf32>
        %add3A_153 = arith.addf %mul3A_152, %get3A_25 : vector<16xf32>
        %swap3A_154 = arith.index_cast %add3A_110 : i32 to index
        %swap3A_155 = arith.constant 48 : index
        %swap3A_156 = tpu.vector_load %arg22[%swap3A_154, %swap3A_155] {strides = array<i32>} : memref<128x128xf32, #tpu.memory_space<vmem>>, vector<1x16xf32>,
        %swap3A_157 = vector.shape_cast %swap3A_156 : vector<1x16xf32> to vector<16xf32>
        %swap3A_158 = vector.shape_cast %add3A_153 : vector<16xf32> to vector<1x16xf32>
        tpu.vector_store %arg22[%swap3A_154, %swap3A_155], %swap3A_158 {strides = array<i32>} : memref<128x128xf32, #tpu.memory_space<vmem>>, vector<1x16xf32>,
        %mul3A_159 = arith.mulf %broadcast_in_dim3A_106, %get3A_37 : vector<16xf32>
        %add3A_160 = arith.addf %mul3A_159, %get3A_49 : vector<16xf32>
        %swap3A_161 = arith.index_cast %add3A_110 : i32 to index
        %swap3A_162 = arith.constant 112 : index
        %swap3A_163 = tpu.vector_load %arg22[%swap3A_161, %swap3A_162] {strides = array<i32>} : memref<128x128xf32, #tpu.memory_space<vmem>>, vector<1x16xf32>,
        %swap3A_164 = vector.shape_cast %swap3A_163 : vector<1x16xf32> to vector<16xf32>
        %swap3A_165 = vector.shape_cast %add3A_160 : vector<16xf32> to vector<1x16xf32>
        tpu.vector_store %arg22[%swap3A_161, %swap3A_162], %swap3A_165 {strides = array<i32>} : memref<128x128xf32, #tpu.memory_space<vmem>>, vector<1x16xf32>,
        %slice3A_166 = vector.extract_strided_slice %get3A_98 {offsets = [1], sizes = [1], strides = [1]} : vector<16xf32> to vector<1xf32>
        %squeeze3A_167 = vector.extract %slice3A_166[0] : f32 from vector<1xf32>
        %broadcast_in_dim3A_168 = vector.broadcast %squeeze3A_167 : f32 to vector<16xf32>
        %slice3A_169 = vector.extract_strided_slice %get3A_103 {offsets = [1], sizes = [1], strides = [1]} : vector<16xf32> to vector<1xf32>
        %squeeze3A_170 = vector.extract %slice3A_169[0] : f32 from vector<1xf32>
        %broadcast_in_dim3A_171 = vector.broadcast %squeeze3A_170 : f32 to vector<16xf32>
        %mul3A_172 = arith.constant 16 : i32
        %mul3A_173 = arith.muli %scan3A_92, %mul3A_172 : i32
        %add3A_174 = arith.constant 1 : i32
        %add3A_175 = arith.addi %mul3A_173, %add3A_174 : i32
        %mul3A_176 = arith.mulf %broadcast_in_dim3A_168, %get3A_4 : vector<16xf32>
        %add3A_177 = arith.addf %mul3A_176, %get3A_16 : vector<16xf32>
        %swap3A_178 = arith.index_cast %add3A_175 : i32 to index
        %swap3A_179 = arith.constant 0 : index
        %swap3A_180 = tpu.vector_load %arg22[%swap3A_178, %swap3A_179] {strides = array<i32>} : memref<128x128xf32, #tpu.memory_space<vmem>>, vector<1x16xf32>,
        %swap3A_181 = vector.shape_cast %swap3A_180 : vector<1x16xf32> to vector<16xf32>
        %swap3A_182 = vector.shape_cast %add3A_177 : vector<16xf32> to vector<1x16xf32>
        tpu.vector_store %arg22[%swap3A_178, %swap3A_179], %swap3A_182 {strides = array<i32>} : memref<128x128xf32, #tpu.memory_space<vmem>>, vector<1x16xf32>,
        %mul3A_183 = arith.mulf %broadcast_in_dim3A_171, %get3A_28 : vector<16xf32>
        %add3A_184 = arith.addf %mul3A_183, %get3A_40 : vector<16xf32>
        %swap3A_185 = arith.index_cast %add3A_175 : i32 to index
        %swap3A_186 = arith.constant 64 : index
        %swap3A_187 = tpu.vector_load %arg22[%swap3A_185, %swap3A_186] {strides = array<i32>} : memref<128x128xf32, #tpu.memory_space<vmem>>, vector<1x16xf32>,
        %swap3A_188 = vector.shape_cast %swap3A_187 : vector<1x16xf32> to vector<16xf32>
        %swap3A_189 = vector.shape_cast %add3A_184 : vector<16xf32> to vector<1x16xf32>
        tpu.vector_store %arg22[%swap3A_185, %swap3A_186], %swap3A_189 {strides = array<i32>} : memref<128x128xf32, #tpu.memory_space<vmem>>, vector<1x16xf32>,
        %mul3A_190 = arith.mulf %broadcast_in_dim3A_168, %get3A_7 : vector<16xf32>
        %add3A_191 = arith.addf %mul3A_190, %get3A_19 : vector<16xf32>
        %swap3A_192 = arith.index_cast %add3A_175 : i32 to index
        %swap3A_193 = arith.constant 16 : index
        %swap3A_194 = tpu.vector_load %arg22[%swap3A_192, %swap3A_193] {strides = array<i32>} : memref<128x128xf32, #tpu.memory_space<vmem>>, vector<1x16xf32>,
        %swap3A_195 = vector.shape_cast %swap3A_194 : vector<1x16xf32> to vector<16xf32>
        %swap3A_196 = vector.shape_cast %add3A_191 : vector<16xf32> to vector<1x16xf32>
        tpu.vector_store %arg22[%swap3A_192, %swap3A_193], %swap3A_196 {strides = array<i32>} : memref<128x128xf32, #tpu.memory_space<vmem>>, vector<1x16xf32>,
        %mul3A_197 = arith.mulf %broadcast_in_dim3A_171, %get3A_31 : vector<16xf32>
        %add3A_198 = arith.addf %mul3A_197, %get3A_43 : vector<16xf32>
        %swap3A_199 = arith.index_cast %add3A_175 : i32 to index
        %swap3A_200 = arith.constant 80 : index
        %swap3A_201 = tpu.vector_load %arg22[%swap3A_199, %swap3A_200] {strides = array<i32>} : memref<128x128xf32, #tpu.memory_space<vmem>>, vector<1x16xf32>,
        %swap3A_202 = vector.shape_cast %swap3A_201 : vector<1x16xf32> to vector<16xf32>
        %swap3A_203 = vector.shape_cast %add3A_198 : vector<16xf32> to vector<1x16xf32>
        tpu.vector_store %arg22[%swap3A_199, %swap3A_200], %swap3A_203 {strides = array<i32>} : memref<128x128xf32, #tpu.memory_space<vmem>>, vector<1x16xf32>,
        %mul3A_204 = arith.mulf %broadcast_in_dim3A_168, %get3A_10 : vector<16xf32>
        %add3A_205 = arith.addf %mul3A_204, %get3A_22 : vector<16xf32>
        %swap3A_206 = arith.index_cast %add3A_175 : i32 to index
        %swap3A_207 = arith.constant 32 : index
        %swap3A_208 = tpu.vector_load %arg22[%swap3A_206, %swap3A_207] {strides = array<i32>} : memref<128x128xf32, #tpu.memory_space<vmem>>, vector<1x16xf32>,
        %swap3A_209 = vector.shape_cast %swap3A_208 : vector<1x16xf32> to vector<16xf32>
        %swap3A_210 = vector.shape_cast %add3A_205 : vector<16xf32> to vector<1x16xf32>
        tpu.vector_store %arg22[%swap3A_206, %swap3A_207], %swap3A_210 {strides = array<i32>} : memref<128x128xf32, #tpu.memory_space<vmem>>, vector<1x16xf32>,
        %mul3A_211 = arith.mulf %broadcast_in_dim3A_171, %get3A_34 : vector<16xf32>
        %add3A_212 = arith.addf %mul3A_211, %get3A_46 : vector<16xf32>
        %swap3A_213 = arith.index_cast %add3A_175 : i32 to index
        %swap3A_214 = arith.constant 96 : index
        %swap3A_215 = tpu.vector_load %arg22[%swap3A_213, %swap3A_214] {strides = array<i32>} : memref<128x128xf32, #tpu.memory_space<vmem>>, vector<1x16xf32>,
        %swap3A_216 = vector.shape_cast %swap3A_215 : vector<1x16xf32> to vector<16xf32>
        %swap3A_217 = vector.shape_cast %add3A_212 : vector<16xf32> to vector<1x16xf32>
        tpu.vector_store %arg22[%swap3A_213, %swap3A_214], %swap3A_217 {strides = array<i32>} : memref<128x128xf32, #tpu.memory_space<vmem>>, vector<1x16xf32>,
        %mul3A_218 = arith.mulf %broadcast_in_dim3A_168, %get3A_13 : vector<16xf32>
        %add3A_219 = arith.addf %mul3A_218, %get3A_25 : vector<16xf32>
        %swap3A_220 = arith.index_cast %add3A_175 : i32 to index
        %swap3A_221 = arith.constant 48 : index
        %swap3A_222 = tpu.vector_load %arg22[%swap3A_220, %swap3A_221] {strides = array<i32>} : memref<128x128xf32, #tpu.memory_space<vmem>>, vector<1x16xf32>,
        %swap3A_223 = vector.shape_cast %swap3A_222 : vector<1x16xf32> to vector<16xf32>
        %swap3A_224 = vector.shape_cast %add3A_219 : vector<16xf32> to vector<1x16xf32>
        tpu.vector_store %arg22[%swap3A_220, %swap3A_221], %swap3A_224 {strides = array<i32>} : memref<128x128xf32, #tpu.memory_space<vmem>>, vector<1x16xf32>,
        %mul3A_225 = arith.mulf %broadcast_in_dim3A_171, %get3A_37 : vector<16xf32>
        %add3A_226 = arith.addf %mul3A_225, %get3A_49 : vector<16xf32>
        %swap3A_227 = arith.index_cast %add3A_175 : i32 to index
        %swap3A_228 = arith.constant 112 : index
        %swap3A_229 = tpu.vector_load %arg22[%swap3A_227, %swap3A_228] {strides = array<i32>} : memref<128x128xf32, #tpu.memory_space<vmem>>, vector<1x16xf32>,
        %swap3A_230 = vector.shape_cast %swap3A_229 : vector<1x16xf32> to vector<16xf32>
        %swap3A_231 = vector.shape_cast %add3A_226 : vector<16xf32> to vector<1x16xf32>
        tpu.vector_store %arg22[%swap3A_227, %swap3A_228], %swap3A_231 {strides = array<i32>} : memref<128x128xf32, #tpu.memory_space<vmem>>, vector<1x16xf32>,
        %slice3A_232 = vector.extract_strided_slice %get3A_98 {offsets = [2], sizes = [1], strides = [1]} : vector<16xf32> to vector<1xf32>
        %squeeze3A_233 = vector.extract %slice3A_232[0] : f32 from vector<1xf32>
        %broadcast_in_dim3A_234 = vector.broadcast %squeeze3A_233 : f32 to vector<16xf32>
        %slice3A_235 = vector.extract_strided_slice %get3A_103 {offsets = [2], sizes = [1], strides = [1]} : vector<16xf32> to vector<1xf32>
        %squeeze3A_236 = vector.extract %slice3A_235[0] : f32 from vector<1xf32>
        %broadcast_in_dim3A_237 = vector.broadcast %squeeze3A_236 : f32 to vector<16xf32>
        %mul3A_238 = arith.constant 16 : i32
        %mul3A_239 = arith.muli %scan3A_92, %mul3A_238 : i32
        %add3A_240 = arith.constant 2 : i32
        %add3A_241 = arith.addi %mul3A_239, %add3A_240 : i32
        %mul3A_242 = arith.mulf %broadcast_in_dim3A_234, %get3A_4 : vector<16xf32>
        %add3A_243 = arith.addf %mul3A_242, %get3A_16 : vector<16xf32>
        %swap3A_244 = arith.index_cast %add3A_241 : i32 to index
        %swap3A_245 = arith.constant 0 : index
        %swap3A_246 = tpu.vector_load %arg22[%swap3A_244, %swap3A_245] {strides = array<i32>} : memref<128x128xf32, #tpu.memory_space<vmem>>, vector<1x16xf32>,
        %swap3A_247 = vector.shape_cast %swap3A_246 : vector<1x16xf32> to vector<16xf32>
        %swap3A_248 = vector.shape_cast %add3A_243 : vector<16xf32> to vector<1x16xf32>
        tpu.vector_store %arg22[%swap3A_244, %swap3A_245], %swap3A_248 {strides = array<i32>} : memref<128x128xf32, #tpu.memory_space<vmem>>, vector<1x16xf32>,
        %mul3A_249 = arith.mulf %broadcast_in_dim3A_237, %get3A_28 : vector<16xf32>
        %add3A_250 = arith.addf %mul3A_249, %get3A_40 : vector<16xf32>
        %swap3A_251 = arith.index_cast %add3A_241 : i32 to index
        %swap3A_252 = arith.constant 64 : index
        %swap3A_253 = tpu.vector_load %arg22[%swap3A_251, %swap3A_252] {strides = array<i32>} : memref<128x128xf32, #tpu.memory_space<vmem>>, vector<1x16xf32>,
        %swap3A_254 = vector.shape_cast %swap3A_253 : vector<1x16xf32> to vector<16xf32>
        %swap3A_255 = vector.shape_cast %add3A_250 : vector<16xf32> to vector<1x16xf32>
        tpu.vector_store %arg22[%swap3A_251, %swap3A_252], %swap3A_255 {strides = array<i32>} : memref<128x128xf32, #tpu.memory_space<vmem>>, vector<1x16xf32>,
        %mul3A_256 = arith.mulf %broadcast_in_dim3A_234, %get3A_7 : vector<16xf32>
        %add3A_257 = arith.addf %mul3A_256, %get3A_19 : vector<16xf32>
        %swap3A_258 = arith.index_cast %add3A_241 : i32 to index
        %swap3A_259 = arith.constant 16 : index
        %swap3A_260 = tpu.vector_load %arg22[%swap3A_258, %swap3A_259] {strides = array<i32>} : memref<128x128xf32, #tpu.memory_space<vmem>>, vector<1x16xf32>,
        %swap3A_261 = vector.shape_cast %swap3A_260 : vector<1x16xf32> to vector<16xf32>
        %swap3A_262 = vector.shape_cast %add3A_257 : vector<16xf32> to vector<1x16xf32>
        tpu.vector_store %arg22[%swap3A_258, %swap3A_259], %swap3A_262 {strides = array<i32>} : memref<128x128xf32, #tpu.memory_space<vmem>>, vector<1x16xf32>,
        %mul3A_263 = arith.mulf %broadcast_in_dim3A_237, %get3A_31 : vector<16xf32>
        %add3A_264 = arith.addf %mul3A_263, %get3A_43 : vector<16xf32>
        %swap3A_265 = arith.index_cast %add3A_241 : i32 to index
        %swap3A_266 = arith.constant 80 : index
        %swap3A_267 = tpu.vector_load %arg22[%swap3A_265, %swap3A_266] {strides = array<i32>} : memref<128x128xf32, #tpu.memory_space<vmem>>, vector<1x16xf32>,
        %swap3A_268 = vector.shape_cast %swap3A_267 : vector<1x16xf32> to vector<16xf32>
        %swap3A_269 = vector.shape_cast %add3A_264 : vector<16xf32> to vector<1x16xf32>
        tpu.vector_store %arg22[%swap3A_265, %swap3A_266], %swap3A_269 {strides = array<i32>} : memref<128x128xf32, #tpu.memory_space<vmem>>, vector<1x16xf32>,
        %mul3A_270 = arith.mulf %broadcast_in_dim3A_234, %get3A_10 : vector<16xf32>
        %add3A_271 = arith.addf %mul3A_270, %get3A_22 : vector<16xf32>
        %swap3A_272 = arith.index_cast %add3A_241 : i32 to index
        %swap3A_273 = arith.constant 32 : index
        %swap3A_274 = tpu.vector_load %arg22[%swap3A_272, %swap3A_273] {strides = array<i32>} : memref<128x128xf32, #tpu.memory_space<vmem>>, vector<1x16xf32>,
        %swap3A_275 = vector.shape_cast %swap3A_274 : vector<1x16xf32> to vector<16xf32>
        %swap3A_276 = vector.shape_cast %add3A_271 : vector<16xf32> to vector<1x16xf32>
        tpu.vector_store %arg22[%swap3A_272, %swap3A_273], %swap3A_276 {strides = array<i32>} : memref<128x128xf32, #tpu.memory_space<vmem>>, vector<1x16xf32>,
        %mul3A_277 = arith.mulf %broadcast_in_dim3A_237, %get3A_34 : vector<16xf32>
        %add3A_278 = arith.addf %mul3A_277, %get3A_46 : vector<16xf32>
        %swap3A_279 = arith.index_cast %add3A_241 : i32 to index
        %swap3A_280 = arith.constant 96 : index
        %swap3A_281 = tpu.vector_load %arg22[%swap3A_279, %swap3A_280] {strides = array<i32>} : memref<128x128xf32, #tpu.memory_space<vmem>>, vector<1x16xf32>,
        %swap3A_282 = vector.shape_cast %swap3A_281 : vector<1x16xf32> to vector<16xf32>
        %swap3A_283 = vector.shape_cast %add3A_278 : vector<16xf32> to vector<1x16xf32>
        tpu.vector_store %arg22[%swap3A_279, %swap3A_280], %swap3A_283 {strides = array<i32>} : memref<128x128xf32, #tpu.memory_space<vmem>>, vector<1x16xf32>,
        %mul3A_284 = arith.mulf %broadcast_in_dim3A_234, %get3A_13 : vector<16xf32>
        %add3A_285 = arith.addf %mul3A_284, %get3A_25 : vector<16xf32>
        %swap3A_286 = arith.index_cast %add3A_241 : i32 to index
        %swap3A_287 = arith.constant 48 : index
        %swap3A_288 = tpu.vector_load %arg22[%swap3A_286, %swap3A_287] {strides = array<i32>} : memref<128x128xf32, #tpu.memory_space<vmem>>, vector<1x16xf32>,
        %swap3A_289 = vector.shape_cast %swap3A_288 : vector<1x16xf32> to vector<16xf32>
        %swap3A_290 = vector.shape_cast %add3A_285 : vector<16xf32> to vector<1x16xf32>
        tpu.vector_store %arg22[%swap3A_286, %swap3A_287], %swap3A_290 {strides = array<i32>} : memref<128x128xf32, #tpu.memory_space<vmem>>, vector<1x16xf32>,
        %mul3A_291 = arith.mulf %broadcast_in_dim3A_237, %get3A_37 : vector<16xf32>
        %add3A_292 = arith.addf %mul3A_291, %get3A_49 : vector<16xf32>
        %swap3A_293 = arith.index_cast %add3A_241 : i32 to index
        %swap3A_294 = arith.constant 112 : index
        %swap3A_295 = tpu.vector_load %arg22[%swap3A_293, %swap3A_294] {strides = array<i32>} : memref<128x128xf32, #tpu.memory_space<vmem>>, vector<1x16xf32>,
        %swap3A_296 = vector.shape_cast %swap3A_295 : vector<1x16xf32> to vector<16xf32>
        %swap3A_297 = vector.shape_cast %add3A_292 : vector<16xf32> to vector<1x16xf32>
        tpu.vector_store %arg22[%swap3A_293, %swap3A_294], %swap3A_297 {strides = array<i32>} : memref<128x128xf32, #tpu.memory_space<vmem>>, vector<1x16xf32>,
        %slice3A_298 = vector.extract_strided_slice %get3A_98 {offsets = [3], sizes = [1], strides = [1]} : vector<16xf32> to vector<1xf32>
        %squeeze3A_299 = vector.extract %slice3A_298[0] : f32 from vector<1xf32>
        %broadcast_in_dim3A_300 = vector.broadcast %squeeze3A_299 : f32 to vector<16xf32>
        %slice3A_301 = vector.extract_strided_slice %get3A_103 {offsets = [3], sizes = [1], strides = [1]} : vector<16xf32> to vector<1xf32>
        %squeeze3A_302 = vector.extract %slice3A_301[0] : f32 from vector<1xf32>
        %broadcast_in_dim3A_303 = vector.broadcast %squeeze3A_302 : f32 to vector<16xf32>
        %mul3A_304 = arith.constant 16 : i32
        %mul3A_305 = arith.muli %scan3A_92, %mul3A_304 : i32
        %add3A_306 = arith.constant 3 : i32
        %add3A_307 = arith.addi %mul3A_305, %add3A_306 : i32
        %mul3A_308 = arith.mulf %broadcast_in_dim3A_300, %get3A_4 : vector<16xf32>
        %add3A_309 = arith.addf %mul3A_308, %get3A_16 : vector<16xf32>
        %swap3A_310 = arith.index_cast %add3A_307 : i32 to index
        %swap3A_311 = arith.constant 0 : index
        %swap3A_312 = tpu.vector_load %arg22[%swap3A_310, %swap3A_311] {strides = array<i32>} : memref<128x128xf32, #tpu.memory_space<vmem>>, vector<1x16xf32>,
        %swap3A_313 = vector.shape_cast %swap3A_312 : vector<1x16xf32> to vector<16xf32>
        %swap3A_314 = vector.shape_cast %add3A_309 : vector<16xf32> to vector<1x16xf32>
        tpu.vector_store %arg22[%swap3A_310, %swap3A_311], %swap3A_314 {strides = array<i32>} : memref<128x128xf32, #tpu.memory_space<vmem>>, vector<1x16xf32>,
        %mul3A_315 = arith.mulf %broadcast_in_dim3A_303, %get3A_28 : vector<16xf32>
        %add3A_316 = arith.addf %mul3A_315, %get3A_40 : vector<16xf32>
        %swap3A_317 = arith.index_cast %add3A_307 : i32 to index
        %swap3A_318 = arith.constant 64 : index
        %swap3A_319 = tpu.vector_load %arg22[%swap3A_317, %swap3A_318] {strides = array<i32>} : memref<128x128xf32, #tpu.memory_space<vmem>>, vector<1x16xf32>,
        %swap3A_320 = vector.shape_cast %swap3A_319 : vector<1x16xf32> to vector<16xf32>
        %swap3A_321 = vector.shape_cast %add3A_316 : vector<16xf32> to vector<1x16xf32>
        tpu.vector_store %arg22[%swap3A_317, %swap3A_318], %swap3A_321 {strides = array<i32>} : memref<128x128xf32, #tpu.memory_space<vmem>>, vector<1x16xf32>,
        %mul3A_322 = arith.mulf %broadcast_in_dim3A_300, %get3A_7 : vector<16xf32>
        %add3A_323 = arith.addf %mul3A_322, %get3A_19 : vector<16xf32>
        %swap3A_324 = arith.index_cast %add3A_307 : i32 to index
        %swap3A_325 = arith.constant 16 : index
        %swap3A_326 = tpu.vector_load %arg22[%swap3A_324, %swap3A_325] {strides = array<i32>} : memref<128x128xf32, #tpu.memory_space<vmem>>, vector<1x16xf32>,
        %swap3A_327 = vector.shape_cast %swap3A_326 : vector<1x16xf32> to vector<16xf32>
        %swap3A_328 = vector.shape_cast %add3A_323 : vector<16xf32> to vector<1x16xf32>
        tpu.vector_store %arg22[%swap3A_324, %swap3A_325], %swap3A_328 {strides = array<i32>} : memref<128x128xf32, #tpu.memory_space<vmem>>, vector<1x16xf32>,
        %mul3A_329 = arith.mulf %broadcast_in_dim3A_303, %get3A_31 : vector<16xf32>
        %add3A_330 = arith.addf %mul3A_329, %get3A_43 : vector<16xf32>
        %swap3A_331 = arith.index_cast %add3A_307 : i32 to index
        %swap3A_332 = arith.constant 80 : index
        %swap3A_333 = tpu.vector_load %arg22[%swap3A_331, %swap3A_332] {strides = array<i32>} : memref<128x128xf32, #tpu.memory_space<vmem>>, vector<1x16xf32>,
        %swap3A_334 = vector.shape_cast %swap3A_333 : vector<1x16xf32> to vector<16xf32>
        %swap3A_335 = vector.shape_cast %add3A_330 : vector<16xf32> to vector<1x16xf32>
        tpu.vector_store %arg22[%swap3A_331, %swap3A_332], %swap3A_335 {strides = array<i32>} : memref<128x128xf32, #tpu.memory_space<vmem>>, vector<1x16xf32>,
        %mul3A_336 = arith.mulf %broadcast_in_dim3A_300, %get3A_10 : vector<16xf32>
        %add3A_337 = arith.addf %mul3A_336, %get3A_22 : vector<16xf32>
        %swap3A_338 = arith.index_cast %add3A_307 : i32 to index
        %swap3A_339 = arith.constant 32 : index
        %swap3A_340 = tpu.vector_load %arg22[%swap3A_338, %swap3A_339] {strides = array<i32>} : memref<128x128xf32, #tpu.memory_space<vmem>>, vector<1x16xf32>,
        %swap3A_341 = vector.shape_cast %swap3A_340 : vector<1x16xf32> to vector<16xf32>
        %swap3A_342 = vector.shape_cast %add3A_337 : vector<16xf32> to vector<1x16xf32>
        tpu.vector_store %arg22[%swap3A_338, %swap3A_339], %swap3A_342 {strides = array<i32>} : memref<128x128xf32, #tpu.memory_space<vmem>>, vector<1x16xf32>,
        %mul3A_343 = arith.mulf %broadcast_in_dim3A_303, %get3A_34 : vector<16xf32>
        %add3A_344 = arith.addf %mul3A_343, %get3A_46 : vector<16xf32>
        %swap3A_345 = arith.index_cast %add3A_307 : i32 to index
        %swap3A_346 = arith.constant 96 : index
        %swap3A_347 = tpu.vector_load %arg22[%swap3A_345, %swap3A_346] {strides = array<i32>} : memref<128x128xf32, #tpu.memory_space<vmem>>, vector<1x16xf32>,
        %swap3A_348 = vector.shape_cast %swap3A_347 : vector<1x16xf32> to vector<16xf32>
        %swap3A_349 = vector.shape_cast %add3A_344 : vector<16xf32> to vector<1x16xf32>
        tpu.vector_store %arg22[%swap3A_345, %swap3A_346], %swap3A_349 {strides = array<i32>} : memref<128x128xf32, #tpu.memory_space<vmem>>, vector<1x16xf32>,
        %mul3A_350 = arith.mulf %broadcast_in_dim3A_300, %get3A_13 : vector<16xf32>
        %add3A_351 = arith.addf %mul3A_350, %get3A_25 : vector<16xf32>
        %swap3A_352 = arith.index_cast %add3A_307 : i32 to index
        %swap3A_353 = arith.constant 48 : index
        %swap3A_354 = tpu.vector_load %arg22[%swap3A_352, %swap3A_353] {strides = array<i32>} : memref<128x128xf32, #tpu.memory_space<vmem>>, vector<1x16xf32>,
        %swap3A_355 = vector.shape_cast %swap3A_354 : vector<1x16xf32> to vector<16xf32>
        %swap3A_356 = vector.shape_cast %add3A_351 : vector<16xf32> to vector<1x16xf32>
        tpu.vector_store %arg22[%swap3A_352, %swap3A_353], %swap3A_356 {strides = array<i32>} : memref<128x128xf32, #tpu.memory_space<vmem>>, vector<1x16xf32>,
        %mul3A_357 = arith.mulf %broadcast_in_dim3A_303, %get3A_37 : vector<16xf32>
        %add3A_358 = arith.addf %mul3A_357, %get3A_49 : vector<16xf32>
        %swap3A_359 = arith.index_cast %add3A_307 : i32 to index
        %swap3A_360 = arith.constant 112 : index
        %swap3A_361 = tpu.vector_load %arg22[%swap3A_359, %swap3A_360] {strides = array<i32>} : memref<128x128xf32, #tpu.memory_space<vmem>>, vector<1x16xf32>,
        %swap3A_362 = vector.shape_cast %swap3A_361 : vector<1x16xf32> to vector<16xf32>
        %swap3A_363 = vector.shape_cast %add3A_358 : vector<16xf32> to vector<1x16xf32>
        tpu.vector_store %arg22[%swap3A_359, %swap3A_360], %swap3A_363 {strides = array<i32>} : memref<128x128xf32, #tpu.memory_space<vmem>>, vector<1x16xf32>,
        %slice3A_364 = vector.extract_strided_slice %get3A_98 {offsets = [4], sizes = [1], strides = [1]} : vector<16xf32> to vector<1xf32>
        %squeeze3A_365 = vector.extract %slice3A_364[0] : f32 from vector<1xf32>
        %broadcast_in_dim3A_366 = vector.broadcast %squeeze3A_365 : f32 to vector<16xf32>
        %slice3A_367 = vector.extract_strided_slice %get3A_103 {offsets = [4], sizes = [1], strides = [1]} : vector<16xf32> to vector<1xf32>
        %squeeze3A_368 = vector.extract %slice3A_367[0] : f32 from vector<1xf32>
        %broadcast_in_dim3A_369 = vector.broadcast %squeeze3A_368 : f32 to vector<16xf32>
        %mul3A_370 = arith.constant 16 : i32
        %mul3A_371 = arith.muli %scan3A_92, %mul3A_370 : i32
        %add3A_372 = arith.constant 4 : i32
        %add3A_373 = arith.addi %mul3A_371, %add3A_372 : i32
        %mul3A_374 = arith.mulf %broadcast_in_dim3A_366, %get3A_4 : vector<16xf32>
        %add3A_375 = arith.addf %mul3A_374, %get3A_16 : vector<16xf32>
        %swap3A_376 = arith.index_cast %add3A_373 : i32 to index
        %swap3A_377 = arith.constant 0 : index
        %swap3A_378 = tpu.vector_load %arg22[%swap3A_376, %swap3A_377] {strides = array<i32>} : memref<128x128xf32, #tpu.memory_space<vmem>>, vector<1x16xf32>,
        %swap3A_379 = vector.shape_cast %swap3A_378 : vector<1x16xf32> to vector<16xf32>
        %swap3A_380 = vector.shape_cast %add3A_375 : vector<16xf32> to vector<1x16xf32>
        tpu.vector_store %arg22[%swap3A_376, %swap3A_377], %swap3A_380 {strides = array<i32>} : memref<128x128xf32, #tpu.memory_space<vmem>>, vector<1x16xf32>,
        %mul3A_381 = arith.mulf %broadcast_in_dim3A_369, %get3A_28 : vector<16xf32>
        %add3A_382 = arith.addf %mul3A_381, %get3A_40 : vector<16xf32>
        %swap3A_383 = arith.index_cast %add3A_373 : i32 to index
        %swap3A_384 = arith.constant 64 : index
        %swap3A_385 = tpu.vector_load %arg22[%swap3A_383, %swap3A_384] {strides = array<i32>} : memref<128x128xf32, #tpu.memory_space<vmem>>, vector<1x16xf32>,
        %swap3A_386 = vector.shape_cast %swap3A_385 : vector<1x16xf32> to vector<16xf32>
        %swap3A_387 = vector.shape_cast %add3A_382 : vector<16xf32> to vector<1x16xf32>
        tpu.vector_store %arg22[%swap3A_383, %swap3A_384], %swap3A_387 {strides = array<i32>} : memref<128x128xf32, #tpu.memory_space<vmem>>, vector<1x16xf32>,
        %mul3A_388 = arith.mulf %broadcast_in_dim3A_366, %get3A_7 : vector<16xf32>
        %add3A_389 = arith.addf %mul3A_388, %get3A_19 : vector<16xf32>
        %swap3A_390 = arith.index_cast %add3A_373 : i32 to index
        %swap3A_391 = arith.constant 16 : index
        %swap3A_392 = tpu.vector_load %arg22[%swap3A_390, %swap3A_391] {strides = array<i32>} : memref<128x128xf32, #tpu.memory_space<vmem>>, vector<1x16xf32>,
        %swap3A_393 = vector.shape_cast %swap3A_392 : vector<1x16xf32> to vector<16xf32>
        %swap3A_394 = vector.shape_cast %add3A_389 : vector<16xf32> to vector<1x16xf32>
        tpu.vector_store %arg22[%swap3A_390, %swap3A_391], %swap3A_394 {strides = array<i32>} : memref<128x128xf32, #tpu.memory_space<vmem>>, vector<1x16xf32>,
        %mul3A_395 = arith.mulf %broadcast_in_dim3A_369, %get3A_31 : vector<16xf32>
        %add3A_396 = arith.addf %mul3A_395, %get3A_43 : vector<16xf32>
        %swap3A_397 = arith.index_cast %add3A_373 : i32 to index
        %swap3A_398 = arith.constant 80 : index
        %swap3A_399 = tpu.vector_load %arg22[%swap3A_397, %swap3A_398] {strides = array<i32>} : memref<128x128xf32, #tpu.memory_space<vmem>>, vector<1x16xf32>,
        %swap3A_400 = vector.shape_cast %swap3A_399 : vector<1x16xf32> to vector<16xf32>
        %swap3A_401 = vector.shape_cast %add3A_396 : vector<16xf32> to vector<1x16xf32>
        tpu.vector_store %arg22[%swap3A_397, %swap3A_398], %swap3A_401 {strides = array<i32>} : memref<128x128xf32, #tpu.memory_space<vmem>>, vector<1x16xf32>,
        %mul3A_402 = arith.mulf %broadcast_in_dim3A_366, %get3A_10 : vector<16xf32>
        %add3A_403 = arith.addf %mul3A_402, %get3A_22 : vector<16xf32>
        %swap3A_404 = arith.index_cast %add3A_373 : i32 to index
        %swap3A_405 = arith.constant 32 : index
        %swap3A_406 = tpu.vector_load %arg22[%swap3A_404, %swap3A_405] {strides = array<i32>} : memref<128x128xf32, #tpu.memory_space<vmem>>, vector<1x16xf32>,
        %swap3A_407 = vector.shape_cast %swap3A_406 : vector<1x16xf32> to vector<16xf32>
        %swap3A_408 = vector.shape_cast %add3A_403 : vector<16xf32> to vector<1x16xf32>
        tpu.vector_store %arg22[%swap3A_404, %swap3A_405], %swap3A_408 {strides = array<i32>} : memref<128x128xf32, #tpu.memory_space<vmem>>, vector<1x16xf32>,
        %mul3A_409 = arith.mulf %broadcast_in_dim3A_369, %get3A_34 : vector<16xf32>
        %add3A_410 = arith.addf %mul3A_409, %get3A_46 : vector<16xf32>
        %swap3A_411 = arith.index_cast %add3A_373 : i32 to index
        %swap3A_412 = arith.constant 96 : index
        %swap3A_413 = tpu.vector_load %arg22[%swap3A_411, %swap3A_412] {strides = array<i32>} : memref<128x128xf32, #tpu.memory_space<vmem>>, vector<1x16xf32>,
        %swap3A_414 = vector.shape_cast %swap3A_413 : vector<1x16xf32> to vector<16xf32>
        %swap3A_415 = vector.shape_cast %add3A_410 : vector<16xf32> to vector<1x16xf32>
        tpu.vector_store %arg22[%swap3A_411, %swap3A_412], %swap3A_415 {strides = array<i32>} : memref<128x128xf32, #tpu.memory_space<vmem>>, vector<1x16xf32>,
        %mul3A_416 = arith.mulf %broadcast_in_dim3A_366, %get3A_13 : vector<16xf32>
        %add3A_417 = arith.addf %mul3A_416, %get3A_25 : vector<16xf32>
        %swap3A_418 = arith.index_cast %add3A_373 : i32 to index
        %swap3A_419 = arith.constant 48 : index
        %swap3A_420 = tpu.vector_load %arg22[%swap3A_418, %swap3A_419] {strides = array<i32>} : memref<128x128xf32, #tpu.memory_space<vmem>>, vector<1x16xf32>,
        %swap3A_421 = vector.shape_cast %swap3A_420 : vector<1x16xf32> to vector<16xf32>
        %swap3A_422 = vector.shape_cast %add3A_417 : vector<16xf32> to vector<1x16xf32>
        tpu.vector_store %arg22[%swap3A_418, %swap3A_419], %swap3A_422 {strides = array<i32>} : memref<128x128xf32, #tpu.memory_space<vmem>>, vector<1x16xf32>,
        %mul3A_423 = arith.mulf %broadcast_in_dim3A_369, %get3A_37 : vector<16xf32>
        %add3A_424 = arith.addf %mul3A_423, %get3A_49 : vector<16xf32>
        %swap3A_425 = arith.index_cast %add3A_373 : i32 to index
        %swap3A_426 = arith.constant 112 : index
        %swap3A_427 = tpu.vector_load %arg22[%swap3A_425, %swap3A_426] {strides = array<i32>} : memref<128x128xf32, #tpu.memory_space<vmem>>, vector<1x16xf32>,
        %swap3A_428 = vector.shape_cast %swap3A_427 : vector<1x16xf32> to vector<16xf32>
        %swap3A_429 = vector.shape_cast %add3A_424 : vector<16xf32> to vector<1x16xf32>
        tpu.vector_store %arg22[%swap3A_425, %swap3A_426], %swap3A_429 {strides = array<i32>} : memref<128x128xf32, #tpu.memory_space<vmem>>, vector<1x16xf32>,
        %slice3A_430 = vector.extract_strided_slice %get3A_98 {offsets = [5], sizes = [1], strides = [1]} : vector<16xf32> to vector<1xf32>
        %squeeze3A_431 = vector.extract %slice3A_430[0] : f32 from vector<1xf32>
        %broadcast_in_dim3A_432 = vector.broadcast %squeeze3A_431 : f32 to vector<16xf32>
        %slice3A_433 = vector.extract_strided_slice %get3A_103 {offsets = [5], sizes = [1], strides = [1]} : vector<16xf32> to vector<1xf32>
        %squeeze3A_434 = vector.extract %slice3A_433[0] : f32 from vector<1xf32>
        %broadcast_in_dim3A_435 = vector.broadcast %squeeze3A_434 : f32 to vector<16xf32>
        %mul3A_436 = arith.constant 16 : i32
        %mul3A_437 = arith.muli %scan3A_92, %mul3A_436 : i32
        %add3A_438 = arith.constant 5 : i32
        %add3A_439 = arith.addi %mul3A_437, %add3A_438 : i32
        %mul3A_440 = arith.mulf %broadcast_in_dim3A_432, %get3A_4 : vector<16xf32>
        %add3A_441 = arith.addf %mul3A_440, %get3A_16 : vector<16xf32>
        %swap3A_442 = arith.index_cast %add3A_439 : i32 to index
        %swap3A_443 = arith.constant 0 : index
        %swap3A_444 = tpu.vector_load %arg22[%swap3A_442, %swap3A_443] {strides = array<i32>} : memref<128x128xf32, #tpu.memory_space<vmem>>, vector<1x16xf32>,
        %swap3A_445 = vector.shape_cast %swap3A_444 : vector<1x16xf32> to vector<16xf32>
        %swap3A_446 = vector.shape_cast %add3A_441 : vector<16xf32> to vector<1x16xf32>
        tpu.vector_store %arg22[%swap3A_442, %swap3A_443], %swap3A_446 {strides = array<i32>} : memref<128x128xf32, #tpu.memory_space<vmem>>, vector<1x16xf32>,
        %mul3A_447 = arith.mulf %broadcast_in_dim3A_435, %get3A_28 : vector<16xf32>
        %add3A_448 = arith.addf %mul3A_447, %get3A_40 : vector<16xf32>
        %swap3A_449 = arith.index_cast %add3A_439 : i32 to index
        %swap3A_450 = arith.constant 64 : index
        %swap3A_451 = tpu.vector_load %arg22[%swap3A_449, %swap3A_450] {strides = array<i32>} : memref<128x128xf32, #tpu.memory_space<vmem>>, vector<1x16xf32>,
        %swap3A_452 = vector.shape_cast %swap3A_451 : vector<1x16xf32> to vector<16xf32>
        %swap3A_453 = vector.shape_cast %add3A_448 : vector<16xf32> to vector<1x16xf32>
        tpu.vector_store %arg22[%swap3A_449, %swap3A_450], %swap3A_453 {strides = array<i32>} : memref<128x128xf32, #tpu.memory_space<vmem>>, vector<1x16xf32>,
        %mul3A_454 = arith.mulf %broadcast_in_dim3A_432, %get3A_7 : vector<16xf32>
        %add3A_455 = arith.addf %mul3A_454, %get3A_19 : vector<16xf32>
        %swap3A_456 = arith.index_cast %add3A_439 : i32 to index
        %swap3A_457 = arith.constant 16 : index
        %swap3A_458 = tpu.vector_load %arg22[%swap3A_456, %swap3A_457] {strides = array<i32>} : memref<128x128xf32, #tpu.memory_space<vmem>>, vector<1x16xf32>,
        %swap3A_459 = vector.shape_cast %swap3A_458 : vector<1x16xf32> to vector<16xf32>
        %swap3A_460 = vector.shape_cast %add3A_455 : vector<16xf32> to vector<1x16xf32>
        tpu.vector_store %arg22[%swap3A_456, %swap3A_457], %swap3A_460 {strides = array<i32>} : memref<128x128xf32, #tpu.memory_space<vmem>>, vector<1x16xf32>,
        %mul3A_461 = arith.mulf %broadcast_in_dim3A_435, %get3A_31 : vector<16xf32>
        %add3A_462 = arith.addf %mul3A_461, %get3A_43 : vector<16xf32>
        %swap3A_463 = arith.index_cast %add3A_439 : i32 to index
        %swap3A_464 = arith.constant 80 : index
        %swap3A_465 = tpu.vector_load %arg22[%swap3A_463, %swap3A_464] {strides = array<i32>} : memref<128x128xf32, #tpu.memory_space<vmem>>, vector<1x16xf32>,
        %swap3A_466 = vector.shape_cast %swap3A_465 : vector<1x16xf32> to vector<16xf32>
        %swap3A_467 = vector.shape_cast %add3A_462 : vector<16xf32> to vector<1x16xf32>
        tpu.vector_store %arg22[%swap3A_463, %swap3A_464], %swap3A_467 {strides = array<i32>} : memref<128x128xf32, #tpu.memory_space<vmem>>, vector<1x16xf32>,
        %mul3A_468 = arith.mulf %broadcast_in_dim3A_432, %get3A_10 : vector<16xf32>
        %add3A_469 = arith.addf %mul3A_468, %get3A_22 : vector<16xf32>
        %swap3A_470 = arith.index_cast %add3A_439 : i32 to index
        %swap3A_471 = arith.constant 32 : index
        %swap3A_472 = tpu.vector_load %arg22[%swap3A_470, %swap3A_471] {strides = array<i32>} : memref<128x128xf32, #tpu.memory_space<vmem>>, vector<1x16xf32>,
        %swap3A_473 = vector.shape_cast %swap3A_472 : vector<1x16xf32> to vector<16xf32>
        %swap3A_474 = vector.shape_cast %add3A_469 : vector<16xf32> to vector<1x16xf32>
        tpu.vector_store %arg22[%swap3A_470, %swap3A_471], %swap3A_474 {strides = array<i32>} : memref<128x128xf32, #tpu.memory_space<vmem>>, vector<1x16xf32>,
        %mul3A_475 = arith.mulf %broadcast_in_dim3A_435, %get3A_34 : vector<16xf32>
        %add3A_476 = arith.addf %mul3A_475, %get3A_46 : vector<16xf32>
        %swap3A_477 = arith.index_cast %add3A_439 : i32 to index
        %swap3A_478 = arith.constant 96 : index
        %swap3A_479 = tpu.vector_load %arg22[%swap3A_477, %swap3A_478] {strides = array<i32>} : memref<128x128xf32, #tpu.memory_space<vmem>>, vector<1x16xf32>,
        %swap3A_480 = vector.shape_cast %swap3A_479 : vector<1x16xf32> to vector<16xf32>
        %swap3A_481 = vector.shape_cast %add3A_476 : vector<16xf32> to vector<1x16xf32>
        tpu.vector_store %arg22[%swap3A_477, %swap3A_478], %swap3A_481 {strides = array<i32>} : memref<128x128xf32, #tpu.memory_space<vmem>>, vector<1x16xf32>,
        %mul3A_482 = arith.mulf %broadcast_in_dim3A_432, %get3A_13 : vector<16xf32>
        %add3A_483 = arith.addf %mul3A_482, %get3A_25 : vector<16xf32>
        %swap3A_484 = arith.index_cast %add3A_439 : i32 to index
        %swap3A_485 = arith.constant 48 : index
        %swap3A_486 = tpu.vector_load %arg22[%swap3A_484, %swap3A_485] {strides = array<i32>} : memref<128x128xf32, #tpu.memory_space<vmem>>, vector<1x16xf32>,
        %swap3A_487 = vector.shape_cast %swap3A_486 : vector<1x16xf32> to vector<16xf32>
        %swap3A_488 = vector.shape_cast %add3A_483 : vector<16xf32> to vector<1x16xf32>
        tpu.vector_store %arg22[%swap3A_484, %swap3A_485], %swap3A_488 {strides = array<i32>} : memref<128x128xf32, #tpu.memory_space<vmem>>, vector<1x16xf32>,
        %mul3A_489 = arith.mulf %broadcast_in_dim3A_435, %get3A_37 : vector<16xf32>
        %add3A_490 = arith.addf %mul3A_489, %get3A_49 : vector<16xf32>
        %swap3A_491 = arith.index_cast %add3A_439 : i32 to index
        %swap3A_492 = arith.constant 112 : index
        %swap3A_493 = tpu.vector_load %arg22[%swap3A_491, %swap3A_492] {strides = array<i32>} : memref<128x128xf32, #tpu.memory_space<vmem>>, vector<1x16xf32>,
        %swap3A_494 = vector.shape_cast %swap3A_493 : vector<1x16xf32> to vector<16xf32>
        %swap3A_495 = vector.shape_cast %add3A_490 : vector<16xf32> to vector<1x16xf32>
        tpu.vector_store %arg22[%swap3A_491, %swap3A_492], %swap3A_495 {strides = array<i32>} : memref<128x128xf32, #tpu.memory_space<vmem>>, vector<1x16xf32>,
        %slice3A_496 = vector.extract_strided_slice %get3A_98 {offsets = [6], sizes = [1], strides = [1]} : vector<16xf32> to vector<1xf32>
        %squeeze3A_497 = vector.extract %slice3A_496[0] : f32 from vector<1xf32>
        %broadcast_in_dim3A_498 = vector.broadcast %squeeze3A_497 : f32 to vector<16xf32>
        %slice3A_499 = vector.extract_strided_slice %get3A_103 {offsets = [6], sizes = [1], strides = [1]} : vector<16xf32> to vector<1xf32>
        %squeeze3A_500 = vector.extract %slice3A_499[0] : f32 from vector<1xf32>
        %broadcast_in_dim3A_501 = vector.broadcast %squeeze3A_500 : f32 to vector<16xf32>
        %mul3A_502 = arith.constant 16 : i32
        %mul3A_503 = arith.muli %scan3A_92, %mul3A_502 : i32
        %add3A_504 = arith.constant 6 : i32
        %add3A_505 = arith.addi %mul3A_503, %add3A_504 : i32
        %mul3A_506 = arith.mulf %broadcast_in_dim3A_498, %get3A_4 : vector<16xf32>
        %add3A_507 = arith.addf %mul3A_506, %get3A_16 : vector<16xf32>
        %swap3A_508 = arith.index_cast %add3A_505 : i32 to index
        %swap3A_509 = arith.constant 0 : index
        %swap3A_510 = tpu.vector_load %arg22[%swap3A_508, %swap3A_509] {strides = array<i32>} : memref<128x128xf32, #tpu.memory_space<vmem>>, vector<1x16xf32>,
        %swap3A_511 = vector.shape_cast %swap3A_510 : vector<1x16xf32> to vector<16xf32>
        %swap3A_512 = vector.shape_cast %add3A_507 : vector<16xf32> to vector<1x16xf32>
        tpu.vector_store %arg22[%swap3A_508, %swap3A_509], %swap3A_512 {strides = array<i32>} : memref<128x128xf32, #tpu.memory_space<vmem>>, vector<1x16xf32>,
        %mul3A_513 = arith.mulf %broadcast_in_dim3A_501, %get3A_28 : vector<16xf32>
        %add3A_514 = arith.addf %mul3A_513, %get3A_40 : vector<16xf32>
        %swap3A_515 = arith.index_cast %add3A_505 : i32 to index
        %swap3A_516 = arith.constant 64 : index
        %swap3A_517 = tpu.vector_load %arg22[%swap3A_515, %swap3A_516] {strides = array<i32>} : memref<128x128xf32, #tpu.memory_space<vmem>>, vector<1x16xf32>,
        %swap3A_518 = vector.shape_cast %swap3A_517 : vector<1x16xf32> to vector<16xf32>
        %swap3A_519 = vector.shape_cast %add3A_514 : vector<16xf32> to vector<1x16xf32>
        tpu.vector_store %arg22[%swap3A_515, %swap3A_516], %swap3A_519 {strides = array<i32>} : memref<128x128xf32, #tpu.memory_space<vmem>>, vector<1x16xf32>,
        %mul3A_520 = arith.mulf %broadcast_in_dim3A_498, %get3A_7 : vector<16xf32>
        %add3A_521 = arith.addf %mul3A_520, %get3A_19 : vector<16xf32>
        %swap3A_522 = arith.index_cast %add3A_505 : i32 to index
        %swap3A_523 = arith.constant 16 : index
        %swap3A_524 = tpu.vector_load %arg22[%swap3A_522, %swap3A_523] {strides = array<i32>} : memref<128x128xf32, #tpu.memory_space<vmem>>, vector<1x16xf32>,
        %swap3A_525 = vector.shape_cast %swap3A_524 : vector<1x16xf32> to vector<16xf32>
        %swap3A_526 = vector.shape_cast %add3A_521 : vector<16xf32> to vector<1x16xf32>
        tpu.vector_store %arg22[%swap3A_522, %swap3A_523], %swap3A_526 {strides = array<i32>} : memref<128x128xf32, #tpu.memory_space<vmem>>, vector<1x16xf32>,
        %mul3A_527 = arith.mulf %broadcast_in_dim3A_501, %get3A_31 : vector<16xf32>
        %add3A_528 = arith.addf %mul3A_527, %get3A_43 : vector<16xf32>
        %swap3A_529 = arith.index_cast %add3A_505 : i32 to index
        %swap3A_530 = arith.constant 80 : index
        %swap3A_531 = tpu.vector_load %arg22[%swap3A_529, %swap3A_530] {strides = array<i32>} : memref<128x128xf32, #tpu.memory_space<vmem>>, vector<1x16xf32>,
        %swap3A_532 = vector.shape_cast %swap3A_531 : vector<1x16xf32> to vector<16xf32>
        %swap3A_533 = vector.shape_cast %add3A_528 : vector<16xf32> to vector<1x16xf32>
        tpu.vector_store %arg22[%swap3A_529, %swap3A_530], %swap3A_533 {strides = array<i32>} : memref<128x128xf32, #tpu.memory_space<vmem>>, vector<1x16xf32>,
        %mul3A_534 = arith.mulf %broadcast_in_dim3A_498, %get3A_10 : vector<16xf32>
        %add3A_535 = arith.addf %mul3A_534, %get3A_22 : vector<16xf32>
        %swap3A_536 = arith.index_cast %add3A_505 : i32 to index
        %swap3A_537 = arith.constant 32 : index
        %swap3A_538 = tpu.vector_load %arg22[%swap3A_536, %swap3A_537] {strides = array<i32>} : memref<128x128xf32, #tpu.memory_space<vmem>>, vector<1x16xf32>,
        %swap3A_539 = vector.shape_cast %swap3A_538 : vector<1x16xf32> to vector<16xf32>
        %swap3A_540 = vector.shape_cast %add3A_535 : vector<16xf32> to vector<1x16xf32>
        tpu.vector_store %arg22[%swap3A_536, %swap3A_537], %swap3A_540 {strides = array<i32>} : memref<128x128xf32, #tpu.memory_space<vmem>>, vector<1x16xf32>,
        %mul3A_541 = arith.mulf %broadcast_in_dim3A_501, %get3A_34 : vector<16xf32>
        %add3A_542 = arith.addf %mul3A_541, %get3A_46 : vector<16xf32>
        %swap3A_543 = arith.index_cast %add3A_505 : i32 to index
        %swap3A_544 = arith.constant 96 : index
        %swap3A_545 = tpu.vector_load %arg22[%swap3A_543, %swap3A_544] {strides = array<i32>} : memref<128x128xf32, #tpu.memory_space<vmem>>, vector<1x16xf32>,
        %swap3A_546 = vector.shape_cast %swap3A_545 : vector<1x16xf32> to vector<16xf32>
        %swap3A_547 = vector.shape_cast %add3A_542 : vector<16xf32> to vector<1x16xf32>
        tpu.vector_store %arg22[%swap3A_543, %swap3A_544], %swap3A_547 {strides = array<i32>} : memref<128x128xf32, #tpu.memory_space<vmem>>, vector<1x16xf32>,
        %mul3A_548 = arith.mulf %broadcast_in_dim3A_498, %get3A_13 : vector<16xf32>
        %add3A_549 = arith.addf %mul3A_548, %get3A_25 : vector<16xf32>
        %swap3A_550 = arith.index_cast %add3A_505 : i32 to index
        %swap3A_551 = arith.constant 48 : index
        %swap3A_552 = tpu.vector_load %arg22[%swap3A_550, %swap3A_551] {strides = array<i32>} : memref<128x128xf32, #tpu.memory_space<vmem>>, vector<1x16xf32>,
        %swap3A_553 = vector.shape_cast %swap3A_552 : vector<1x16xf32> to vector<16xf32>
        %swap3A_554 = vector.shape_cast %add3A_549 : vector<16xf32> to vector<1x16xf32>
        tpu.vector_store %arg22[%swap3A_550, %swap3A_551], %swap3A_554 {strides = array<i32>} : memref<128x128xf32, #tpu.memory_space<vmem>>, vector<1x16xf32>,
        %mul3A_555 = arith.mulf %broadcast_in_dim3A_501, %get3A_37 : vector<16xf32>
        %add3A_556 = arith.addf %mul3A_555, %get3A_49 : vector<16xf32>
        %swap3A_557 = arith.index_cast %add3A_505 : i32 to index
        %swap3A_558 = arith.constant 112 : index
        %swap3A_559 = tpu.vector_load %arg22[%swap3A_557, %swap3A_558] {strides = array<i32>} : memref<128x128xf32, #tpu.memory_space<vmem>>, vector<1x16xf32>,
        %swap3A_560 = vector.shape_cast %swap3A_559 : vector<1x16xf32> to vector<16xf32>
        %swap3A_561 = vector.shape_cast %add3A_556 : vector<16xf32> to vector<1x16xf32>
        tpu.vector_store %arg22[%swap3A_557, %swap3A_558], %swap3A_561 {strides = array<i32>} : memref<128x128xf32, #tpu.memory_space<vmem>>, vector<1x16xf32>,
        %slice3A_562 = vector.extract_strided_slice %get3A_98 {offsets = [7], sizes = [1], strides = [1]} : vector<16xf32> to vector<1xf32>
        %squeeze3A_563 = vector.extract %slice3A_562[0] : f32 from vector<1xf32>
        %broadcast_in_dim3A_564 = vector.broadcast %squeeze3A_563 : f32 to vector<16xf32>
        %slice3A_565 = vector.extract_strided_slice %get3A_103 {offsets = [7], sizes = [1], strides = [1]} : vector<16xf32> to vector<1xf32>
        %squeeze3A_566 = vector.extract %slice3A_565[0] : f32 from vector<1xf32>
        %broadcast_in_dim3A_567 = vector.broadcast %squeeze3A_566 : f32 to vector<16xf32>
        %mul3A_568 = arith.constant 16 : i32
        %mul3A_569 = arith.muli %scan3A_92, %mul3A_568 : i32
        %add3A_570 = arith.constant 7 : i32
        %add3A_571 = arith.addi %mul3A_569, %add3A_570 : i32
        %mul3A_572 = arith.mulf %broadcast_in_dim3A_564, %get3A_4 : vector<16xf32>
        %add3A_573 = arith.addf %mul3A_572, %get3A_16 : vector<16xf32>
        %swap3A_574 = arith.index_cast %add3A_571 : i32 to index
        %swap3A_575 = arith.constant 0 : index
        %swap3A_576 = tpu.vector_load %arg22[%swap3A_574, %swap3A_575] {strides = array<i32>} : memref<128x128xf32, #tpu.memory_space<vmem>>, vector<1x16xf32>,
        %swap3A_577 = vector.shape_cast %swap3A_576 : vector<1x16xf32> to vector<16xf32>
        %swap3A_578 = vector.shape_cast %add3A_573 : vector<16xf32> to vector<1x16xf32>
        tpu.vector_store %arg22[%swap3A_574, %swap3A_575], %swap3A_578 {strides = array<i32>} : memref<128x128xf32, #tpu.memory_space<vmem>>, vector<1x16xf32>,
        %mul3A_579 = arith.mulf %broadcast_in_dim3A_567, %get3A_28 : vector<16xf32>
        %add3A_580 = arith.addf %mul3A_579, %get3A_40 : vector<16xf32>
        %swap3A_581 = arith.index_cast %add3A_571 : i32 to index
        %swap3A_582 = arith.constant 64 : index
        %swap3A_583 = tpu.vector_load %arg22[%swap3A_581, %swap3A_582] {strides = array<i32>} : memref<128x128xf32, #tpu.memory_space<vmem>>, vector<1x16xf32>,
        %swap3A_584 = vector.shape_cast %swap3A_583 : vector<1x16xf32> to vector<16xf32>
        %swap3A_585 = vector.shape_cast %add3A_580 : vector<16xf32> to vector<1x16xf32>
        tpu.vector_store %arg22[%swap3A_581, %swap3A_582], %swap3A_585 {strides = array<i32>} : memref<128x128xf32, #tpu.memory_space<vmem>>, vector<1x16xf32>,
        %mul3A_586 = arith.mulf %broadcast_in_dim3A_564, %get3A_7 : vector<16xf32>
        %add3A_587 = arith.addf %mul3A_586, %get3A_19 : vector<16xf32>
        %swap3A_588 = arith.index_cast %add3A_571 : i32 to index
        %swap3A_589 = arith.constant 16 : index
        %swap3A_590 = tpu.vector_load %arg22[%swap3A_588, %swap3A_589] {strides = array<i32>} : memref<128x128xf32, #tpu.memory_space<vmem>>, vector<1x16xf32>,
        %swap3A_591 = vector.shape_cast %swap3A_590 : vector<1x16xf32> to vector<16xf32>
        %swap3A_592 = vector.shape_cast %add3A_587 : vector<16xf32> to vector<1x16xf32>
        tpu.vector_store %arg22[%swap3A_588, %swap3A_589], %swap3A_592 {strides = array<i32>} : memref<128x128xf32, #tpu.memory_space<vmem>>, vector<1x16xf32>,
        %mul3A_593 = arith.mulf %broadcast_in_dim3A_567, %get3A_31 : vector<16xf32>
        %add3A_594 = arith.addf %mul3A_593, %get3A_43 : vector<16xf32>
        %swap3A_595 = arith.index_cast %add3A_571 : i32 to index
        %swap3A_596 = arith.constant 80 : index
        %swap3A_597 = tpu.vector_load %arg22[%swap3A_595, %swap3A_596] {strides = array<i32>} : memref<128x128xf32, #tpu.memory_space<vmem>>, vector<1x16xf32>,
        %swap3A_598 = vector.shape_cast %swap3A_597 : vector<1x16xf32> to vector<16xf32>
        %swap3A_599 = vector.shape_cast %add3A_594 : vector<16xf32> to vector<1x16xf32>
        tpu.vector_store %arg22[%swap3A_595, %swap3A_596], %swap3A_599 {strides = array<i32>} : memref<128x128xf32, #tpu.memory_space<vmem>>, vector<1x16xf32>,
        %mul3A_600 = arith.mulf %broadcast_in_dim3A_564, %get3A_10 : vector<16xf32>
        %add3A_601 = arith.addf %mul3A_600, %get3A_22 : vector<16xf32>
        %swap3A_602 = arith.index_cast %add3A_571 : i32 to index
        %swap3A_603 = arith.constant 32 : index
        %swap3A_604 = tpu.vector_load %arg22[%swap3A_602, %swap3A_603] {strides = array<i32>} : memref<128x128xf32, #tpu.memory_space<vmem>>, vector<1x16xf32>,
        %swap3A_605 = vector.shape_cast %swap3A_604 : vector<1x16xf32> to vector<16xf32>
        %swap3A_606 = vector.shape_cast %add3A_601 : vector<16xf32> to vector<1x16xf32>
        tpu.vector_store %arg22[%swap3A_602, %swap3A_603], %swap3A_606 {strides = array<i32>} : memref<128x128xf32, #tpu.memory_space<vmem>>, vector<1x16xf32>,
        %mul3A_607 = arith.mulf %broadcast_in_dim3A_567, %get3A_34 : vector<16xf32>
        %add3A_608 = arith.addf %mul3A_607, %get3A_46 : vector<16xf32>
        %swap3A_609 = arith.index_cast %add3A_571 : i32 to index
        %swap3A_610 = arith.constant 96 : index
        %swap3A_611 = tpu.vector_load %arg22[%swap3A_609, %swap3A_610] {strides = array<i32>} : memref<128x128xf32, #tpu.memory_space<vmem>>, vector<1x16xf32>,
        %swap3A_612 = vector.shape_cast %swap3A_611 : vector<1x16xf32> to vector<16xf32>
        %swap3A_613 = vector.shape_cast %add3A_608 : vector<16xf32> to vector<1x16xf32>
        tpu.vector_store %arg22[%swap3A_609, %swap3A_610], %swap3A_613 {strides = array<i32>} : memref<128x128xf32, #tpu.memory_space<vmem>>, vector<1x16xf32>,
        %mul3A_614 = arith.mulf %broadcast_in_dim3A_564, %get3A_13 : vector<16xf32>
        %add3A_615 = arith.addf %mul3A_614, %get3A_25 : vector<16xf32>
        %swap3A_616 = arith.index_cast %add3A_571 : i32 to index
        %swap3A_617 = arith.constant 48 : index
        %swap3A_618 = tpu.vector_load %arg22[%swap3A_616, %swap3A_617] {strides = array<i32>} : memref<128x128xf32, #tpu.memory_space<vmem>>, vector<1x16xf32>,
        %swap3A_619 = vector.shape_cast %swap3A_618 : vector<1x16xf32> to vector<16xf32>
        %swap3A_620 = vector.shape_cast %add3A_615 : vector<16xf32> to vector<1x16xf32>
        tpu.vector_store %arg22[%swap3A_616, %swap3A_617], %swap3A_620 {strides = array<i32>} : memref<128x128xf32, #tpu.memory_space<vmem>>, vector<1x16xf32>,
        %mul3A_621 = arith.mulf %broadcast_in_dim3A_567, %get3A_37 : vector<16xf32>
        %add3A_622 = arith.addf %mul3A_621, %get3A_49 : vector<16xf32>
        %swap3A_623 = arith.index_cast %add3A_571 : i32 to index
        %swap3A_624 = arith.constant 112 : index
        %swap3A_625 = tpu.vector_load %arg22[%swap3A_623, %swap3A_624] {strides = array<i32>} : memref<128x128xf32, #tpu.memory_space<vmem>>, vector<1x16xf32>,
        %swap3A_626 = vector.shape_cast %swap3A_625 : vector<1x16xf32> to vector<16xf32>
        %swap3A_627 = vector.shape_cast %add3A_622 : vector<16xf32> to vector<1x16xf32>
        tpu.vector_store %arg22[%swap3A_623, %swap3A_624], %swap3A_627 {strides = array<i32>} : memref<128x128xf32, #tpu.memory_space<vmem>>, vector<1x16xf32>,
        %slice3A_628 = vector.extract_strided_slice %get3A_98 {offsets = [8], sizes = [1], strides = [1]} : vector<16xf32> to vector<1xf32>
        %squeeze3A_629 = vector.extract %slice3A_628[0] : f32 from vector<1xf32>
        %broadcast_in_dim3A_630 = vector.broadcast %squeeze3A_629 : f32 to vector<16xf32>
        %slice3A_631 = vector.extract_strided_slice %get3A_103 {offsets = [8], sizes = [1], strides = [1]} : vector<16xf32> to vector<1xf32>
        %squeeze3A_632 = vector.extract %slice3A_631[0] : f32 from vector<1xf32>
        %broadcast_in_dim3A_633 = vector.broadcast %squeeze3A_632 : f32 to vector<16xf32>
        %mul3A_634 = arith.constant 16 : i32
        %mul3A_635 = arith.muli %scan3A_92, %mul3A_634 : i32
        %add3A_636 = arith.constant 8 : i32
        %add3A_637 = arith.addi %mul3A_635, %add3A_636 : i32
        %mul3A_638 = arith.mulf %broadcast_in_dim3A_630, %get3A_4 : vector<16xf32>
        %add3A_639 = arith.addf %mul3A_638, %get3A_16 : vector<16xf32>
        %swap3A_640 = arith.index_cast %add3A_637 : i32 to index
        %swap3A_641 = arith.constant 0 : index
        %swap3A_642 = tpu.vector_load %arg22[%swap3A_640, %swap3A_641] {strides = array<i32>} : memref<128x128xf32, #tpu.memory_space<vmem>>, vector<1x16xf32>,
        %swap3A_643 = vector.shape_cast %swap3A_642 : vector<1x16xf32> to vector<16xf32>
        %swap3A_644 = vector.shape_cast %add3A_639 : vector<16xf32> to vector<1x16xf32>
        tpu.vector_store %arg22[%swap3A_640, %swap3A_641], %swap3A_644 {strides = array<i32>} : memref<128x128xf32, #tpu.memory_space<vmem>>, vector<1x16xf32>,
        %mul3A_645 = arith.mulf %broadcast_in_dim3A_633, %get3A_28 : vector<16xf32>
        %add3A_646 = arith.addf %mul3A_645, %get3A_40 : vector<16xf32>
        %swap3A_647 = arith.index_cast %add3A_637 : i32 to index
        %swap3A_648 = arith.constant 64 : index
        %swap3A_649 = tpu.vector_load %arg22[%swap3A_647, %swap3A_648] {strides = array<i32>} : memref<128x128xf32, #tpu.memory_space<vmem>>, vector<1x16xf32>,
        %swap3A_650 = vector.shape_cast %swap3A_649 : vector<1x16xf32> to vector<16xf32>
        %swap3A_651 = vector.shape_cast %add3A_646 : vector<16xf32> to vector<1x16xf32>
        tpu.vector_store %arg22[%swap3A_647, %swap3A_648], %swap3A_651 {strides = array<i32>} : memref<128x128xf32, #tpu.memory_space<vmem>>, vector<1x16xf32>,
        %mul3A_652 = arith.mulf %broadcast_in_dim3A_630, %get3A_7 : vector<16xf32>
        %add3A_653 = arith.addf %mul3A_652, %get3A_19 : vector<16xf32>
        %swap3A_654 = arith.index_cast %add3A_637 : i32 to index
        %swap3A_655 = arith.constant 16 : index
        %swap3A_656 = tpu.vector_load %arg22[%swap3A_654, %swap3A_655] {strides = array<i32>} : memref<128x128xf32, #tpu.memory_space<vmem>>, vector<1x16xf32>,
        %swap3A_657 = vector.shape_cast %swap3A_656 : vector<1x16xf32> to vector<16xf32>
        %swap3A_658 = vector.shape_cast %add3A_653 : vector<16xf32> to vector<1x16xf32>
        tpu.vector_store %arg22[%swap3A_654, %swap3A_655], %swap3A_658 {strides = array<i32>} : memref<128x128xf32, #tpu.memory_space<vmem>>, vector<1x16xf32>,
        %mul3A_659 = arith.mulf %broadcast_in_dim3A_633, %get3A_31 : vector<16xf32>
        %add3A_660 = arith.addf %mul3A_659, %get3A_43 : vector<16xf32>
        %swap3A_661 = arith.index_cast %add3A_637 : i32 to index
        %swap3A_662 = arith.constant 80 : index
        %swap3A_663 = tpu.vector_load %arg22[%swap3A_661, %swap3A_662] {strides = array<i32>} : memref<128x128xf32, #tpu.memory_space<vmem>>, vector<1x16xf32>,
        %swap3A_664 = vector.shape_cast %swap3A_663 : vector<1x16xf32> to vector<16xf32>
        %swap3A_665 = vector.shape_cast %add3A_660 : vector<16xf32> to vector<1x16xf32>
        tpu.vector_store %arg22[%swap3A_661, %swap3A_662], %swap3A_665 {strides = array<i32>} : memref<128x128xf32, #tpu.memory_space<vmem>>, vector<1x16xf32>,
        %mul3A_666 = arith.mulf %broadcast_in_dim3A_630, %get3A_10 : vector<16xf32>
        %add3A_667 = arith.addf %mul3A_666, %get3A_22 : vector<16xf32>
        %swap3A_668 = arith.index_cast %add3A_637 : i32 to index
        %swap3A_669 = arith.constant 32 : index
        %swap3A_670 = tpu.vector_load %arg22[%swap3A_668, %swap3A_669] {strides = array<i32>} : memref<128x128xf32, #tpu.memory_space<vmem>>, vector<1x16xf32>,
        %swap3A_671 = vector.shape_cast %swap3A_670 : vector<1x16xf32> to vector<16xf32>
        %swap3A_672 = vector.shape_cast %add3A_667 : vector<16xf32> to vector<1x16xf32>
        tpu.vector_store %arg22[%swap3A_668, %swap3A_669], %swap3A_672 {strides = array<i32>} : memref<128x128xf32, #tpu.memory_space<vmem>>, vector<1x16xf32>,
        %mul3A_673 = arith.mulf %broadcast_in_dim3A_633, %get3A_34 : vector<16xf32>
        %add3A_674 = arith.addf %mul3A_673, %get3A_46 : vector<16xf32>
        %swap3A_675 = arith.index_cast %add3A_637 : i32 to index
        %swap3A_676 = arith.constant 96 : index
        %swap3A_677 = tpu.vector_load %arg22[%swap3A_675, %swap3A_676] {strides = array<i32>} : memref<128x128xf32, #tpu.memory_space<vmem>>, vector<1x16xf32>,
        %swap3A_678 = vector.shape_cast %swap3A_677 : vector<1x16xf32> to vector<16xf32>
        %swap3A_679 = vector.shape_cast %add3A_674 : vector<16xf32> to vector<1x16xf32>
        tpu.vector_store %arg22[%swap3A_675, %swap3A_676], %swap3A_679 {strides = array<i32>} : memref<128x128xf32, #tpu.memory_space<vmem>>, vector<1x16xf32>,
        %mul3A_680 = arith.mulf %broadcast_in_dim3A_630, %get3A_13 : vector<16xf32>
        %add3A_681 = arith.addf %mul3A_680, %get3A_25 : vector<16xf32>
        %swap3A_682 = arith.index_cast %add3A_637 : i32 to index
        %swap3A_683 = arith.constant 48 : index
        %swap3A_684 = tpu.vector_load %arg22[%swap3A_682, %swap3A_683] {strides = array<i32>} : memref<128x128xf32, #tpu.memory_space<vmem>>, vector<1x16xf32>,
        %swap3A_685 = vector.shape_cast %swap3A_684 : vector<1x16xf32> to vector<16xf32>
        %swap3A_686 = vector.shape_cast %add3A_681 : vector<16xf32> to vector<1x16xf32>
        tpu.vector_store %arg22[%swap3A_682, %swap3A_683], %swap3A_686 {strides = array<i32>} : memref<128x128xf32, #tpu.memory_space<vmem>>, vector<1x16xf32>,
        %mul3A_687 = arith.mulf %broadcast_in_dim3A_633, %get3A_37 : vector<16xf32>
        %add3A_688 = arith.addf %mul3A_687, %get3A_49 : vector<16xf32>
        %swap3A_689 = arith.index_cast %add3A_637 : i32 to index
        %swap3A_690 = arith.constant 112 : index
        %swap3A_691 = tpu.vector_load %arg22[%swap3A_689, %swap3A_690] {strides = array<i32>} : memref<128x128xf32, #tpu.memory_space<vmem>>, vector<1x16xf32>,
        %swap3A_692 = vector.shape_cast %swap3A_691 : vector<1x16xf32> to vector<16xf32>
        %swap3A_693 = vector.shape_cast %add3A_688 : vector<16xf32> to vector<1x16xf32>
        tpu.vector_store %arg22[%swap3A_689, %swap3A_690], %swap3A_693 {strides = array<i32>} : memref<128x128xf32, #tpu.memory_space<vmem>>, vector<1x16xf32>,
        %slice3A_694 = vector.extract_strided_slice %get3A_98 {offsets = [9], sizes = [1], strides = [1]} : vector<16xf32> to vector<1xf32>
        %squeeze3A_695 = vector.extract %slice3A_694[0] : f32 from vector<1xf32>
        %broadcast_in_dim3A_696 = vector.broadcast %squeeze3A_695 : f32 to vector<16xf32>
        %slice3A_697 = vector.extract_strided_slice %get3A_103 {offsets = [9], sizes = [1], strides = [1]} : vector<16xf32> to vector<1xf32>
        %squeeze3A_698 = vector.extract %slice3A_697[0] : f32 from vector<1xf32>
        %broadcast_in_dim3A_699 = vector.broadcast %squeeze3A_698 : f32 to vector<16xf32>
        %mul3A_700 = arith.constant 16 : i32
        %mul3A_701 = arith.muli %scan3A_92, %mul3A_700 : i32
        %add3A_702 = arith.constant 9 : i32
        %add3A_703 = arith.addi %mul3A_701, %add3A_702 : i32
        %mul3A_704 = arith.mulf %broadcast_in_dim3A_696, %get3A_4 : vector<16xf32>
        %add3A_705 = arith.addf %mul3A_704, %get3A_16 : vector<16xf32>
        %swap3A_706 = arith.index_cast %add3A_703 : i32 to index
        %swap3A_707 = arith.constant 0 : index
        %swap3A_708 = tpu.vector_load %arg22[%swap3A_706, %swap3A_707] {strides = array<i32>} : memref<128x128xf32, #tpu.memory_space<vmem>>, vector<1x16xf32>,
        %swap3A_709 = vector.shape_cast %swap3A_708 : vector<1x16xf32> to vector<16xf32>
        %swap3A_710 = vector.shape_cast %add3A_705 : vector<16xf32> to vector<1x16xf32>
        tpu.vector_store %arg22[%swap3A_706, %swap3A_707], %swap3A_710 {strides = array<i32>} : memref<128x128xf32, #tpu.memory_space<vmem>>, vector<1x16xf32>,
        %mul3A_711 = arith.mulf %broadcast_in_dim3A_699, %get3A_28 : vector<16xf32>
        %add3A_712 = arith.addf %mul3A_711, %get3A_40 : vector<16xf32>
        %swap3A_713 = arith.index_cast %add3A_703 : i32 to index
        %swap3A_714 = arith.constant 64 : index
        %swap3A_715 = tpu.vector_load %arg22[%swap3A_713, %swap3A_714] {strides = array<i32>} : memref<128x128xf32, #tpu.memory_space<vmem>>, vector<1x16xf32>,
        %swap3A_716 = vector.shape_cast %swap3A_715 : vector<1x16xf32> to vector<16xf32>
        %swap3A_717 = vector.shape_cast %add3A_712 : vector<16xf32> to vector<1x16xf32>
        tpu.vector_store %arg22[%swap3A_713, %swap3A_714], %swap3A_717 {strides = array<i32>} : memref<128x128xf32, #tpu.memory_space<vmem>>, vector<1x16xf32>,
        %mul3A_718 = arith.mulf %broadcast_in_dim3A_696, %get3A_7 : vector<16xf32>
        %add3A_719 = arith.addf %mul3A_718, %get3A_19 : vector<16xf32>
        %swap3A_720 = arith.index_cast %add3A_703 : i32 to index
        %swap3A_721 = arith.constant 16 : index
        %swap3A_722 = tpu.vector_load %arg22[%swap3A_720, %swap3A_721] {strides = array<i32>} : memref<128x128xf32, #tpu.memory_space<vmem>>, vector<1x16xf32>,
        %swap3A_723 = vector.shape_cast %swap3A_722 : vector<1x16xf32> to vector<16xf32>
        %swap3A_724 = vector.shape_cast %add3A_719 : vector<16xf32> to vector<1x16xf32>
        tpu.vector_store %arg22[%swap3A_720, %swap3A_721], %swap3A_724 {strides = array<i32>} : memref<128x128xf32, #tpu.memory_space<vmem>>, vector<1x16xf32>,
        %mul3A_725 = arith.mulf %broadcast_in_dim3A_699, %get3A_31 : vector<16xf32>
        %add3A_726 = arith.addf %mul3A_725, %get3A_43 : vector<16xf32>
        %swap3A_727 = arith.index_cast %add3A_703 : i32 to index
        %swap3A_728 = arith.constant 80 : index
        %swap3A_729 = tpu.vector_load %arg22[%swap3A_727, %swap3A_728] {strides = array<i32>} : memref<128x128xf32, #tpu.memory_space<vmem>>, vector<1x16xf32>,
        %swap3A_730 = vector.shape_cast %swap3A_729 : vector<1x16xf32> to vector<16xf32>
        %swap3A_731 = vector.shape_cast %add3A_726 : vector<16xf32> to vector<1x16xf32>
        tpu.vector_store %arg22[%swap3A_727, %swap3A_728], %swap3A_731 {strides = array<i32>} : memref<128x128xf32, #tpu.memory_space<vmem>>, vector<1x16xf32>,
        %mul3A_732 = arith.mulf %broadcast_in_dim3A_696, %get3A_10 : vector<16xf32>
        %add3A_733 = arith.addf %mul3A_732, %get3A_22 : vector<16xf32>
        %swap3A_734 = arith.index_cast %add3A_703 : i32 to index
        %swap3A_735 = arith.constant 32 : index
        %swap3A_736 = tpu.vector_load %arg22[%swap3A_734, %swap3A_735] {strides = array<i32>} : memref<128x128xf32, #tpu.memory_space<vmem>>, vector<1x16xf32>,
        %swap3A_737 = vector.shape_cast %swap3A_736 : vector<1x16xf32> to vector<16xf32>
        %swap3A_738 = vector.shape_cast %add3A_733 : vector<16xf32> to vector<1x16xf32>
        tpu.vector_store %arg22[%swap3A_734, %swap3A_735], %swap3A_738 {strides = array<i32>} : memref<128x128xf32, #tpu.memory_space<vmem>>, vector<1x16xf32>,
        %mul3A_739 = arith.mulf %broadcast_in_dim3A_699, %get3A_34 : vector<16xf32>
        %add3A_740 = arith.addf %mul3A_739, %get3A_46 : vector<16xf32>
        %swap3A_741 = arith.index_cast %add3A_703 : i32 to index
        %swap3A_742 = arith.constant 96 : index
        %swap3A_743 = tpu.vector_load %arg22[%swap3A_741, %swap3A_742] {strides = array<i32>} : memref<128x128xf32, #tpu.memory_space<vmem>>, vector<1x16xf32>,
        %swap3A_744 = vector.shape_cast %swap3A_743 : vector<1x16xf32> to vector<16xf32>
        %swap3A_745 = vector.shape_cast %add3A_740 : vector<16xf32> to vector<1x16xf32>
        tpu.vector_store %arg22[%swap3A_741, %swap3A_742], %swap3A_745 {strides = array<i32>} : memref<128x128xf32, #tpu.memory_space<vmem>>, vector<1x16xf32>,
        %mul3A_746 = arith.mulf %broadcast_in_dim3A_696, %get3A_13 : vector<16xf32>
        %add3A_747 = arith.addf %mul3A_746, %get3A_25 : vector<16xf32>
        %swap3A_748 = arith.index_cast %add3A_703 : i32 to index
        %swap3A_749 = arith.constant 48 : index
        %swap3A_750 = tpu.vector_load %arg22[%swap3A_748, %swap3A_749] {strides = array<i32>} : memref<128x128xf32, #tpu.memory_space<vmem>>, vector<1x16xf32>,
        %swap3A_751 = vector.shape_cast %swap3A_750 : vector<1x16xf32> to vector<16xf32>
        %swap3A_752 = vector.shape_cast %add3A_747 : vector<16xf32> to vector<1x16xf32>
        tpu.vector_store %arg22[%swap3A_748, %swap3A_749], %swap3A_752 {strides = array<i32>} : memref<128x128xf32, #tpu.memory_space<vmem>>, vector<1x16xf32>,
        %mul3A_753 = arith.mulf %broadcast_in_dim3A_699, %get3A_37 : vector<16xf32>
        %add3A_754 = arith.addf %mul3A_753, %get3A_49 : vector<16xf32>
        %swap3A_755 = arith.index_cast %add3A_703 : i32 to index
        %swap3A_756 = arith.constant 112 : index
        %swap3A_757 = tpu.vector_load %arg22[%swap3A_755, %swap3A_756] {strides = array<i32>} : memref<128x128xf32, #tpu.memory_space<vmem>>, vector<1x16xf32>,
        %swap3A_758 = vector.shape_cast %swap3A_757 : vector<1x16xf32> to vector<16xf32>
        %swap3A_759 = vector.shape_cast %add3A_754 : vector<16xf32> to vector<1x16xf32>
        tpu.vector_store %arg22[%swap3A_755, %swap3A_756], %swap3A_759 {strides = array<i32>} : memref<128x128xf32, #tpu.memory_space<vmem>>, vector<1x16xf32>,
        %slice3A_760 = vector.extract_strided_slice %get3A_98 {offsets = [10], sizes = [1], strides = [1]} : vector<16xf32> to vector<1xf32>
        %squeeze3A_761 = vector.extract %slice3A_760[0] : f32 from vector<1xf32>
        %broadcast_in_dim3A_762 = vector.broadcast %squeeze3A_761 : f32 to vector<16xf32>
        %slice3A_763 = vector.extract_strided_slice %get3A_103 {offsets = [10], sizes = [1], strides = [1]} : vector<16xf32> to vector<1xf32>
        %squeeze3A_764 = vector.extract %slice3A_763[0] : f32 from vector<1xf32>
        %broadcast_in_dim3A_765 = vector.broadcast %squeeze3A_764 : f32 to vector<16xf32>
        %mul3A_766 = arith.constant 16 : i32
        %mul3A_767 = arith.muli %scan3A_92, %mul3A_766 : i32
        %add3A_768 = arith.constant 10 : i32
        %add3A_769 = arith.addi %mul3A_767, %add3A_768 : i32
        %mul3A_770 = arith.mulf %broadcast_in_dim3A_762, %get3A_4 : vector<16xf32>
        %add3A_771 = arith.addf %mul3A_770, %get3A_16 : vector<16xf32>
        %swap3A_772 = arith.index_cast %add3A_769 : i32 to index
        %swap3A_773 = arith.constant 0 : index
        %swap3A_774 = tpu.vector_load %arg22[%swap3A_772, %swap3A_773] {strides = array<i32>} : memref<128x128xf32, #tpu.memory_space<vmem>>, vector<1x16xf32>,
        %swap3A_775 = vector.shape_cast %swap3A_774 : vector<1x16xf32> to vector<16xf32>
        %swap3A_776 = vector.shape_cast %add3A_771 : vector<16xf32> to vector<1x16xf32>
        tpu.vector_store %arg22[%swap3A_772, %swap3A_773], %swap3A_776 {strides = array<i32>} : memref<128x128xf32, #tpu.memory_space<vmem>>, vector<1x16xf32>,
        %mul3A_777 = arith.mulf %broadcast_in_dim3A_765, %get3A_28 : vector<16xf32>
        %add3A_778 = arith.addf %mul3A_777, %get3A_40 : vector<16xf32>
        %swap3A_779 = arith.index_cast %add3A_769 : i32 to index
        %swap3A_780 = arith.constant 64 : index
        %swap3A_781 = tpu.vector_load %arg22[%swap3A_779, %swap3A_780] {strides = array<i32>} : memref<128x128xf32, #tpu.memory_space<vmem>>, vector<1x16xf32>,
        %swap3A_782 = vector.shape_cast %swap3A_781 : vector<1x16xf32> to vector<16xf32>
        %swap3A_783 = vector.shape_cast %add3A_778 : vector<16xf32> to vector<1x16xf32>
        tpu.vector_store %arg22[%swap3A_779, %swap3A_780], %swap3A_783 {strides = array<i32>} : memref<128x128xf32, #tpu.memory_space<vmem>>, vector<1x16xf32>,
        %mul3A_784 = arith.mulf %broadcast_in_dim3A_762, %get3A_7 : vector<16xf32>
        %add3A_785 = arith.addf %mul3A_784, %get3A_19 : vector<16xf32>
        %swap3A_786 = arith.index_cast %add3A_769 : i32 to index
        %swap3A_787 = arith.constant 16 : index
        %swap3A_788 = tpu.vector_load %arg22[%swap3A_786, %swap3A_787] {strides = array<i32>} : memref<128x128xf32, #tpu.memory_space<vmem>>, vector<1x16xf32>,
        %swap3A_789 = vector.shape_cast %swap3A_788 : vector<1x16xf32> to vector<16xf32>
        %swap3A_790 = vector.shape_cast %add3A_785 : vector<16xf32> to vector<1x16xf32>
        tpu.vector_store %arg22[%swap3A_786, %swap3A_787], %swap3A_790 {strides = array<i32>} : memref<128x128xf32, #tpu.memory_space<vmem>>, vector<1x16xf32>,
        %mul3A_791 = arith.mulf %broadcast_in_dim3A_765, %get3A_31 : vector<16xf32>
        %add3A_792 = arith.addf %mul3A_791, %get3A_43 : vector<16xf32>
        %swap3A_793 = arith.index_cast %add3A_769 : i32 to index
        %swap3A_794 = arith.constant 80 : index
        %swap3A_795 = tpu.vector_load %arg22[%swap3A_793, %swap3A_794] {strides = array<i32>} : memref<128x128xf32, #tpu.memory_space<vmem>>, vector<1x16xf32>,
        %swap3A_796 = vector.shape_cast %swap3A_795 : vector<1x16xf32> to vector<16xf32>
        %swap3A_797 = vector.shape_cast %add3A_792 : vector<16xf32> to vector<1x16xf32>
        tpu.vector_store %arg22[%swap3A_793, %swap3A_794], %swap3A_797 {strides = array<i32>} : memref<128x128xf32, #tpu.memory_space<vmem>>, vector<1x16xf32>,
        %mul3A_798 = arith.mulf %broadcast_in_dim3A_762, %get3A_10 : vector<16xf32>
        %add3A_799 = arith.addf %mul3A_798, %get3A_22 : vector<16xf32>
        %swap3A_800 = arith.index_cast %add3A_769 : i32 to index
        %swap3A_801 = arith.constant 32 : index
        %swap3A_802 = tpu.vector_load %arg22[%swap3A_800, %swap3A_801] {strides = array<i32>} : memref<128x128xf32, #tpu.memory_space<vmem>>, vector<1x16xf32>,
        %swap3A_803 = vector.shape_cast %swap3A_802 : vector<1x16xf32> to vector<16xf32>
        %swap3A_804 = vector.shape_cast %add3A_799 : vector<16xf32> to vector<1x16xf32>
        tpu.vector_store %arg22[%swap3A_800, %swap3A_801], %swap3A_804 {strides = array<i32>} : memref<128x128xf32, #tpu.memory_space<vmem>>, vector<1x16xf32>,
        %mul3A_805 = arith.mulf %broadcast_in_dim3A_765, %get3A_34 : vector<16xf32>
        %add3A_806 = arith.addf %mul3A_805, %get3A_46 : vector<16xf32>
        %swap3A_807 = arith.index_cast %add3A_769 : i32 to index
        %swap3A_808 = arith.constant 96 : index
        %swap3A_809 = tpu.vector_load %arg22[%swap3A_807, %swap3A_808] {strides = array<i32>} : memref<128x128xf32, #tpu.memory_space<vmem>>, vector<1x16xf32>,
        %swap3A_810 = vector.shape_cast %swap3A_809 : vector<1x16xf32> to vector<16xf32>
        %swap3A_811 = vector.shape_cast %add3A_806 : vector<16xf32> to vector<1x16xf32>
        tpu.vector_store %arg22[%swap3A_807, %swap3A_808], %swap3A_811 {strides = array<i32>} : memref<128x128xf32, #tpu.memory_space<vmem>>, vector<1x16xf32>,
        %mul3A_812 = arith.mulf %broadcast_in_dim3A_762, %get3A_13 : vector<16xf32>
        %add3A_813 = arith.addf %mul3A_812, %get3A_25 : vector<16xf32>
        %swap3A_814 = arith.index_cast %add3A_769 : i32 to index
        %swap3A_815 = arith.constant 48 : index
        %swap3A_816 = tpu.vector_load %arg22[%swap3A_814, %swap3A_815] {strides = array<i32>} : memref<128x128xf32, #tpu.memory_space<vmem>>, vector<1x16xf32>,
        %swap3A_817 = vector.shape_cast %swap3A_816 : vector<1x16xf32> to vector<16xf32>
        %swap3A_818 = vector.shape_cast %add3A_813 : vector<16xf32> to vector<1x16xf32>
        tpu.vector_store %arg22[%swap3A_814, %swap3A_815], %swap3A_818 {strides = array<i32>} : memref<128x128xf32, #tpu.memory_space<vmem>>, vector<1x16xf32>,
        %mul3A_819 = arith.mulf %broadcast_in_dim3A_765, %get3A_37 : vector<16xf32>
        %add3A_820 = arith.addf %mul3A_819, %get3A_49 : vector<16xf32>
        %swap3A_821 = arith.index_cast %add3A_769 : i32 to index
        %swap3A_822 = arith.constant 112 : index
        %swap3A_823 = tpu.vector_load %arg22[%swap3A_821, %swap3A_822] {strides = array<i32>} : memref<128x128xf32, #tpu.memory_space<vmem>>, vector<1x16xf32>,
        %swap3A_824 = vector.shape_cast %swap3A_823 : vector<1x16xf32> to vector<16xf32>
        %swap3A_825 = vector.shape_cast %add3A_820 : vector<16xf32> to vector<1x16xf32>
        tpu.vector_store %arg22[%swap3A_821, %swap3A_822], %swap3A_825 {strides = array<i32>} : memref<128x128xf32, #tpu.memory_space<vmem>>, vector<1x16xf32>,
        %slice3A_826 = vector.extract_strided_slice %get3A_98 {offsets = [11], sizes = [1], strides = [1]} : vector<16xf32> to vector<1xf32>
        %squeeze3A_827 = vector.extract %slice3A_826[0] : f32 from vector<1xf32>
        %broadcast_in_dim3A_828 = vector.broadcast %squeeze3A_827 : f32 to vector<16xf32>
        %slice3A_829 = vector.extract_strided_slice %get3A_103 {offsets = [11], sizes = [1], strides = [1]} : vector<16xf32> to vector<1xf32>
        %squeeze3A_830 = vector.extract %slice3A_829[0] : f32 from vector<1xf32>
        %broadcast_in_dim3A_831 = vector.broadcast %squeeze3A_830 : f32 to vector<16xf32>
        %mul3A_832 = arith.constant 16 : i32
        %mul3A_833 = arith.muli %scan3A_92, %mul3A_832 : i32
        %add3A_834 = arith.constant 11 : i32
        %add3A_835 = arith.addi %mul3A_833, %add3A_834 : i32
        %mul3A_836 = arith.mulf %broadcast_in_dim3A_828, %get3A_4 : vector<16xf32>
        %add3A_837 = arith.addf %mul3A_836, %get3A_16 : vector<16xf32>
        %swap3A_838 = arith.index_cast %add3A_835 : i32 to index
        %swap3A_839 = arith.constant 0 : index
        %swap3A_840 = tpu.vector_load %arg22[%swap3A_838, %swap3A_839] {strides = array<i32>} : memref<128x128xf32, #tpu.memory_space<vmem>>, vector<1x16xf32>,
        %swap3A_841 = vector.shape_cast %swap3A_840 : vector<1x16xf32> to vector<16xf32>
        %swap3A_842 = vector.shape_cast %add3A_837 : vector<16xf32> to vector<1x16xf32>
        tpu.vector_store %arg22[%swap3A_838, %swap3A_839], %swap3A_842 {strides = array<i32>} : memref<128x128xf32, #tpu.memory_space<vmem>>, vector<1x16xf32>,
        %mul3A_843 = arith.mulf %broadcast_in_dim3A_831, %get3A_28 : vector<16xf32>
        %add3A_844 = arith.addf %mul3A_843, %get3A_40 : vector<16xf32>
        %swap3A_845 = arith.index_cast %add3A_835 : i32 to index
        %swap3A_846 = arith.constant 64 : index
        %swap3A_847 = tpu.vector_load %arg22[%swap3A_845, %swap3A_846] {strides = array<i32>} : memref<128x128xf32, #tpu.memory_space<vmem>>, vector<1x16xf32>,
        %swap3A_848 = vector.shape_cast %swap3A_847 : vector<1x16xf32> to vector<16xf32>
        %swap3A_849 = vector.shape_cast %add3A_844 : vector<16xf32> to vector<1x16xf32>
        tpu.vector_store %arg22[%swap3A_845, %swap3A_846], %swap3A_849 {strides = array<i32>} : memref<128x128xf32, #tpu.memory_space<vmem>>, vector<1x16xf32>,
        %mul3A_850 = arith.mulf %broadcast_in_dim3A_828, %get3A_7 : vector<16xf32>
        %add3A_851 = arith.addf %mul3A_850, %get3A_19 : vector<16xf32>
        %swap3A_852 = arith.index_cast %add3A_835 : i32 to index
        %swap3A_853 = arith.constant 16 : index
        %swap3A_854 = tpu.vector_load %arg22[%swap3A_852, %swap3A_853] {strides = array<i32>} : memref<128x128xf32, #tpu.memory_space<vmem>>, vector<1x16xf32>,
        %swap3A_855 = vector.shape_cast %swap3A_854 : vector<1x16xf32> to vector<16xf32>
        %swap3A_856 = vector.shape_cast %add3A_851 : vector<16xf32> to vector<1x16xf32>
        tpu.vector_store %arg22[%swap3A_852, %swap3A_853], %swap3A_856 {strides = array<i32>} : memref<128x128xf32, #tpu.memory_space<vmem>>, vector<1x16xf32>,
        %mul3A_857 = arith.mulf %broadcast_in_dim3A_831, %get3A_31 : vector<16xf32>
        %add3A_858 = arith.addf %mul3A_857, %get3A_43 : vector<16xf32>
        %swap3A_859 = arith.index_cast %add3A_835 : i32 to index
        %swap3A_860 = arith.constant 80 : index
        %swap3A_861 = tpu.vector_load %arg22[%swap3A_859, %swap3A_860] {strides = array<i32>} : memref<128x128xf32, #tpu.memory_space<vmem>>, vector<1x16xf32>,
        %swap3A_862 = vector.shape_cast %swap3A_861 : vector<1x16xf32> to vector<16xf32>
        %swap3A_863 = vector.shape_cast %add3A_858 : vector<16xf32> to vector<1x16xf32>
        tpu.vector_store %arg22[%swap3A_859, %swap3A_860], %swap3A_863 {strides = array<i32>} : memref<128x128xf32, #tpu.memory_space<vmem>>, vector<1x16xf32>,
        %mul3A_864 = arith.mulf %broadcast_in_dim3A_828, %get3A_10 : vector<16xf32>
        %add3A_865 = arith.addf %mul3A_864, %get3A_22 : vector<16xf32>
        %swap3A_866 = arith.index_cast %add3A_835 : i32 to index
        %swap3A_867 = arith.constant 32 : index
        %swap3A_868 = tpu.vector_load %arg22[%swap3A_866, %swap3A_867] {strides = array<i32>} : memref<128x128xf32, #tpu.memory_space<vmem>>, vector<1x16xf32>,
        %swap3A_869 = vector.shape_cast %swap3A_868 : vector<1x16xf32> to vector<16xf32>
        %swap3A_870 = vector.shape_cast %add3A_865 : vector<16xf32> to vector<1x16xf32>
        tpu.vector_store %arg22[%swap3A_866, %swap3A_867], %swap3A_870 {strides = array<i32>} : memref<128x128xf32, #tpu.memory_space<vmem>>, vector<1x16xf32>,
        %mul3A_871 = arith.mulf %broadcast_in_dim3A_831, %get3A_34 : vector<16xf32>
        %add3A_872 = arith.addf %mul3A_871, %get3A_46 : vector<16xf32>
        %swap3A_873 = arith.index_cast %add3A_835 : i32 to index
        %swap3A_874 = arith.constant 96 : index
        %swap3A_875 = tpu.vector_load %arg22[%swap3A_873, %swap3A_874] {strides = array<i32>} : memref<128x128xf32, #tpu.memory_space<vmem>>, vector<1x16xf32>,
        %swap3A_876 = vector.shape_cast %swap3A_875 : vector<1x16xf32> to vector<16xf32>
        %swap3A_877 = vector.shape_cast %add3A_872 : vector<16xf32> to vector<1x16xf32>
        tpu.vector_store %arg22[%swap3A_873, %swap3A_874], %swap3A_877 {strides = array<i32>} : memref<128x128xf32, #tpu.memory_space<vmem>>, vector<1x16xf32>,
        %mul3A_878 = arith.mulf %broadcast_in_dim3A_828, %get3A_13 : vector<16xf32>
        %add3A_879 = arith.addf %mul3A_878, %get3A_25 : vector<16xf32>
        %swap3A_880 = arith.index_cast %add3A_835 : i32 to index
        %swap3A_881 = arith.constant 48 : index
        %swap3A_882 = tpu.vector_load %arg22[%swap3A_880, %swap3A_881] {strides = array<i32>} : memref<128x128xf32, #tpu.memory_space<vmem>>, vector<1x16xf32>,
        %swap3A_883 = vector.shape_cast %swap3A_882 : vector<1x16xf32> to vector<16xf32>
        %swap3A_884 = vector.shape_cast %add3A_879 : vector<16xf32> to vector<1x16xf32>
        tpu.vector_store %arg22[%swap3A_880, %swap3A_881], %swap3A_884 {strides = array<i32>} : memref<128x128xf32, #tpu.memory_space<vmem>>, vector<1x16xf32>,
        %mul3A_885 = arith.mulf %broadcast_in_dim3A_831, %get3A_37 : vector<16xf32>
        %add3A_886 = arith.addf %mul3A_885, %get3A_49 : vector<16xf32>
        %swap3A_887 = arith.index_cast %add3A_835 : i32 to index
        %swap3A_888 = arith.constant 112 : index
        %swap3A_889 = tpu.vector_load %arg22[%swap3A_887, %swap3A_888] {strides = array<i32>} : memref<128x128xf32, #tpu.memory_space<vmem>>, vector<1x16xf32>,
        %swap3A_890 = vector.shape_cast %swap3A_889 : vector<1x16xf32> to vector<16xf32>
        %swap3A_891 = vector.shape_cast %add3A_886 : vector<16xf32> to vector<1x16xf32>
        tpu.vector_store %arg22[%swap3A_887, %swap3A_888], %swap3A_891 {strides = array<i32>} : memref<128x128xf32, #tpu.memory_space<vmem>>, vector<1x16xf32>,
        %slice3A_892 = vector.extract_strided_slice %get3A_98 {offsets = [12], sizes = [1], strides = [1]} : vector<16xf32> to vector<1xf32>
        %squeeze3A_893 = vector.extract %slice3A_892[0] : f32 from vector<1xf32>
        %broadcast_in_dim3A_894 = vector.broadcast %squeeze3A_893 : f32 to vector<16xf32>
        %slice3A_895 = vector.extract_strided_slice %get3A_103 {offsets = [12], sizes = [1], strides = [1]} : vector<16xf32> to vector<1xf32>
        %squeeze3A_896 = vector.extract %slice3A_895[0] : f32 from vector<1xf32>
        %broadcast_in_dim3A_897 = vector.broadcast %squeeze3A_896 : f32 to vector<16xf32>
        %mul3A_898 = arith.constant 16 : i32
        %mul3A_899 = arith.muli %scan3A_92, %mul3A_898 : i32
        %add3A_900 = arith.constant 12 : i32
        %add3A_901 = arith.addi %mul3A_899, %add3A_900 : i32
        %mul3A_902 = arith.mulf %broadcast_in_dim3A_894, %get3A_4 : vector<16xf32>
        %add3A_903 = arith.addf %mul3A_902, %get3A_16 : vector<16xf32>
        %swap3A_904 = arith.index_cast %add3A_901 : i32 to index
        %swap3A_905 = arith.constant 0 : index
        %swap3A_906 = tpu.vector_load %arg22[%swap3A_904, %swap3A_905] {strides = array<i32>} : memref<128x128xf32, #tpu.memory_space<vmem>>, vector<1x16xf32>,
        %swap3A_907 = vector.shape_cast %swap3A_906 : vector<1x16xf32> to vector<16xf32>
        %swap3A_908 = vector.shape_cast %add3A_903 : vector<16xf32> to vector<1x16xf32>
        tpu.vector_store %arg22[%swap3A_904, %swap3A_905], %swap3A_908 {strides = array<i32>} : memref<128x128xf32, #tpu.memory_space<vmem>>, vector<1x16xf32>,
        %mul3A_909 = arith.mulf %broadcast_in_dim3A_897, %get3A_28 : vector<16xf32>
        %add3A_910 = arith.addf %mul3A_909, %get3A_40 : vector<16xf32>
        %swap3A_911 = arith.index_cast %add3A_901 : i32 to index
        %swap3A_912 = arith.constant 64 : index
        %swap3A_913 = tpu.vector_load %arg22[%swap3A_911, %swap3A_912] {strides = array<i32>} : memref<128x128xf32, #tpu.memory_space<vmem>>, vector<1x16xf32>,
        %swap3A_914 = vector.shape_cast %swap3A_913 : vector<1x16xf32> to vector<16xf32>
        %swap3A_915 = vector.shape_cast %add3A_910 : vector<16xf32> to vector<1x16xf32>
        tpu.vector_store %arg22[%swap3A_911, %swap3A_912], %swap3A_915 {strides = array<i32>} : memref<128x128xf32, #tpu.memory_space<vmem>>, vector<1x16xf32>,
        %mul3A_916 = arith.mulf %broadcast_in_dim3A_894, %get3A_7 : vector<16xf32>
        %add3A_917 = arith.addf %mul3A_916, %get3A_19 : vector<16xf32>
        %swap3A_918 = arith.index_cast %add3A_901 : i32 to index
        %swap3A_919 = arith.constant 16 : index
        %swap3A_920 = tpu.vector_load %arg22[%swap3A_918, %swap3A_919] {strides = array<i32>} : memref<128x128xf32, #tpu.memory_space<vmem>>, vector<1x16xf32>,
        %swap3A_921 = vector.shape_cast %swap3A_920 : vector<1x16xf32> to vector<16xf32>
        %swap3A_922 = vector.shape_cast %add3A_917 : vector<16xf32> to vector<1x16xf32>
        tpu.vector_store %arg22[%swap3A_918, %swap3A_919], %swap3A_922 {strides = array<i32>} : memref<128x128xf32, #tpu.memory_space<vmem>>, vector<1x16xf32>,
        %mul3A_923 = arith.mulf %broadcast_in_dim3A_897, %get3A_31 : vector<16xf32>
        %add3A_924 = arith.addf %mul3A_923, %get3A_43 : vector<16xf32>
        %swap3A_925 = arith.index_cast %add3A_901 : i32 to index
        %swap3A_926 = arith.constant 80 : index
        %swap3A_927 = tpu.vector_load %arg22[%swap3A_925, %swap3A_926] {strides = array<i32>} : memref<128x128xf32, #tpu.memory_space<vmem>>, vector<1x16xf32>,
        %swap3A_928 = vector.shape_cast %swap3A_927 : vector<1x16xf32> to vector<16xf32>
        %swap3A_929 = vector.shape_cast %add3A_924 : vector<16xf32> to vector<1x16xf32>
        tpu.vector_store %arg22[%swap3A_925, %swap3A_926], %swap3A_929 {strides = array<i32>} : memref<128x128xf32, #tpu.memory_space<vmem>>, vector<1x16xf32>,
        %mul3A_930 = arith.mulf %broadcast_in_dim3A_894, %get3A_10 : vector<16xf32>
        %add3A_931 = arith.addf %mul3A_930, %get3A_22 : vector<16xf32>
        %swap3A_932 = arith.index_cast %add3A_901 : i32 to index
        %swap3A_933 = arith.constant 32 : index
        %swap3A_934 = tpu.vector_load %arg22[%swap3A_932, %swap3A_933] {strides = array<i32>} : memref<128x128xf32, #tpu.memory_space<vmem>>, vector<1x16xf32>,
        %swap3A_935 = vector.shape_cast %swap3A_934 : vector<1x16xf32> to vector<16xf32>
        %swap3A_936 = vector.shape_cast %add3A_931 : vector<16xf32> to vector<1x16xf32>
        tpu.vector_store %arg22[%swap3A_932, %swap3A_933], %swap3A_936 {strides = array<i32>} : memref<128x128xf32, #tpu.memory_space<vmem>>, vector<1x16xf32>,
        %mul3A_937 = arith.mulf %broadcast_in_dim3A_897, %get3A_34 : vector<16xf32>
        %add3A_938 = arith.addf %mul3A_937, %get3A_46 : vector<16xf32>
        %swap3A_939 = arith.index_cast %add3A_901 : i32 to index
        %swap3A_940 = arith.constant 96 : index
        %swap3A_941 = tpu.vector_load %arg22[%swap3A_939, %swap3A_940] {strides = array<i32>} : memref<128x128xf32, #tpu.memory_space<vmem>>, vector<1x16xf32>,
        %swap3A_942 = vector.shape_cast %swap3A_941 : vector<1x16xf32> to vector<16xf32>
        %swap3A_943 = vector.shape_cast %add3A_938 : vector<16xf32> to vector<1x16xf32>
        tpu.vector_store %arg22[%swap3A_939, %swap3A_940], %swap3A_943 {strides = array<i32>} : memref<128x128xf32, #tpu.memory_space<vmem>>, vector<1x16xf32>,
        %mul3A_944 = arith.mulf %broadcast_in_dim3A_894, %get3A_13 : vector<16xf32>
        %add3A_945 = arith.addf %mul3A_944, %get3A_25 : vector<16xf32>
        %swap3A_946 = arith.index_cast %add3A_901 : i32 to index
        %swap3A_947 = arith.constant 48 : index
        %swap3A_948 = tpu.vector_load %arg22[%swap3A_946, %swap3A_947] {strides = array<i32>} : memref<128x128xf32, #tpu.memory_space<vmem>>, vector<1x16xf32>,
        %swap3A_949 = vector.shape_cast %swap3A_948 : vector<1x16xf32> to vector<16xf32>
        %swap3A_950 = vector.shape_cast %add3A_945 : vector<16xf32> to vector<1x16xf32>
        tpu.vector_store %arg22[%swap3A_946, %swap3A_947], %swap3A_950 {strides = array<i32>} : memref<128x128xf32, #tpu.memory_space<vmem>>, vector<1x16xf32>,
        %mul3A_951 = arith.mulf %broadcast_in_dim3A_897, %get3A_37 : vector<16xf32>
        %add3A_952 = arith.addf %mul3A_951, %get3A_49 : vector<16xf32>
        %swap3A_953 = arith.index_cast %add3A_901 : i32 to index
        %swap3A_954 = arith.constant 112 : index
        %swap3A_955 = tpu.vector_load %arg22[%swap3A_953, %swap3A_954] {strides = array<i32>} : memref<128x128xf32, #tpu.memory_space<vmem>>, vector<1x16xf32>,
        %swap3A_956 = vector.shape_cast %swap3A_955 : vector<1x16xf32> to vector<16xf32>
        %swap3A_957 = vector.shape_cast %add3A_952 : vector<16xf32> to vector<1x16xf32>
        tpu.vector_store %arg22[%swap3A_953, %swap3A_954], %swap3A_957 {strides = array<i32>} : memref<128x128xf32, #tpu.memory_space<vmem>>, vector<1x16xf32>,
        %slice3A_958 = vector.extract_strided_slice %get3A_98 {offsets = [13], sizes = [1], strides = [1]} : vector<16xf32> to vector<1xf32>
        %squeeze3A_959 = vector.extract %slice3A_958[0] : f32 from vector<1xf32>
        %broadcast_in_dim3A_960 = vector.broadcast %squeeze3A_959 : f32 to vector<16xf32>
        %slice3A_961 = vector.extract_strided_slice %get3A_103 {offsets = [13], sizes = [1], strides = [1]} : vector<16xf32> to vector<1xf32>
        %squeeze3A_962 = vector.extract %slice3A_961[0] : f32 from vector<1xf32>
        %broadcast_in_dim3A_963 = vector.broadcast %squeeze3A_962 : f32 to vector<16xf32>
        %mul3A_964 = arith.constant 16 : i32
        %mul3A_965 = arith.muli %scan3A_92, %mul3A_964 : i32
        %add3A_966 = arith.constant 13 : i32
        %add3A_967 = arith.addi %mul3A_965, %add3A_966 : i32
        %mul3A_968 = arith.mulf %broadcast_in_dim3A_960, %get3A_4 : vector<16xf32>
        %add3A_969 = arith.addf %mul3A_968, %get3A_16 : vector<16xf32>
        %swap3A_970 = arith.index_cast %add3A_967 : i32 to index
        %swap3A_971 = arith.constant 0 : index
        %swap3A_972 = tpu.vector_load %arg22[%swap3A_970, %swap3A_971] {strides = array<i32>} : memref<128x128xf32, #tpu.memory_space<vmem>>, vector<1x16xf32>,
        %swap3A_973 = vector.shape_cast %swap3A_972 : vector<1x16xf32> to vector<16xf32>
        %swap3A_974 = vector.shape_cast %add3A_969 : vector<16xf32> to vector<1x16xf32>
        tpu.vector_store %arg22[%swap3A_970, %swap3A_971], %swap3A_974 {strides = array<i32>} : memref<128x128xf32, #tpu.memory_space<vmem>>, vector<1x16xf32>,
        %mul3A_975 = arith.mulf %broadcast_in_dim3A_963, %get3A_28 : vector<16xf32>
        %add3A_976 = arith.addf %mul3A_975, %get3A_40 : vector<16xf32>
        %swap3A_977 = arith.index_cast %add3A_967 : i32 to index
        %swap3A_978 = arith.constant 64 : index
        %swap3A_979 = tpu.vector_load %arg22[%swap3A_977, %swap3A_978] {strides = array<i32>} : memref<128x128xf32, #tpu.memory_space<vmem>>, vector<1x16xf32>,
        %swap3A_980 = vector.shape_cast %swap3A_979 : vector<1x16xf32> to vector<16xf32>
        %swap3A_981 = vector.shape_cast %add3A_976 : vector<16xf32> to vector<1x16xf32>
        tpu.vector_store %arg22[%swap3A_977, %swap3A_978], %swap3A_981 {strides = array<i32>} : memref<128x128xf32, #tpu.memory_space<vmem>>, vector<1x16xf32>,
        %mul3A_982 = arith.mulf %broadcast_in_dim3A_960, %get3A_7 : vector<16xf32>
        %add3A_983 = arith.addf %mul3A_982, %get3A_19 : vector<16xf32>
        %swap3A_984 = arith.index_cast %add3A_967 : i32 to index
        %swap3A_985 = arith.constant 16 : index
        %swap3A_986 = tpu.vector_load %arg22[%swap3A_984, %swap3A_985] {strides = array<i32>} : memref<128x128xf32, #tpu.memory_space<vmem>>, vector<1x16xf32>,
        %swap3A_987 = vector.shape_cast %swap3A_986 : vector<1x16xf32> to vector<16xf32>
        %swap3A_988 = vector.shape_cast %add3A_983 : vector<16xf32> to vector<1x16xf32>
        tpu.vector_store %arg22[%swap3A_984, %swap3A_985], %swap3A_988 {strides = array<i32>} : memref<128x128xf32, #tpu.memory_space<vmem>>, vector<1x16xf32>,
        %mul3A_989 = arith.mulf %broadcast_in_dim3A_963, %get3A_31 : vector<16xf32>
        %add3A_990 = arith.addf %mul3A_989, %get3A_43 : vector<16xf32>
        %swap3A_991 = arith.index_cast %add3A_967 : i32 to index
        %swap3A_992 = arith.constant 80 : index
        %swap3A_993 = tpu.vector_load %arg22[%swap3A_991, %swap3A_992] {strides = array<i32>} : memref<128x128xf32, #tpu.memory_space<vmem>>, vector<1x16xf32>,
        %swap3A_994 = vector.shape_cast %swap3A_993 : vector<1x16xf32> to vector<16xf32>
        %swap3A_995 = vector.shape_cast %add3A_990 : vector<16xf32> to vector<1x16xf32>
        tpu.vector_store %arg22[%swap3A_991, %swap3A_992], %swap3A_995 {strides = array<i32>} : memref<128x128xf32, #tpu.memory_space<vmem>>, vector<1x16xf32>,
        %mul3A_996 = arith.mulf %broadcast_in_dim3A_960, %get3A_10 : vector<16xf32>
        %add3A_997 = arith.addf %mul3A_996, %get3A_22 : vector<16xf32>
        %swap3A_998 = arith.index_cast %add3A_967 : i32 to index
        %swap3A_999 = arith.constant 32 : index
        %swap3A_1000 = tpu.vector_load %arg22[%swap3A_998, %swap3A_999] {strides = array<i32>} : memref<128x128xf32, #tpu.memory_space<vmem>>, vector<1x16xf32>,
        %swap3A_1001 = vector.shape_cast %swap3A_1000 : vector<1x16xf32> to vector<16xf32>
        %swap3A_1002 = vector.shape_cast %add3A_997 : vector<16xf32> to vector<1x16xf32>
        tpu.vector_store %arg22[%swap3A_998, %swap3A_999], %swap3A_1002 {strides = array<i32>} : memref<128x128xf32, #tpu.memory_space<vmem>>, vector<1x16xf32>,
        %mul3A_1003 = arith.mulf %broadcast_in_dim3A_963, %get3A_34 : vector<16xf32>
        %add3A_1004 = arith.addf %mul3A_1003, %get3A_46 : vector<16xf32>
        %swap3A_1005 = arith.index_cast %add3A_967 : i32 to index
        %swap3A_1006 = arith.constant 96 : index
        %swap3A_1007 = tpu.vector_load %arg22[%swap3A_1005, %swap3A_1006] {strides = array<i32>} : memref<128x128xf32, #tpu.memory_space<vmem>>, vector<1x16xf32>,
        %swap3A_1008 = vector.shape_cast %swap3A_1007 : vector<1x16xf32> to vector<16xf32>
        %swap3A_1009 = vector.shape_cast %add3A_1004 : vector<16xf32> to vector<1x16xf32>
        tpu.vector_store %arg22[%swap3A_1005, %swap3A_1006], %swap3A_1009 {strides = array<i32>} : memref<128x128xf32, #tpu.memory_space<vmem>>, vector<1x16xf32>,
        %mul3A_1010 = arith.mulf %broadcast_in_dim3A_960, %get3A_13 : vector<16xf32>
        %add3A_1011 = arith.addf %mul3A_1010, %get3A_25 : vector<16xf32>
        %swap3A_1012 = arith.index_cast %add3A_967 : i32 to index
        %swap3A_1013 = arith.constant 48 : index
        %swap3A_1014 = tpu.vector_load %arg22[%swap3A_1012, %swap3A_1013] {strides = array<i32>} : memref<128x128xf32, #tpu.memory_space<vmem>>, vector<1x16xf32>,
        %swap3A_1015 = vector.shape_cast %swap3A_1014 : vector<1x16xf32> to vector<16xf32>
        %swap3A_1016 = vector.shape_cast %add3A_1011 : vector<16xf32> to vector<1x16xf32>
        tpu.vector_store %arg22[%swap3A_1012, %swap3A_1013], %swap3A_1016 {strides = array<i32>} : memref<128x128xf32, #tpu.memory_space<vmem>>, vector<1x16xf32>,
        %mul3A_1017 = arith.mulf %broadcast_in_dim3A_963, %get3A_37 : vector<16xf32>
        %add3A_1018 = arith.addf %mul3A_1017, %get3A_49 : vector<16xf32>
        %swap3A_1019 = arith.index_cast %add3A_967 : i32 to index
        %swap3A_1020 = arith.constant 112 : index
        %swap3A_1021 = tpu.vector_load %arg22[%swap3A_1019, %swap3A_1020] {strides = array<i32>} : memref<128x128xf32, #tpu.memory_space<vmem>>, vector<1x16xf32>,
        %swap3A_1022 = vector.shape_cast %swap3A_1021 : vector<1x16xf32> to vector<16xf32>
        %swap3A_1023 = vector.shape_cast %add3A_1018 : vector<16xf32> to vector<1x16xf32>
        tpu.vector_store %arg22[%swap3A_1019, %swap3A_1020], %swap3A_1023 {strides = array<i32>} : memref<128x128xf32, #tpu.memory_space<vmem>>, vector<1x16xf32>,
        %slice3A_1024 = vector.extract_strided_slice %get3A_98 {offsets = [14], sizes = [1], strides = [1]} : vector<16xf32> to vector<1xf32>
        %squeeze3A_1025 = vector.extract %slice3A_1024[0] : f32 from vector<1xf32>
        %broadcast_in_dim3A_1026 = vector.broadcast %squeeze3A_1025 : f32 to vector<16xf32>
        %slice3A_1027 = vector.extract_strided_slice %get3A_103 {offsets = [14], sizes = [1], strides = [1]} : vector<16xf32> to vector<1xf32>
        %squeeze3A_1028 = vector.extract %slice3A_1027[0] : f32 from vector<1xf32>
        %broadcast_in_dim3A_1029 = vector.broadcast %squeeze3A_1028 : f32 to vector<16xf32>
        %mul3A_1030 = arith.constant 16 : i32
        %mul3A_1031 = arith.muli %scan3A_92, %mul3A_1030 : i32
        %add3A_1032 = arith.constant 14 : i32
        %add3A_1033 = arith.addi %mul3A_1031, %add3A_1032 : i32
        %mul3A_1034 = arith.mulf %broadcast_in_dim3A_1026, %get3A_4 : vector<16xf32>
        %add3A_1035 = arith.addf %mul3A_1034, %get3A_16 : vector<16xf32>
        %swap3A_1036 = arith.index_cast %add3A_1033 : i32 to index
        %swap3A_1037 = arith.constant 0 : index
        %swap3A_1038 = tpu.vector_load %arg22[%swap3A_1036, %swap3A_1037] {strides = array<i32>} : memref<128x128xf32, #tpu.memory_space<vmem>>, vector<1x16xf32>,
        %swap3A_1039 = vector.shape_cast %swap3A_1038 : vector<1x16xf32> to vector<16xf32>
        %swap3A_1040 = vector.shape_cast %add3A_1035 : vector<16xf32> to vector<1x16xf32>
        tpu.vector_store %arg22[%swap3A_1036, %swap3A_1037], %swap3A_1040 {strides = array<i32>} : memref<128x128xf32, #tpu.memory_space<vmem>>, vector<1x16xf32>,
        %mul3A_1041 = arith.mulf %broadcast_in_dim3A_1029, %get3A_28 : vector<16xf32>
        %add3A_1042 = arith.addf %mul3A_1041, %get3A_40 : vector<16xf32>
        %swap3A_1043 = arith.index_cast %add3A_1033 : i32 to index
        %swap3A_1044 = arith.constant 64 : index
        %swap3A_1045 = tpu.vector_load %arg22[%swap3A_1043, %swap3A_1044] {strides = array<i32>} : memref<128x128xf32, #tpu.memory_space<vmem>>, vector<1x16xf32>,
        %swap3A_1046 = vector.shape_cast %swap3A_1045 : vector<1x16xf32> to vector<16xf32>
        %swap3A_1047 = vector.shape_cast %add3A_1042 : vector<16xf32> to vector<1x16xf32>
        tpu.vector_store %arg22[%swap3A_1043, %swap3A_1044], %swap3A_1047 {strides = array<i32>} : memref<128x128xf32, #tpu.memory_space<vmem>>, vector<1x16xf32>,
        %mul3A_1048 = arith.mulf %broadcast_in_dim3A_1026, %get3A_7 : vector<16xf32>
        %add3A_1049 = arith.addf %mul3A_1048, %get3A_19 : vector<16xf32>
        %swap3A_1050 = arith.index_cast %add3A_1033 : i32 to index
        %swap3A_1051 = arith.constant 16 : index
        %swap3A_1052 = tpu.vector_load %arg22[%swap3A_1050, %swap3A_1051] {strides = array<i32>} : memref<128x128xf32, #tpu.memory_space<vmem>>, vector<1x16xf32>,
        %swap3A_1053 = vector.shape_cast %swap3A_1052 : vector<1x16xf32> to vector<16xf32>
        %swap3A_1054 = vector.shape_cast %add3A_1049 : vector<16xf32> to vector<1x16xf32>
        tpu.vector_store %arg22[%swap3A_1050, %swap3A_1051], %swap3A_1054 {strides = array<i32>} : memref<128x128xf32, #tpu.memory_space<vmem>>, vector<1x16xf32>,
        %mul3A_1055 = arith.mulf %broadcast_in_dim3A_1029, %get3A_31 : vector<16xf32>
        %add3A_1056 = arith.addf %mul3A_1055, %get3A_43 : vector<16xf32>
        %swap3A_1057 = arith.index_cast %add3A_1033 : i32 to index
        %swap3A_1058 = arith.constant 80 : index
        %swap3A_1059 = tpu.vector_load %arg22[%swap3A_1057, %swap3A_1058] {strides = array<i32>} : memref<128x128xf32, #tpu.memory_space<vmem>>, vector<1x16xf32>,
        %swap3A_1060 = vector.shape_cast %swap3A_1059 : vector<1x16xf32> to vector<16xf32>
        %swap3A_1061 = vector.shape_cast %add3A_1056 : vector<16xf32> to vector<1x16xf32>
        tpu.vector_store %arg22[%swap3A_1057, %swap3A_1058], %swap3A_1061 {strides = array<i32>} : memref<128x128xf32, #tpu.memory_space<vmem>>, vector<1x16xf32>,
        %mul3A_1062 = arith.mulf %broadcast_in_dim3A_1026, %get3A_10 : vector<16xf32>
        %add3A_1063 = arith.addf %mul3A_1062, %get3A_22 : vector<16xf32>
        %swap3A_1064 = arith.index_cast %add3A_1033 : i32 to index
        %swap3A_1065 = arith.constant 32 : index
        %swap3A_1066 = tpu.vector_load %arg22[%swap3A_1064, %swap3A_1065] {strides = array<i32>} : memref<128x128xf32, #tpu.memory_space<vmem>>, vector<1x16xf32>,
        %swap3A_1067 = vector.shape_cast %swap3A_1066 : vector<1x16xf32> to vector<16xf32>
        %swap3A_1068 = vector.shape_cast %add3A_1063 : vector<16xf32> to vector<1x16xf32>
        tpu.vector_store %arg22[%swap3A_1064, %swap3A_1065], %swap3A_1068 {strides = array<i32>} : memref<128x128xf32, #tpu.memory_space<vmem>>, vector<1x16xf32>,
        %mul3A_1069 = arith.mulf %broadcast_in_dim3A_1029, %get3A_34 : vector<16xf32>
        %add3A_1070 = arith.addf %mul3A_1069, %get3A_46 : vector<16xf32>
        %swap3A_1071 = arith.index_cast %add3A_1033 : i32 to index
        %swap3A_1072 = arith.constant 96 : index
        %swap3A_1073 = tpu.vector_load %arg22[%swap3A_1071, %swap3A_1072] {strides = array<i32>} : memref<128x128xf32, #tpu.memory_space<vmem>>, vector<1x16xf32>,
        %swap3A_1074 = vector.shape_cast %swap3A_1073 : vector<1x16xf32> to vector<16xf32>
        %swap3A_1075 = vector.shape_cast %add3A_1070 : vector<16xf32> to vector<1x16xf32>
        tpu.vector_store %arg22[%swap3A_1071, %swap3A_1072], %swap3A_1075 {strides = array<i32>} : memref<128x128xf32, #tpu.memory_space<vmem>>, vector<1x16xf32>,
        %mul3A_1076 = arith.mulf %broadcast_in_dim3A_1026, %get3A_13 : vector<16xf32>
        %add3A_1077 = arith.addf %mul3A_1076, %get3A_25 : vector<16xf32>
        %swap3A_1078 = arith.index_cast %add3A_1033 : i32 to index
        %swap3A_1079 = arith.constant 48 : index
        %swap3A_1080 = tpu.vector_load %arg22[%swap3A_1078, %swap3A_1079] {strides = array<i32>} : memref<128x128xf32, #tpu.memory_space<vmem>>, vector<1x16xf32>,
        %swap3A_1081 = vector.shape_cast %swap3A_1080 : vector<1x16xf32> to vector<16xf32>
        %swap3A_1082 = vector.shape_cast %add3A_1077 : vector<16xf32> to vector<1x16xf32>
        tpu.vector_store %arg22[%swap3A_1078, %swap3A_1079], %swap3A_1082 {strides = array<i32>} : memref<128x128xf32, #tpu.memory_space<vmem>>, vector<1x16xf32>,
        %mul3A_1083 = arith.mulf %broadcast_in_dim3A_1029, %get3A_37 : vector<16xf32>
        %add3A_1084 = arith.addf %mul3A_1083, %get3A_49 : vector<16xf32>
        %swap3A_1085 = arith.index_cast %add3A_1033 : i32 to index
        %swap3A_1086 = arith.constant 112 : index
        %swap3A_1087 = tpu.vector_load %arg22[%swap3A_1085, %swap3A_1086] {strides = array<i32>} : memref<128x128xf32, #tpu.memory_space<vmem>>, vector<1x16xf32>,
        %swap3A_1088 = vector.shape_cast %swap3A_1087 : vector<1x16xf32> to vector<16xf32>
        %swap3A_1089 = vector.shape_cast %add3A_1084 : vector<16xf32> to vector<1x16xf32>
        tpu.vector_store %arg22[%swap3A_1085, %swap3A_1086], %swap3A_1089 {strides = array<i32>} : memref<128x128xf32, #tpu.memory_space<vmem>>, vector<1x16xf32>,
        %slice3A_1090 = vector.extract_strided_slice %get3A_98 {offsets = [15], sizes = [1], strides = [1]} : vector<16xf32> to vector<1xf32>
        %squeeze3A_1091 = vector.extract %slice3A_1090[0] : f32 from vector<1xf32>
        %broadcast_in_dim3A_1092 = vector.broadcast %squeeze3A_1091 : f32 to vector<16xf32>
        %slice3A_1093 = vector.extract_strided_slice %get3A_103 {offsets = [15], sizes = [1], strides = [1]} : vector<16xf32> to vector<1xf32>
        %squeeze3A_1094 = vector.extract %slice3A_1093[0] : f32 from vector<1xf32>
        %broadcast_in_dim3A_1095 = vector.broadcast %squeeze3A_1094 : f32 to vector<16xf32>
        %mul3A_1096 = arith.constant 16 : i32
        %mul3A_1097 = arith.muli %scan3A_92, %mul3A_1096 : i32
        %add3A_1098 = arith.constant 15 : i32
        %add3A_1099 = arith.addi %mul3A_1097, %add3A_1098 : i32
        %mul3A_1100 = arith.mulf %broadcast_in_dim3A_1092, %get3A_4 : vector<16xf32>
        %add3A_1101 = arith.addf %mul3A_1100, %get3A_16 : vector<16xf32>
        %swap3A_1102 = arith.index_cast %add3A_1099 : i32 to index
        %swap3A_1103 = arith.constant 0 : index
        %swap3A_1104 = tpu.vector_load %arg22[%swap3A_1102, %swap3A_1103] {strides = array<i32>} : memref<128x128xf32, #tpu.memory_space<vmem>>, vector<1x16xf32>,
        %swap3A_1105 = vector.shape_cast %swap3A_1104 : vector<1x16xf32> to vector<16xf32>
        %swap3A_1106 = vector.shape_cast %add3A_1101 : vector<16xf32> to vector<1x16xf32>
        tpu.vector_store %arg22[%swap3A_1102, %swap3A_1103], %swap3A_1106 {strides = array<i32>} : memref<128x128xf32, #tpu.memory_space<vmem>>, vector<1x16xf32>,
        %mul3A_1107 = arith.mulf %broadcast_in_dim3A_1095, %get3A_28 : vector<16xf32>
        %add3A_1108 = arith.addf %mul3A_1107, %get3A_40 : vector<16xf32>
        %swap3A_1109 = arith.index_cast %add3A_1099 : i32 to index
        %swap3A_1110 = arith.constant 64 : index
        %swap3A_1111 = tpu.vector_load %arg22[%swap3A_1109, %swap3A_1110] {strides = array<i32>} : memref<128x128xf32, #tpu.memory_space<vmem>>, vector<1x16xf32>,
        %swap3A_1112 = vector.shape_cast %swap3A_1111 : vector<1x16xf32> to vector<16xf32>
        %swap3A_1113 = vector.shape_cast %add3A_1108 : vector<16xf32> to vector<1x16xf32>
        tpu.vector_store %arg22[%swap3A_1109, %swap3A_1110], %swap3A_1113 {strides = array<i32>} : memref<128x128xf32, #tpu.memory_space<vmem>>, vector<1x16xf32>,
        %mul3A_1114 = arith.mulf %broadcast_in_dim3A_1092, %get3A_7 : vector<16xf32>
        %add3A_1115 = arith.addf %mul3A_1114, %get3A_19 : vector<16xf32>
        %swap3A_1116 = arith.index_cast %add3A_1099 : i32 to index
        %swap3A_1117 = arith.constant 16 : index
        %swap3A_1118 = tpu.vector_load %arg22[%swap3A_1116, %swap3A_1117] {strides = array<i32>} : memref<128x128xf32, #tpu.memory_space<vmem>>, vector<1x16xf32>,
        %swap3A_1119 = vector.shape_cast %swap3A_1118 : vector<1x16xf32> to vector<16xf32>
        %swap3A_1120 = vector.shape_cast %add3A_1115 : vector<16xf32> to vector<1x16xf32>
        tpu.vector_store %arg22[%swap3A_1116, %swap3A_1117], %swap3A_1120 {strides = array<i32>} : memref<128x128xf32, #tpu.memory_space<vmem>>, vector<1x16xf32>,
        %mul3A_1121 = arith.mulf %broadcast_in_dim3A_1095, %get3A_31 : vector<16xf32>
        %add3A_1122 = arith.addf %mul3A_1121, %get3A_43 : vector<16xf32>
        %swap3A_1123 = arith.index_cast %add3A_1099 : i32 to index
        %swap3A_1124 = arith.constant 80 : index
        %swap3A_1125 = tpu.vector_load %arg22[%swap3A_1123, %swap3A_1124] {strides = array<i32>} : memref<128x128xf32, #tpu.memory_space<vmem>>, vector<1x16xf32>,
        %swap3A_1126 = vector.shape_cast %swap3A_1125 : vector<1x16xf32> to vector<16xf32>
        %swap3A_1127 = vector.shape_cast %add3A_1122 : vector<16xf32> to vector<1x16xf32>
        tpu.vector_store %arg22[%swap3A_1123, %swap3A_1124], %swap3A_1127 {strides = array<i32>} : memref<128x128xf32, #tpu.memory_space<vmem>>, vector<1x16xf32>,
        %mul3A_1128 = arith.mulf %broadcast_in_dim3A_1092, %get3A_10 : vector<16xf32>
        %add3A_1129 = arith.addf %mul3A_1128, %get3A_22 : vector<16xf32>
        %swap3A_1130 = arith.index_cast %add3A_1099 : i32 to index
        %swap3A_1131 = arith.constant 32 : index
        %swap3A_1132 = tpu.vector_load %arg22[%swap3A_1130, %swap3A_1131] {strides = array<i32>} : memref<128x128xf32, #tpu.memory_space<vmem>>, vector<1x16xf32>,
        %swap3A_1133 = vector.shape_cast %swap3A_1132 : vector<1x16xf32> to vector<16xf32>
        %swap3A_1134 = vector.shape_cast %add3A_1129 : vector<16xf32> to vector<1x16xf32>
        tpu.vector_store %arg22[%swap3A_1130, %swap3A_1131], %swap3A_1134 {strides = array<i32>} : memref<128x128xf32, #tpu.memory_space<vmem>>, vector<1x16xf32>,
        %mul3A_1135 = arith.mulf %broadcast_in_dim3A_1095, %get3A_34 : vector<16xf32>
        %add3A_1136 = arith.addf %mul3A_1135, %get3A_46 : vector<16xf32>
        %swap3A_1137 = arith.index_cast %add3A_1099 : i32 to index
        %swap3A_1138 = arith.constant 96 : index
        %swap3A_1139 = tpu.vector_load %arg22[%swap3A_1137, %swap3A_1138] {strides = array<i32>} : memref<128x128xf32, #tpu.memory_space<vmem>>, vector<1x16xf32>,
        %swap3A_1140 = vector.shape_cast %swap3A_1139 : vector<1x16xf32> to vector<16xf32>
        %swap3A_1141 = vector.shape_cast %add3A_1136 : vector<16xf32> to vector<1x16xf32>
        tpu.vector_store %arg22[%swap3A_1137, %swap3A_1138], %swap3A_1141 {strides = array<i32>} : memref<128x128xf32, #tpu.memory_space<vmem>>, vector<1x16xf32>,
        %mul3A_1142 = arith.mulf %broadcast_in_dim3A_1092, %get3A_13 : vector<16xf32>
        %add3A_1143 = arith.addf %mul3A_1142, %get3A_25 : vector<16xf32>
        %swap3A_1144 = arith.index_cast %add3A_1099 : i32 to index
        %swap3A_1145 = arith.constant 48 : index
        %swap3A_1146 = tpu.vector_load %arg22[%swap3A_1144, %swap3A_1145] {strides = array<i32>} : memref<128x128xf32, #tpu.memory_space<vmem>>, vector<1x16xf32>,
        %swap3A_1147 = vector.shape_cast %swap3A_1146 : vector<1x16xf32> to vector<16xf32>
        %swap3A_1148 = vector.shape_cast %add3A_1143 : vector<16xf32> to vector<1x16xf32>
        tpu.vector_store %arg22[%swap3A_1144, %swap3A_1145], %swap3A_1148 {strides = array<i32>} : memref<128x128xf32, #tpu.memory_space<vmem>>, vector<1x16xf32>,
        %mul3A_1149 = arith.mulf %broadcast_in_dim3A_1095, %get3A_37 : vector<16xf32>
        %add3A_1150 = arith.addf %mul3A_1149, %get3A_49 : vector<16xf32>
        %swap3A_1151 = arith.index_cast %add3A_1099 : i32 to index
        %swap3A_1152 = arith.constant 112 : index
        %swap3A_1153 = tpu.vector_load %arg22[%swap3A_1151, %swap3A_1152] {strides = array<i32>} : memref<128x128xf32, #tpu.memory_space<vmem>>, vector<1x16xf32>,
        %swap3A_1154 = vector.shape_cast %swap3A_1153 : vector<1x16xf32> to vector<16xf32>
        %swap3A_1155 = vector.shape_cast %add3A_1150 : vector<16xf32> to vector<1x16xf32>
        tpu.vector_store %arg22[%swap3A_1151, %swap3A_1152], %swap3A_1155 {strides = array<i32>} : memref<128x128xf32, #tpu.memory_space<vmem>>, vector<1x16xf32>,
        %scan3A_1156 = arith.constant 0 : i32
        scf.yield %scan3A_1156 : i32
      }
      %scan3A_79 = arith.constant 8 : i32
      %dma_wait3A = arith.constant 0 : i32
      %dma_wait3A_80 = arith.constant 0 : i32
      %dma_wait3A_81 = tpu.memref_slice %arg8[%dma_wait3A, %dma_wait3A_80] : memref<50x32xf32, #tpu.memory_space<hbm>> -> memref<50x32xf32, #tpu.memory_space<hbm>>
      tpu.wait_indirect_dma semaphore(%arg26 : memref<!tpu.dma_semaphore, #tpu.memory_space<semaphore_mem>>) src(%dma_wait3A_81 : memref<50x32xf32, #tpu.memory_space<hbm>>) dst(%arg18 : memref<128x32xf32, #tpu.memory_space<vmem>>)
      %dma_wait3A_82 = arith.constant 0 : i32
      %dma_wait3A_83 = arith.constant 0 : i32
      %dma_wait3A_84 = tpu.memref_slice %arg9[%dma_wait3A_82, %dma_wait3A_83] : memref<8x32xf32, #tpu.memory_space<hbm>> -> memref<8x32xf32, #tpu.memory_space<hbm>>
      tpu.wait_indirect_dma semaphore(%arg26 : memref<!tpu.dma_semaphore, #tpu.memory_space<semaphore_mem>>) src(%dma_wait3A_84 : memref<8x32xf32, #tpu.memory_space<hbm>>) dst(%arg19 : memref<128x32xf32, #tpu.memory_space<vmem>>)
      %dma_wait3A_85 = arith.constant 0 : i32
      %dma_wait3A_86 = arith.constant 0 : i32
      %dma_wait3A_87 = tpu.memref_slice %arg10[%dma_wait3A_85, %dma_wait3A_86] : memref<252x32xf32, #tpu.memory_space<hbm>> -> memref<252x32xf32, #tpu.memory_space<hbm>>
      tpu.wait_indirect_dma semaphore(%arg26 : memref<!tpu.dma_semaphore, #tpu.memory_space<semaphore_mem>>) src(%dma_wait3A_87 : memref<252x32xf32, #tpu.memory_space<hbm>>) dst(%arg20 : memref<128x32xf32, #tpu.memory_space<vmem>>)
      %dma_wait3A_88 = arith.constant 0 : i32
      %dma_wait3A_89 = arith.constant 0 : i32
      %dma_wait3A_90 = tpu.memref_slice %arg11[%dma_wait3A_88, %dma_wait3A_89] : memref<252x32xf32, #tpu.memory_space<hbm>> -> memref<252x32xf32, #tpu.memory_space<hbm>>
      tpu.wait_indirect_dma semaphore(%arg26 : memref<!tpu.dma_semaphore, #tpu.memory_space<semaphore_mem>>) src(%dma_wait3A_90 : memref<252x32xf32, #tpu.memory_space<hbm>>) dst(%arg21 : memref<128x32xf32, #tpu.memory_space<vmem>>)
      "tpu.region"() ({
        %run_scoped3A = tpu.sem_alloc : memref<!tpu.dma_semaphore, #tpu.memory_space<semaphore_mem>>
        %dma_start3A_92 = arith.constant 0 : i32
        %dma_start3A_93 = tpu.memref_slice %arg13[%add3A_61, %dma_start3A_92] : memref<640000x256xf32, #tpu.memory_space<hbm>> -> memref<128x32xf32, #tpu.memory_space<hbm>>
        %dma_start3A_94 = arith.constant 0 : i32
        %dma_start3A_95 = tpu.memref_slice %arg13[%add3A_61, %dma_start3A_94] : memref<640000x256xf32, #tpu.memory_space<hbm>> -> memref<128x32xf32, #tpu.memory_space<hbm>>
        tpu.enqueue_dma source(%arg18 : memref<128x32xf32, #tpu.memory_space<vmem>>) target(%dma_start3A_95 : memref<128x32xf32, #tpu.memory_space<hbm>>) target_semaphore(%run_scoped3A : memref<!tpu.dma_semaphore, #tpu.memory_space<semaphore_mem>>)
        %dma_wait3A_96 = arith.constant 0 : i32
        %dma_wait3A_97 = tpu.memref_slice %arg13[%add3A_61, %dma_wait3A_96] : memref<640000x256xf32, #tpu.memory_space<hbm>> -> memref<128x32xf32, #tpu.memory_space<hbm>>
        %dma_wait3A_98 = arith.constant 0 : i32
        %dma_wait3A_99 = tpu.memref_slice %arg13[%add3A_61, %dma_wait3A_98] : memref<640000x256xf32, #tpu.memory_space<hbm>> -> memref<128x32xf32, #tpu.memory_space<hbm>>
        tpu.wait_dma2 semaphore(%run_scoped3A : memref<!tpu.dma_semaphore, #tpu.memory_space<semaphore_mem>>) src(%arg18 : memref<128x32xf32, #tpu.memory_space<vmem>>) dst(%dma_wait3A_99 : memref<128x32xf32, #tpu.memory_space<hbm>>)
        tpu.yield
      }) : () -> ()
      "tpu.region"() ({
        %run_scoped3A = tpu.sem_alloc : memref<!tpu.dma_semaphore, #tpu.memory_space<semaphore_mem>>
        %dma_start3A_92 = arith.constant 32 : i32
        %dma_start3A_93 = tpu.memref_slice %arg13[%add3A_61, %dma_start3A_92] : memref<640000x256xf32, #tpu.memory_space<hbm>> -> memref<128x32xf32, #tpu.memory_space<hbm>>
        %dma_start3A_94 = arith.constant 32 : i32
        %dma_start3A_95 = tpu.memref_slice %arg13[%add3A_61, %dma_start3A_94] : memref<640000x256xf32, #tpu.memory_space<hbm>> -> memref<128x32xf32, #tpu.memory_space<hbm>>
        tpu.enqueue_dma source(%arg19 : memref<128x32xf32, #tpu.memory_space<vmem>>) target(%dma_start3A_95 : memref<128x32xf32, #tpu.memory_space<hbm>>) target_semaphore(%run_scoped3A : memref<!tpu.dma_semaphore, #tpu.memory_space<semaphore_mem>>)
        %dma_wait3A_96 = arith.constant 32 : i32
        %dma_wait3A_97 = tpu.memref_slice %arg13[%add3A_61, %dma_wait3A_96] : memref<640000x256xf32, #tpu.memory_space<hbm>> -> memref<128x32xf32, #tpu.memory_space<hbm>>
        %dma_wait3A_98 = arith.constant 32 : i32
        %dma_wait3A_99 = tpu.memref_slice %arg13[%add3A_61, %dma_wait3A_98] : memref<640000x256xf32, #tpu.memory_space<hbm>> -> memref<128x32xf32, #tpu.memory_space<hbm>>
        tpu.wait_dma2 semaphore(%run_scoped3A : memref<!tpu.dma_semaphore, #tpu.memory_space<semaphore_mem>>) src(%arg19 : memref<128x32xf32, #tpu.memory_space<vmem>>) dst(%dma_wait3A_99 : memref<128x32xf32, #tpu.memory_space<hbm>>)
        tpu.yield
      }) : () -> ()
      "tpu.region"() ({
        %run_scoped3A = tpu.sem_alloc : memref<!tpu.dma_semaphore, #tpu.memory_space<semaphore_mem>>
        %dma_start3A_92 = arith.constant 64 : i32
        %dma_start3A_93 = tpu.memref_slice %arg13[%add3A_61, %dma_start3A_92] : memref<640000x256xf32, #tpu.memory_space<hbm>> -> memref<128x32xf32, #tpu.memory_space<hbm>>
        %dma_start3A_94 = arith.constant 64 : i32
        %dma_start3A_95 = tpu.memref_slice %arg13[%add3A_61, %dma_start3A_94] : memref<640000x256xf32, #tpu.memory_space<hbm>> -> memref<128x32xf32, #tpu.memory_space<hbm>>
        tpu.enqueue_dma source(%arg20 : memref<128x32xf32, #tpu.memory_space<vmem>>) target(%dma_start3A_95 : memref<128x32xf32, #tpu.memory_space<hbm>>) target_semaphore(%run_scoped3A : memref<!tpu.dma_semaphore, #tpu.memory_space<semaphore_mem>>)
        %dma_wait3A_96 = arith.constant 64 : i32
        %dma_wait3A_97 = tpu.memref_slice %arg13[%add3A_61, %dma_wait3A_96] : memref<640000x256xf32, #tpu.memory_space<hbm>> -> memref<128x32xf32, #tpu.memory_space<hbm>>
        %dma_wait3A_98 = arith.constant 64 : i32
        %dma_wait3A_99 = tpu.memref_slice %arg13[%add3A_61, %dma_wait3A_98] : memref<640000x256xf32, #tpu.memory_space<hbm>> -> memref<128x32xf32, #tpu.memory_space<hbm>>
        tpu.wait_dma2 semaphore(%run_scoped3A : memref<!tpu.dma_semaphore, #tpu.memory_space<semaphore_mem>>) src(%arg20 : memref<128x32xf32, #tpu.memory_space<vmem>>) dst(%dma_wait3A_99 : memref<128x32xf32, #tpu.memory_space<hbm>>)
        tpu.yield
      }) : () -> ()
      "tpu.region"() ({
        %run_scoped3A = tpu.sem_alloc : memref<!tpu.dma_semaphore, #tpu.memory_space<semaphore_mem>>
        %dma_start3A_92 = arith.constant 96 : i32
        %dma_start3A_93 = tpu.memref_slice %arg13[%add3A_61, %dma_start3A_92] : memref<640000x256xf32, #tpu.memory_space<hbm>> -> memref<128x32xf32, #tpu.memory_space<hbm>>
        %dma_start3A_94 = arith.constant 96 : i32
        %dma_start3A_95 = tpu.memref_slice %arg13[%add3A_61, %dma_start3A_94] : memref<640000x256xf32, #tpu.memory_space<hbm>> -> memref<128x32xf32, #tpu.memory_space<hbm>>
        tpu.enqueue_dma source(%arg21 : memref<128x32xf32, #tpu.memory_space<vmem>>) target(%dma_start3A_95 : memref<128x32xf32, #tpu.memory_space<hbm>>) target_semaphore(%run_scoped3A : memref<!tpu.dma_semaphore, #tpu.memory_space<semaphore_mem>>)
        %dma_wait3A_96 = arith.constant 96 : i32
        %dma_wait3A_97 = tpu.memref_slice %arg13[%add3A_61, %dma_wait3A_96] : memref<640000x256xf32, #tpu.memory_space<hbm>> -> memref<128x32xf32, #tpu.memory_space<hbm>>
        %dma_wait3A_98 = arith.constant 96 : i32
        %dma_wait3A_99 = tpu.memref_slice %arg13[%add3A_61, %dma_wait3A_98] : memref<640000x256xf32, #tpu.memory_space<hbm>> -> memref<128x32xf32, #tpu.memory_space<hbm>>
        tpu.wait_dma2 semaphore(%run_scoped3A : memref<!tpu.dma_semaphore, #tpu.memory_space<semaphore_mem>>) src(%arg21 : memref<128x32xf32, #tpu.memory_space<vmem>>) dst(%dma_wait3A_99 : memref<128x32xf32, #tpu.memory_space<hbm>>)
        tpu.yield
      }) : () -> ()
      "tpu.region"() ({
        %run_scoped3A = tpu.sem_alloc : memref<!tpu.dma_semaphore, #tpu.memory_space<semaphore_mem>>
        %dma_start3A_92 = arith.constant 128 : i32
        %dma_start3A_93 = tpu.memref_slice %arg13[%add3A_61, %dma_start3A_92] : memref<640000x256xf32, #tpu.memory_space<hbm>> -> memref<128x128xf32, #tpu.memory_space<hbm>>
        %dma_start3A_94 = arith.constant 128 : i32
        %dma_start3A_95 = tpu.memref_slice %arg13[%add3A_61, %dma_start3A_94] : memref<640000x256xf32, #tpu.memory_space<hbm>> -> memref<128x128xf32, #tpu.memory_space<hbm>>
        tpu.enqueue_dma source(%arg22 : memref<128x128xf32, #tpu.memory_space<vmem>>) target(%dma_start3A_95 : memref<128x128xf32, #tpu.memory_space<hbm>>) target_semaphore(%run_scoped3A : memref<!tpu.dma_semaphore, #tpu.memory_space<semaphore_mem>>)
        %dma_wait3A_96 = arith.constant 128 : i32
        %dma_wait3A_97 = tpu.memref_slice %arg13[%add3A_61, %dma_wait3A_96] : memref<640000x256xf32, #tpu.memory_space<hbm>> -> memref<128x128xf32, #tpu.memory_space<hbm>>
        %dma_wait3A_98 = arith.constant 128 : i32
        %dma_wait3A_99 = tpu.memref_slice %arg13[%add3A_61, %dma_wait3A_98] : memref<640000x256xf32, #tpu.memory_space<hbm>> -> memref<128x128xf32, #tpu.memory_space<hbm>>
        tpu.wait_dma2 semaphore(%run_scoped3A : memref<!tpu.dma_semaphore, #tpu.memory_space<semaphore_mem>>) src(%arg22 : memref<128x128xf32, #tpu.memory_space<vmem>>) dst(%dma_wait3A_99 : memref<128x128xf32, #tpu.memory_space<hbm>>)
        tpu.yield
      }) : () -> ()
      %scan3A_91 = arith.constant 0 : i32
      scf.yield %scan3A_91 : i32
    }
    %scan3A_55 = arith.constant 157 : i32
    return
  }
}

</mosaic_0001>

<sc_bundles>
// kernel: kernel.3.cloned.1.call-start
scs
__scs_entry_jumppad:
0x0: {  	(pc) =	sbr.rel $0x88, $3  }
0x1: {  	(tag) =	ssettag $0x0;
	lr =	simm.s32 $0x1  }
0x2: {  	[smem:$0x3F98] =	sst lr;
	_ =	strace $0xD0000000  }
0x3: {  	_ = 	snop  }
0x4: {  	_ = 	snop  }
0x5: {  	_ = 	snop  }
0x6: {  	_ = 	snop  }
0x7: {  	_ = 	snop  }
__scs_overlays_trampoline_lowered:
0x8: {  	[smem:$0x3FA7] =	sst s0  }
0x9: {  	[smem:$0x3FA8] =	sst s1  }
0xa: {  	[smem:$0x3FA9] =	sst s2  }
0xb: {  	[smem:$0x3FAA] =	sst s3  }
0xc: {  	[smem:$0x3FAB] =	sst s4  }
0xd: {  	[smem:$0x3FAC] =	sst s5  }
0xe: {  	[smem:$0x3FAD] =	sst s6  }
0xf: {  	[smem:$0x3FAE] =	sst s7  }
0x10: {  	[smem:$0x3FAF] =	sst s8  }
0x11: {  	[smem:$0x3FB0] =	sst s9;
	s0 =	simm.s32 @!p0 $0x0  }
0x12: {  	s1 =	sld [smem:$0x3F96];
	s0 =	simm.s32 @p0 $0x1  }
0x13: {  	[smem:$0x3FB1] =	sst s0;
	s0 =	simm.s32 @!p1 $0x0  }
0x14: {  	s2 =	sld [smem:$0x3F95];
	s0 =	simm.s32 @p1 $0x1  }
0x15: {  	[smem:$0x3FB2] =	sst s0;
	s0 =	simm.s32 @!p2 $0x0  }
0x16: {  	s3 =	sld [smem:$0x3FDB];
	s0 =	simm.s32 @p2 $0x1  }
0x17: {  	s4 =	simm.s32 $0x1BF5;
	[smem:$0x3FB4] =	sst s0  }
0x18: {  	s0 =	sld [smem:$0x3F97];
	_ =	swait.ge [sflag:s4], $0x0  }
0x19: {  	s7 =	sld [smem:$0x3F98]  }
0x1a: {  	s8 =	sadd.s32 $0xFFFFE003, lr  }
0x1b: {  	s9 =	sadd.s32 $0xFFFFFEF7, lr;
	s5 =	simm.s32 $0xFFFFFFFF;
	p2 =	slt.u32 s8, $0xFFFFF086  }
0x1c: {  	p1 =	slt.u32 s9, $0xF7A;
	s5 =	simm.s32 @!p2 $0x0  }
0x1d: {  	s5 =	simm.s32 @p1 $0x1;
	p0 =	seq.s32 s7, s2  }
0x1e: {  	s7 =	smul.u32 @!p0 $0xF7A, s2;
	p2 =	seq.s32 @!p0 s5, $0x0  }
0x1f: {  	s9 =	smul.u32 $0xF7A, s1;
	s8 =	simm.s32 @!p0 $0x1BF5;
	p2 =	por !p2, p0  }
0x20: {  	[sflag:s8] =	ssyncset.s32 @!p0 $0xFFFFF086;
	s6 =	sadd.s32 @!p0 s3, s7;
	s7 =	simm.s32 @!p0 $0x108  }
0x21: {  	s3 =	sadd.s32 s3, s9;
	s6 =	sadd.s32 @!p0 $0x88, s6;
	s7 =	simm.s32 @p2 $0x1082  }
0x22: {  	[simem:s7], [sflag:s8] =	dma.local @!p0 [hbm:s6], $0xF7A  }
0x23: {  	s9 =	sor.u32 $0xD0000000, s2;
	s6 =	simm.s32 $0x108;
	_ =	swait.ge @!p0 [sflag:s8], $0x0  }
0x24: {  	s3 =	sadd.s32 $0x88, s3;
	s6 =	simm.s32 @!p1 $0x1082;
	[sflag:s4] =	ssyncset.s32 $0xFFFFF086  }
0x25: {  	[simem:s6], [sflag:s4] =	dma.local [hbm:s3], $0xF7A  }
0x26: {  	[smem:$0x3F98] =	sst s1;
	(tag) =	ssettag s2;
	_ =	strace s9  }
0x27: {  	s1 =	sld [smem:$0x3FA8]  }
0x28: {  	s2 =	sld [smem:$0x3FA9]  }
0x29: {  	s4 =	sld [smem:$0x3FAB]  }
0x2a: {  	p0 =	seq.s32 s5, $0x0;
	s5 =	sld [smem:$0x3FAC]  }
0x2b: {  	s6 =	sld [smem:$0x3FAD]  }
0x2c: {  	s7 =	sld [smem:$0x3FAE]  }
0x2d: {  	s3 =	simm.s32 $0x108;
	s8 =	sld [smem:$0x3FAF]  }
0x2e: {  	s3 =	simm.s32 @!p0 $0x1082;
	s9 =	sld [smem:$0x3FB0]  }
0x2f: {  	lr =	sadd.s32 s0, s3;
	s0 =	sld [smem:$0x3FA7]  }
0x30: {  	s3 =	sld [smem:$0x3FAA]  }
0x31: {  	[smem:$0x3FB3] =	sst s10  }
0x32: {  	s10 =	sld [smem:$0x3FB1];
	_ =	sdelay $0x3  }
0x33: {  	p0 =	seq.s32 s10, $0x1;
	s10 =	sld [smem:$0x3FB3];
	_ =	sdelay $0x3  }
0x34: {  	[smem:$0x3FB3] =	sst s10  }
0x35: {  	s10 =	sld [smem:$0x3FB2];
	_ =	sdelay $0x3  }
0x36: {  	p1 =	seq.s32 s10, $0x1;
	s10 =	sld [smem:$0x3FB3];
	_ =	sdelay $0x3  }
0x37: {  	[smem:$0x3FB3] =	sst s10  }
0x38: {  	s10 =	sld [smem:$0x3FB4]  }
0x39: {  	_ = 	snop;
	(pc) =	sbr.ind lr, $3  }
0x3a: {  	_ = 	snop  }
0x3b: {  	_ = 	snop  }
0x3c: {  	p2 =	seq.s32 s10, $0x1;
	s10 =	sld [smem:$0x3FB3]  }
0x3d: {  	_ =	shalt  }
0x3e: {  	_ =	shalt  }
0x3f: {  	_ =	shalt  }
0x40: {  	_ =	shalt  }
0x41: {  	_ =	shalt  }
0x42: {  	_ =	shalt  }
0x43: {  	_ =	shalt  }
0x44: {  	_ =	shalt  }
0x45: {  	_ =	shalt  }
0x46: {  	_ =	shalt  }
0x47: {  	_ =	shalt  }
0x48: {  	_ =	shalt  }
0x49: {  	_ =	shalt  }
0x4a: {  	_ =	shalt  }
0x4b: {  	_ =	shalt  }
0x4c: {  	_ =	shalt  }
0x4d: {  	_ =	shalt  }
0x4e: {  	_ =	shalt  }
0x4f: {  	_ =	shalt  }
0x50: {  	_ =	shalt  }
0x51: {  	_ =	shalt  }
0x52: {  	_ =	shalt  }
0x53: {  	_ =	shalt  }
0x54: {  	_ =	shalt  }
0x55: {  	_ =	shalt  }
0x56: {  	_ =	shalt  }
0x57: {  	_ =	shalt  }
0x58: {  	_ =	shalt  }
0x59: {  	_ =	shalt  }
0x5a: {  	_ =	shalt  }
0x5b: {  	_ =	shalt  }
0x5c: {  	_ =	shalt  }
0x5d: {  	_ =	shalt  }
0x5e: {  	_ =	shalt  }
0x5f: {  	_ =	shalt  }
0x60: {  	_ =	shalt  }
0x61: {  	_ =	shalt  }
0x62: {  	_ =	shalt  }
0x63: {  	_ =	shalt  }
0x64: {  	_ =	shalt  }
0x65: {  	_ =	shalt  }
0x66: {  	_ =	shalt  }
0x67: {  	_ =	shalt  }
0x68: {  	_ =	shalt  }
0x69: {  	_ =	shalt  }
0x6a: {  	_ =	shalt  }
0x6b: {  	_ =	shalt  }
0x6c: {  	_ =	shalt  }
0x6d: {  	_ =	shalt  }
0x6e: {  	_ =	shalt  }
0x6f: {  	_ =	shalt  }
0x70: {  	_ =	shalt  }
0x71: {  	_ =	shalt  }
0x72: {  	_ =	shalt  }
0x73: {  	_ =	shalt  }
0x74: {  	_ =	shalt  }
0x75: {  	_ =	shalt  }
0x76: {  	_ =	shalt  }
0x77: {  	_ =	shalt  }
0x78: {  	_ =	shalt  }
0x79: {  	_ =	shalt  }
0x7a: {  	_ =	shalt  }
0x7b: {  	_ =	shalt  }
0x7c: {  	_ =	shalt  }
0x7d: {  	_ =	shalt  }
0x7e: {  	_ =	shalt  }
0x7f: {  	_ =	shalt  }
0x80: {  	_ =	shalt  }
0x81: {  	_ =	shalt  }
0x82: {  	_ =	shalt  }
0x83: {  	_ =	shalt  }
0x84: {  	_ =	shalt  }
0x85: {  	_ =	shalt  }
0x86: {  	_ =	shalt  }
0x87: {  	_ =	shalt  }
.Lfunc_end0:
.L_simem_size_0:
called_computation_lowered:
.L_overlay_start_0:
0x88: {  	s2 =	sld [smem:$0x3FD9]  }
0x89: {  	s3 =	sld [smem:$0x3FFE];
	_ =	sdelay $0x1  }
0x8a: {  	s1 =	srdreg.scid  }
0x8b: {  	s0 =	sand.u32 $0x1, s1  }
0x8c: {  	s17 =	sshll.u32 s0, $0xA;
	s2 =	sadd.s32 s3, s2  }
0x8d: {  	s2 =	sadd.s32 s2, s17  }
0x8e: {  	[smem:$0x3FBF] =	sst s2  }
0x8f: {  	_ = 	snop  }
0x90: {  	s2 =	sld [smem:$0x3FD0];
	(tm) =	ssettm $0x1  }
0x91: {  	s18 =	sld [smem:$0x3FFB];
	_ =	sdelay $0x3  }
0x92: {  	_ =	strace s18  }
0x93: {  	s3 =	sld [smem:$0x3FFC];
	_ =	sdelay $0x3  }
0x94: {  	_ =	strace s3  }
0x95: {  	s3 =	sld [smem:$0x3FFD];
	_ =	sdelay $0x3  }
0x96: {  	_ =	strace s3  }
0x97: {  	_ =	strace $0x8FFFFFFF  }
0x98: {  	s19 =	sld [smem:$0x3FDB];
	_ =	sdelay $0x1  }
0x99: {  	s4 =	simm.s32 $_scs_section_size  }
0x9a: {  	s5 =	simm.s32 $_size__tile_overlayer_lowered;
	s6 =	simm.s32 $_tile_overlayer_lowered  }
0x9b: {  	s22 =	simm.s32 $0x1BFF;
	s21 =	sshll.u32 s6, $0x1;
	s3 =	sadd.s32 s4, s19  }
0x9c: {  	s7 =	simm.s32 $0x0;
	s20 =	sshll.u32 s5, $0x1;
	s5 =	sadd.s32 s21, s3  }
0x9d: {  	[timem:s7], [sflag:s22] =	dma.local [hbm:s5], s20  }
0x9e: {  	_ =	swait.ge [sflag:s22], s20  }
0x9f: {  	s4 =	ssub.s32 $0x0, s20;
	[sflag:s22] =	ssyncset.done $0x0  }
0xa0: {  	[sflag:s22] =	ssyncadd.s32 s4;
	_ =	sdelay $0x1  }
0xa1: {  	s23 =	simm.s32 $0x1B8B  }
0xa2: {  	_ =	swait.ge [sflag:s23], $0x1  }
0xa3: {  	[sflag:s23] =	ssyncset.done $0x0  }
0xa4: {  	s25 =	simm.s32 $0x1B8E;
	s24 =	sld [smem:$0x3FFE];
	[sflag:s23] =	ssyncadd.s32 $0xFFFFFFFF  }
0xa5: {  	s26 =	simm.s32 $execute0_lowered;
	[smem:$0x3FD2] =	sst s25  }
0xa6: {  	s5 =	sshll.u32 s26, $0x1;
	_ =	strace $0x80000046;
	[dreg:$0x1] =	wrdreg $0xFFFFFFFF  }
0xa7: {  	s28 =	simm.s32 $_size_execute0_lowered;
	s3 =	sadd.s32 s3, s5;
	[dreg:$0x0] =	wrdreg $0x0  }
0xa8: {  	s5 =	sshll.u32 s28, $0x1;
	[dreg:$0x2] =	wrdreg s3  }
0xa9: {  	[dreg:$0x3] =	wrdreg s5  }
0xaa: {  	[dreg:$0x4] =	wrdreg $0xC0  }
0xab: {  	_ =	task [dreg:s7], $0x5FFFF  }
0xac: {  	[dreg:$0x1] =	wrdreg $0xFFFFFFFF  }
0xad: {  	[dreg:$0x0] =	wrdreg $0x60  }
0xae: {  	[dreg:$0x2] =	wrdreg s24  }
0xaf: {  	[dreg:$0x3] =	wrdreg s2  }
0xb0: {  	[dreg:$0x4] =	wrdreg $0x9  }
0xb1: {  	_ =	task.clear_ibuf [dreg:s7], $0x5FFFF;
	_ =	strace $0x90000046  }
0xb2: {  	s29 =	simm.s32 $0x9;
	_ =	strace $0x80000048  }
0xb3: {  	_ =	swait.ge [sflag:s29], $0x1  }
0xb4: {  	[sflag:s29] =	ssyncadd.s32 $0xFFFFFFFF  }
0xb5: {  	_ =	strace $0x90000048  }
0xb6: {  	_ =	sfence  }
0xb7: {  	s30 =	sld [smem:$0x0];
	_ =	sdelay $0x2  }
0xb8: {  	s31 =	sshll.u32 s1, $0xD;
	s1 =	sshrl.u32 s1, $0x2  }
0xb9: {  	s3 =	sand.u32 $0x4000, s31;
	s1 =	sadd.s32 s1, s30  }
0xba: {  	s0 =	sor.u32 s3, s0;
	s1 =	sshll.u32 s1, $0x11  }
0xbb: {  	s0 =	sor.u32 s1, s0  }
0xbc: {  	s0 =	sadd.s32 $0x8F2B, s0  }
0xbd: {  	[sflag:s0] =	ssyncadd.remote.s32 $0x1  }
0xbe: {  	_ =	sfence.sel $0xFFFF  }
0xbf: {  	[dreg:$0x0] =	wrdreg $0xFFFFFFFF;
	(pc) =	sbr.abs _section_cstart, $3  }
0xc0: {  	[dreg:$0x1] =	wrdreg $0xFFFFFFFF  }
0xc1: {  	_ =	task.clear_ibuf [dreg:s7], $0x2FFFF;
	_ =	strace $0x9FFFFFFF  }
0xc2: {  	(tm) =	ssettm $0x7FFFFFFF  }
0xc3: {  	_ =	shalt  }
tec
execute0_lowered:
.L_overlay_start_1:
0x0: {  	(tag) =	ssettag $0x1  }
0x1: {  	s0 =	rddreg [dreg:$0x0];
	s1 =	simm.s32 $0x0;
	s25 =	srdreg.scid  }
0x2: {  	s13 =	stileid.u32;
	s22 =	simm.s32 $0x2;
	s23 =	simm.s32 $0x80  }
0x3: {  	s24 =	simm.s32 $0x100;
	s29 =	simm.s32 $0x200;
	s30 =	simm.s32 $0x1200  }
0x4: {  	s31 =	simm.s32 $0x2200;
	s21 =	simm.s32 $0x20;
	[smem:$0x7FF] =	sst s1  }
0x5: {  	s3 =	sadd.s32 $0x50C00, s0;
	s4 =	sadd.s32 $0x3D200, s0;
	s5 =	sadd.s32 $0x29800, s0  }
0x6: {  	s6 =	sadd.s32 $0x15200, s0;
	s7 =	sadd.s32 $0x1800, s0;
	s8 =	sadd.s32 $0x28E00, s0  }
0x7: {  	s10 =	sadd.s32 $0x28C00, s0;
	s11 =	sadd.s32 $0x29000, s0;
	s1 =	sand.u32 $0x1, s25  }
0x8: {  	s12 =	sadd.s32 $0x29400, s0;
	s9 =	sadd.s32 $0x64600, s0;
	s13 =	sshll.u32 s13, $0x1  }
0x9: {  	s14 =	sadd.s32 $0x64800, s0;
	s16 =	sadd.s32 $0x64804, s0;
	s17 =	sadd.s32 $0x64808, s0  }
0xa: {  	s18 =	sadd.s32 $0x6480C, s0;
	s19 =	sadd.s32 $0x64810, s0;
	s2 =	ssub.s32 $0x2, s1  }
0xb: {  	s25 =	simm.s32 $0x180;
	s0 =	simm.s32 $0x3200;
	s26 =	sshrl.u32 s2, $0x1  }
0xc: {  	_ =	strace $0x80000047;
	[dreg:$0x3] =	wrdreg s9;
	s2 =	ssub.s32 s2, s26  }
0xd: {  	s1 =	sor.u32 s1, s13;
	s9 =	simm.s32 $0x1;
	s28 =	smax.u32 s2, $0x1  }
0xe: {  	s15 =	smul.u32 $0x4E20, s1;
	s2 =	simm.s32 $0x0;
	[dreg:$0x4] =	wrdreg s28  }
.LBB2_1:
0xf: {  	[dreg:$0x5] =	wrdreg s2  }
0x10: {  	s1 =	simm.s32 $0x0;
	s13 =	rddreg [dreg:$0x3];
	s20 =	simm.s32 $0x8300  }
0x11: {  	[tilespmem:s20], [sflag:$0x2] =	stream.linear.gather [hbm4b:s13+s1], $0x100, $0x38;
	[tilespmem:$0x8400] =	vst v63  }
0x12: {  	_ =	swait.ge [sflag:s22], $0x100  }
0x13: {  	[sflag:s22] =	ssyncset.done $0x0  }
0x14: {  	[sflag:s22] =	ssyncadd.s32 $0xFFFFFF00  }
0x15: {  	v0 =	vld [tilespmem:$0x8300]  }
0x16: {  	v1 =	vld [tilespmem:$0x8310]  }
0x17: {  	v2 =	vld [tilespmem:$0x8320]  }
0x18: {  	v3 =	vld [tilespmem:$0x8330]  }
0x19: {  	v4 =	vld [tilespmem:$0x8340]  }
0x1a: {  	v5 =	vld [tilespmem:$0x8350]  }
0x1b: {  	v6 =	vld [tilespmem:$0x8360]  }
0x1c: {  	v7 =	vld [tilespmem:$0x8370]  }
0x1d: {  	v8 =	vld [tilespmem:$0x8380]  }
0x1e: {  	v9 =	vld [tilespmem:$0x8390]  }
0x1f: {  	v10 =	vld [tilespmem:$0x83A0]  }
0x20: {  	v11 =	vld [tilespmem:$0x83B0]  }
0x21: {  	v12 =	vld [tilespmem:$0x83C0]  }
0x22: {  	v13 =	vld [tilespmem:$0x83D0]  }
0x23: {  	v14 =	vld [tilespmem:$0x83E0]  }
0x24: {  	s20 =	simm.s32 $0x0;
	v15 =	vld [tilespmem:$0x83F0]  }
.LBB2_2:
0x25: {  	s1 =	sshll.u32 s20, $0x7  }
0x26: {  	s1 =	smin.u32 s1, $0x4DA0  }
0x27: {  	s13 =	sadd.s32 s15, s1  }
0x28: {  	s1 =	sshrl.u32 s13, $0x3  }
0x29: {  	s28 =	simm.s32 $0x0;
	s26 =	sadd.s32 s3, s1  }
0x2a: {  	[tilespmem:s28], [sflag:$0x2] =	stream.linear.gather [hbm4b:s26+s28], $0x80, $0x38;
	[tilespmem:$0x8400] =	vst v63  }
0x2b: {  	_ =	swait.ge [sflag:s22], $0x80  }
0x2c: {  	[sflag:s22] =	ssyncset.done $0x0  }
0x2d: {  	s2 =	sadd.s32 s4, s1;
	[sflag:s22] =	ssyncadd.s32 $0xFFFFFF80  }
0x2e: {  	[tilespmem:s23], [sflag:$0x2] =	stream.linear.gather [hbm4b:s2+s28], $0x80, $0x38;
	[tilespmem:$0x8400] =	vst v63  }
0x2f: {  	_ =	swait.ge [sflag:s22], $0x80  }
0x30: {  	[sflag:s22] =	ssyncset.done $0x0  }
0x31: {  	s2 =	sadd.s32 s5, s1;
	[sflag:s22] =	ssyncadd.s32 $0xFFFFFF80  }
0x32: {  	[tilespmem:s24], [sflag:$0x2] =	stream.linear.gather [hbm4b:s2+s28], $0x80, $0x38;
	[tilespmem:$0x8400] =	vst v63  }
0x33: {  	_ =	swait.ge [sflag:s22], $0x80  }
0x34: {  	[sflag:s22] =	ssyncset.done $0x0  }
0x35: {  	[sflag:s22] =	ssyncadd.s32 $0xFFFFFF80  }
0x36: {  	s2 =	rddreg [dreg:$0x1]  }
0x37: {  	s26 =	sadd.s32 s2, s1  }
0x38: {  	[tilespmem:s25], [sflag:$0x2] =	stream.linear.gather [hbm4b:s26+s28], $0x80, $0x38;
	[tilespmem:$0x8400] =	vst v63  }
0x39: {  	_ =	swait.ge [sflag:s22], $0x80  }
0x3a: {  	[sflag:s22] =	ssyncset.done $0x0  }
0x3b: {  	s2 =	simm.s32 $0x8200;
	s26 =	sadd.s32 s6, s1;
	[sflag:s22] =	ssyncadd.s32 $0xFFFFFF80  }
0x3c: {  	[tilespmem:s2], [sflag:$0x2] =	stream.linear.gather [hbm4b:s26+s28], $0x80, $0x38;
	[tilespmem:$0x8400] =	vst v63  }
0x3d: {  	_ =	swait.ge [sflag:s22], $0x80  }
0x3e: {  	[sflag:s22] =	ssyncset.done $0x0  }
0x3f: {  	s1 =	sadd.s32 s7, s1;
	s26 =	simm.s32 $0x8280;
	[sflag:s22] =	ssyncadd.s32 $0xFFFFFF80  }
0x40: {  	[tilespmem:s26], [sflag:$0x2] =	stream.linear.gather [hbm4b:s1+s28], $0x80, $0x38;
	[tilespmem:$0x8400] =	vst v63  }
0x41: {  	_ =	swait.ge [sflag:s22], $0x80  }
0x42: {  	[sflag:s22] =	ssyncset.done $0x0  }
0x43: {  	[sflag:s22] =	ssyncadd.s32 $0xFFFFFF80  }
0x44: {  	[tilespmem:s29], [sflag:$0x1] =	stream.indirect.gather [hbm4b:s8+s23], $0x20, s28, s23, $0xb8;
	[tilespmem:$0x8400] =	vst v63  }
0x45: {  	_ = 	snop  }
0x46: {  	[tilespmem:s30], [sflag:$0x1] =	stream.indirect.gather [hbm4b:s10+s23], $0x20, s23, s23, $0xb8;
	[tilespmem:$0x8400] =	vst v63  }
0x47: {  	_ = 	snop  }
0x48: {  	[tilespmem:s31], [sflag:$0x1] =	stream.indirect.gather [hbm4b:s11+s23], $0x20, s24, s23, $0xb8;
	[tilespmem:$0x8400] =	vst v63  }
0x49: {  	s2 =	simm.s32 $0x0  }
0x4a: {  	[tilespmem:s0], [sflag:$0x1] =	stream.indirect.gather [hbm4b:s12+s23], $0x20, s25, s23, $0xb8;
	[tilespmem:$0x8400] =	vst v63  }
0x4b: {  	v17 =	vld [tilespmem:s2+$0x8280];
	_ =	sdelay $0x4  }
0x4c: {  	v16 =	vbroadcast v17, $0xF;
	_ =	sdelay $0x1  }
0x4d: {  	v18 =	vmul.f32 v16, v10  }
0x4e: {  	v19 =	vbroadcast v17, $0xE;
	v20 =	vmul.f32 v16, v9  }
0x4f: {  	v21 =	vmul.f32 v16, v8;
	v18 =	vadd.f32 v18, v14  }
0x50: {  	s1 =	simm.s32 $0x4600;
	v22 =	vmul.f32 v19, v11;
	v23 =	vadd.f32 v20, v13  }
0x51: {  	v24 =	vmul.f32 v19, v10;
	v20 =	vld [tilespmem:s2+$0x8200];
	v21 =	vadd.f32 v21, v12;
	[tilespmem:s1+$0x3E0] =	vst v18  }
0x52: {  	v57 =	vbroadcast v17, $0xD;
	v25 =	vmul.f32 v19, v9;
	v22 =	vadd.f32 v22, v15;
	[tilespmem:s1+$0x3D0] =	vst v23  }
0x53: {  	v19 =	vmul.f32 v19, v8;
	v58 =	vadd.f32 v24, v14;
	[tilespmem:s1+$0x3C0] =	vst v21  }
0x54: {  	v28 =	vmul.f32 v57, v8;
	v60 =	vadd.f32 v25, v13;
	[tilespmem:s1+$0x370] =	vst v22  }
0x55: {  	v16 =	vmul.f32 v16, v11;
	v62 =	vadd.f32 v19, v12;
	[tilespmem:s1+$0x360] =	vst v58  }
0x56: {  	v59 =	vmul.f32 v57, v11;
	v30 =	vadd.f32 v28, v12;
	[tilespmem:s1+$0x350] =	vst v60  }
0x57: {  	v49 =	vbroadcast v17, $0xB;
	v61 =	vmul.f32 v57, v10;
	v16 =	vadd.f32 v16, v15;
	[tilespmem:s1+$0x340] =	vst v62  }
0x58: {  	v63 =	vmul.f32 v57, v9;
	v21 =	vadd.f32 v59, v15;
	[tilespmem:s1+$0x2C0] =	vst v30;
	v19 =	vbroadcast v20, $0x0  }
0x59: {  	v22 =	vadd.f32 v61, v14;
	v59 =	vmul.f32 v49, v8;
	[tilespmem:s1+$0x3F0] =	vst v16  }
0x5a: {  	v23 =	vadd.f32 v63, v13;
	[tilespmem:s1+$0x2F0] =	vst v21;
	v18 =	vbroadcast v20, $0xF;
	v29 =	vmul.f32 v19, v1  }
0x5b: {  	[tilespmem:s1+$0x2E0] =	vst v22;
	v30 =	vadd.f32 v59, v12;
	v31 =	vbroadcast v20, $0xE;
	v26 =	vmul.f32 v19, v0  }
0x5c: {  	[tilespmem:s1+$0x2D0] =	vst v23;
	v32 =	vmul.f32 v18, v3;
	v25 =	vadd.f32 v29, v5  }
0x5d: {  	[tilespmem:s1+$0x1C0] =	vst v30;
	v33 =	vmul.f32 v31, v3;
	v26 =	vadd.f32 v26, v4  }
0x5e: {  	v34 =	vmul.f32 v31, v2;
	v22 =	vadd.f32 v32, v7;
	[tilespmem:s1+$0xFFFFFC10] =	vst v25  }
0x5f: {  	v35 =	vbroadcast v20, $0xD;
	v27 =	vmul.f32 v31, v1;
	v23 =	vadd.f32 v33, v7;
	[tilespmem:s1+$0xFFFFFC00] =	vst v26  }
0x60: {  	v41 =	vbroadcast v20, $0xC;
	v24 =	vmul.f32 v31, v0;
	v21 =	vadd.f32 v34, v6;
	[tilespmem:s1+$0x3B0] =	vst v22  }
0x61: {  	v51 =	vbroadcast v20, $0xB;
	v40 =	vmul.f32 v35, v1;
	v37 =	vadd.f32 v27, v5;
	[tilespmem:s1+$0x330] =	vst v23  }
0x62: {  	v50 =	vmul.f32 v41, v0;
	v24 =	vadd.f32 v24, v4;
	[tilespmem:s1+$0x320] =	vst v21  }
0x63: {  	v58 =	vmul.f32 v51, v1;
	v27 =	vadd.f32 v40, v5;
	[tilespmem:s1+$0x310] =	vst v37  }
0x64: {  	v61 =	vmul.f32 v51, v0;
	v53 =	vadd.f32 v50, v4;
	[tilespmem:s1+$0x300] =	vst v24  }
0x65: {  	v39 =	vbroadcast v17, $0xC;
	v36 =	vmul.f32 v35, v3;
	v62 =	vadd.f32 v58, v5;
	[tilespmem:s1+$0x290] =	vst v27  }
0x66: {  	v38 =	vmul.f32 v35, v2;
	v32 =	vadd.f32 v61, v4;
	[tilespmem:s1+$0x200] =	vst v53  }
0x67: {  	v42 =	vmul.f32 v39, v11;
	v60 =	vbroadcast v17, $0xA;
	v22 =	vadd.f32 v36, v7;
	[tilespmem:s1+$0x190] =	vst v62  }
0x68: {  	v46 =	vmul.f32 v41, v2;
	v23 =	vadd.f32 v38, v6;
	[tilespmem:s1+$0x180] =	vst v32  }
0x69: {  	v34 =	vmul.f32 v60, v10;
	v24 =	vadd.f32 v42, v15;
	[tilespmem:s1+$0x2B0] =	vst v22  }
0x6a: {  	v25 =	vmul.f32 v35, v0;
	v27 =	vadd.f32 v46, v6;
	[tilespmem:s1+$0x2A0] =	vst v23  }
0x6b: {  	v44 =	vmul.f32 v41, v3;
	v26 =	vadd.f32 v34, v14;
	[tilespmem:s1+$0x270] =	vst v24  }
0x6c: {  	v45 =	vmul.f32 v39, v10;
	v43 =	vadd.f32 v25, v4;
	[tilespmem:s1+$0x220] =	vst v27  }
0x6d: {  	v47 =	vmul.f32 v39, v9;
	v25 =	vadd.f32 v44, v7;
	[tilespmem:s1+$0x160] =	vst v26  }
0x6e: {  	v48 =	vmul.f32 v41, v1;
	v23 =	vadd.f32 v45, v14;
	[tilespmem:s1+$0x280] =	vst v43  }
0x6f: {  	v63 =	vbroadcast v20, $0xA;
	v21 =	vmul.f32 v39, v8;
	v22 =	vadd.f32 v47, v13;
	[tilespmem:s1+$0x230] =	vst v25  }
0x70: {  	v52 =	vmul.f32 v49, v11;
	v40 =	vbroadcast v20, $0x9;
	v24 =	vadd.f32 v48, v5;
	[tilespmem:s1+$0x260] =	vst v23  }
0x71: {  	v55 =	vmul.f32 v49, v10;
	v39 =	vmul.f32 v63, v0;
	v21 =	vadd.f32 v21, v12;
	[tilespmem:s1+$0x250] =	vst v22  }
0x72: {  	v57 =	vmul.f32 v49, v9;
	v49 =	vmul.f32 v40, v0;
	v27 =	vadd.f32 v52, v15;
	[tilespmem:s1+$0x210] =	vst v24  }
0x73: {  	v54 =	vmul.f32 v51, v3;
	v42 =	vadd.f32 v39, v4;
	[tilespmem:s1+$0x240] =	vst v21  }
0x74: {  	v52 =	vadd.f32 v49, v4;
	[tilespmem:s1+$0x1F0] =	vst v27  }
0x75: {  	v56 =	vmul.f32 v51, v2;
	v23 =	vadd.f32 v54, v7;
	[tilespmem:s1+$0x100] =	vst v42  }
0x76: {  	v24 =	vadd.f32 v55, v14;
	[tilespmem:s1+$0x80] =	vst v52  }
0x77: {  	v31 =	vmul.f32 v60, v11;
	v21 =	vadd.f32 v56, v6;
	[tilespmem:s1+$0x1B0] =	vst v23  }
0x78: {  	v33 =	vmul.f32 v63, v3;
	v22 =	vadd.f32 v57, v13;
	[tilespmem:s1+$0x1E0] =	vst v24  }
0x79: {  	v35 =	vmul.f32 v63, v2;
	[tilespmem:s1+$0x1A0] =	vst v21;
	v23 =	vadd.f32 v31, v15  }
0x7a: {  	v36 =	vmul.f32 v60, v9;
	[tilespmem:s1+$0x1D0] =	vst v22;
	v24 =	vadd.f32 v33, v7  }
0x7b: {  	v50 =	vbroadcast v20, $0x8;
	v25 =	vmul.f32 v60, v8;
	v21 =	vadd.f32 v35, v6;
	[tilespmem:s1+$0x170] =	vst v23  }
0x7c: {  	v43 =	vmul.f32 v40, v3;
	v22 =	vadd.f32 v36, v13;
	[tilespmem:s1+$0x130] =	vst v24  }
0x7d: {  	v38 =	vbroadcast v17, $0x9;
	v27 =	vmul.f32 v50, v0;
	v25 =	vadd.f32 v25, v12;
	[tilespmem:s1+$0x120] =	vst v21  }
0x7e: {  	v37 =	vmul.f32 v63, v1;
	v26 =	vadd.f32 v43, v7;
	[tilespmem:s1+$0x150] =	vst v22  }
0x7f: {  	v41 =	vmul.f32 v38, v11;
	v27 =	vadd.f32 v27, v4;
	[tilespmem:s1+$0x140] =	vst v25  }
0x80: {  	v58 =	vbroadcast v17, $0x7;
	v45 =	vmul.f32 v40, v2;
	v23 =	vadd.f32 v37, v5;
	[tilespmem:s1+$0xB0] =	vst v26  }
0x81: {  	v34 =	vbroadcast v20, $0x6;
	v46 =	vmul.f32 v38, v9;
	v21 =	vadd.f32 v41, v15;
	[tilespmem:s1+$0x0] =	vst v27  }
0x82: {  	v30 =	vmul.f32 v58, v9;
	v25 =	vadd.f32 v45, v6;
	[tilespmem:s1+$0x110] =	vst v23  }
0x83: {  	v42 =	vmul.f32 v34, v0;
	v22 =	vadd.f32 v46, v13;
	[tilespmem:s1+$0xF0] =	vst v21  }
0x84: {  	v44 =	vmul.f32 v38, v10;
	v27 =	vadd.f32 v30, v13;
	[tilespmem:s1+$0xA0] =	vst v25  }
0x85: {  	v47 =	vmul.f32 v40, v1;
	v48 =	vbroadcast v17, $0x8;
	v46 =	vadd.f32 v42, v4;
	[tilespmem:s1+$0xD0] =	vst v22  }
0x86: {  	v24 =	vmul.f32 v38, v8;
	v23 =	vadd.f32 v44, v14;
	[tilespmem:s1+$0xFFFFFFD0] =	vst v27  }
0x87: {  	v51 =	vmul.f32 v48, v11;
	v21 =	vadd.f32 v47, v5;
	[tilespmem:s1+$0xFFFFFF00] =	vst v46  }
0x88: {  	v56 =	vmul.f32 v48, v9;
	v24 =	vadd.f32 v24, v12;
	[tilespmem:s1+$0xE0] =	vst v23  }
0x89: {  	v26 =	vmul.f32 v48, v8;
	v25 =	vadd.f32 v51, v15;
	[tilespmem:s1+$0x90] =	vst v21  }
0x8a: {  	v36 =	vmul.f32 v34, v3;
	v22 =	vadd.f32 v56, v13;
	[tilespmem:s1+$0xC0] =	vst v24  }
0x8b: {  	v53 =	vmul.f32 v50, v3;
	v26 =	vadd.f32 v26, v12;
	[tilespmem:s1+$0x70] =	vst v25  }
0x8c: {  	v54 =	vmul.f32 v48, v10;
	v27 =	vadd.f32 v36, v7;
	[tilespmem:s1+$0x50] =	vst v22  }
0x8d: {  	v59 =	vbroadcast v20, $0x7;
	v55 =	vmul.f32 v50, v2;
	v23 =	vadd.f32 v53, v7;
	[tilespmem:s1+$0x40] =	vst v26  }
0x8e: {  	v57 =	vmul.f32 v50, v1;
	v21 =	vadd.f32 v54, v14;
	[tilespmem:s1+$0xFFFFFF30] =	vst v27  }
0x8f: {  	v61 =	vmul.f32 v59, v3;
	v24 =	vadd.f32 v55, v6;
	[tilespmem:s1+$0x30] =	vst v23  }
0x90: {  	v63 =	vmul.f32 v59, v2;
	v25 =	vadd.f32 v57, v5;
	[tilespmem:s1+$0x60] =	vst v21  }
0x91: {  	v60 =	vmul.f32 v58, v11;
	v22 =	vadd.f32 v61, v7;
	[tilespmem:s1+$0x20] =	vst v24  }
0x92: {  	v62 =	vmul.f32 v58, v10;
	v33 =	vbroadcast v17, $0x6;
	v26 =	vadd.f32 v63, v6;
	[tilespmem:s1+$0x10] =	vst v25  }
0x93: {  	v32 =	vmul.f32 v58, v8;
	v41 =	vbroadcast v17, $0x5;
	v24 =	vadd.f32 v60, v15;
	[tilespmem:s1+$0xFFFFFFB0] =	vst v22  }
0x94: {  	v35 =	vmul.f32 v33, v11;
	v25 =	vadd.f32 v62, v14;
	[tilespmem:s1+$0xFFFFFFA0] =	vst v26  }
0x95: {  	v27 =	vmul.f32 v41, v8;
	v22 =	vadd.f32 v32, v12;
	[tilespmem:s1+$0xFFFFFFF0] =	vst v24  }
0x96: {  	v31 =	vmul.f32 v59, v1;
	v26 =	vadd.f32 v35, v15;
	[tilespmem:s1+$0xFFFFFFE0] =	vst v25  }
0x97: {  	v21 =	vmul.f32 v59, v0;
	v27 =	vadd.f32 v27, v12;
	[tilespmem:s1+$0xFFFFFFC0] =	vst v22  }
0x98: {  	v38 =	vmul.f32 v34, v2;
	v24 =	vadd.f32 v31, v5;
	[tilespmem:s1+$0xFFFFFF70] =	vst v26  }
0x99: {  	v40 =	vmul.f32 v34, v1;
	v21 =	vadd.f32 v21, v4;
	[tilespmem:s1+$0xFFFFFEC0] =	vst v27  }
0x9a: {  	v53 =	vbroadcast v20, $0x4;
	v23 =	vmul.f32 v33, v8;
	v22 =	vadd.f32 v38, v6;
	[tilespmem:s1+$0xFFFFFF90] =	vst v24  }
0x9b: {  	v45 =	vmul.f32 v41, v11;
	v26 =	vadd.f32 v40, v5;
	[tilespmem:s1+$0xFFFFFF80] =	vst v21  }
0x9c: {  	v58 =	vmul.f32 v53, v2;
	v44 =	vadd.f32 v23, v12;
	[tilespmem:s1+$0xFFFFFF20] =	vst v22  }
0x9d: {  	v62 =	vmul.f32 v53, v0;
	v23 =	vadd.f32 v45, v15;
	[tilespmem:s1+$0xFFFFFF10] =	vst v26  }
0x9e: {  	v37 =	vmul.f32 v33, v10;
	v27 =	vadd.f32 v58, v6;
	[tilespmem:s1+$0xFFFFFF40] =	vst v44  }
0x9f: {  	v43 =	vbroadcast v20, $0x5;
	v39 =	vmul.f32 v33, v9;
	v31 =	vadd.f32 v62, v4;
	[tilespmem:s1+$0xFFFFFEF0] =	vst v23  }
0xa0: {  	v48 =	vmul.f32 v41, v10;
	v24 =	vadd.f32 v37, v14;
	[tilespmem:s1+$0xFFFFFE20] =	vst v27  }
0xa1: {  	v49 =	vmul.f32 v43, v2;
	v21 =	vadd.f32 v39, v13;
	[tilespmem:s1+$0xFFFFFE00] =	vst v31  }
0xa2: {  	v51 =	vmul.f32 v43, v1;
	v26 =	vadd.f32 v48, v14;
	[tilespmem:s1+$0xFFFFFF60] =	vst v24  }
0xa3: {  	v61 =	vbroadcast v17, $0x3;
	v25 =	vmul.f32 v43, v0;
	v22 =	vadd.f32 v49, v6;
	[tilespmem:s1+$0xFFFFFF50] =	vst v21  }
0xa4: {  	v56 =	vmul.f32 v53, v3;
	v23 =	vadd.f32 v51, v5;
	[tilespmem:s1+$0xFFFFFEE0] =	vst v26  }
0xa5: {  	v30 =	vmul.f32 v61, v11;
	v55 =	vadd.f32 v25, v4;
	[tilespmem:s1+$0xFFFFFEA0] =	vst v22  }
0xa6: {  	v52 =	vbroadcast v17, $0x4;
	v47 =	vmul.f32 v43, v3;
	v25 =	vadd.f32 v56, v7;
	[tilespmem:s1+$0xFFFFFE90] =	vst v23  }
0xa7: {  	v50 =	vmul.f32 v41, v9;
	v27 =	vadd.f32 v30, v15;
	[tilespmem:s1+$0xFFFFFE80] =	vst v55  }
0xa8: {  	v54 =	vmul.f32 v52, v11;
	v63 =	vbroadcast v20, $0x3;
	v24 =	vadd.f32 v47, v7;
	[tilespmem:s1+$0xFFFFFE30] =	vst v25  }
0xa9: {  	v57 =	vmul.f32 v52, v10;
	v21 =	vadd.f32 v50, v13;
	[tilespmem:s1+$0xFFFFFDF0] =	vst v27  }
0xaa: {  	v36 =	vmul.f32 v63, v1;
	v22 =	vadd.f32 v54, v15;
	[tilespmem:s1+$0xFFFFFEB0] =	vst v24  }
0xab: {  	v56 =	vmul.f32 v19, v3;
	v23 =	vadd.f32 v57, v14;
	[tilespmem:s1+$0xFFFFFED0] =	vst v21  }
0xac: {  	v19 =	vmul.f32 v19, v2;
	v27 =	vadd.f32 v36, v5;
	[tilespmem:s1+$0xFFFFFE70] =	vst v22  }
0xad: {  	v59 =	vmul.f32 v52, v9;
	v58 =	vadd.f32 v56, v7;
	[tilespmem:s1+$0xFFFFFE60] =	vst v23  }
0xae: {  	v60 =	vmul.f32 v53, v1;
	v19 =	vadd.f32 v19, v6;
	[tilespmem:s1+$0xFFFFFD90] =	vst v27  }
0xaf: {  	v46 =	vbroadcast v17, $0x1;
	v32 =	vmul.f32 v63, v3;
	v21 =	vadd.f32 v59, v13;
	[tilespmem:s1+$0xFFFFFC30] =	vst v58  }
0xb0: {  	v37 =	vbroadcast v17, $0x2;
	v25 =	vmul.f32 v61, v8;
	v22 =	vadd.f32 v60, v5;
	[tilespmem:s1+$0xFFFFFC20] =	vst v19  }
0xb1: {  	v17 =	vbroadcast v17, $0x0;
	v26 =	vmul.f32 v63, v0;
	v23 =	vadd.f32 v32, v7;
	[tilespmem:s1+$0xFFFFFE50] =	vst v21  }
0xb2: {  	v41 =	vmul.f32 v37, v10;
	v25 =	vadd.f32 v25, v12;
	[tilespmem:s1+$0xFFFFFE10] =	vst v22  }
0xb3: {  	v33 =	vmul.f32 v61, v10;
	v57 =	vmul.f32 v17, v10;
	v26 =	vadd.f32 v26, v4;
	[tilespmem:s1+$0xFFFFFDB0] =	vst v23  }
0xb4: {  	v35 =	vmul.f32 v61, v9;
	v61 =	vmul.f32 v18, v2;
	v27 =	vadd.f32 v41, v14;
	[tilespmem:s1+$0xFFFFFDC0] =	vst v25  }
0xb5: {  	v62 =	vmul.f32 v18, v1;
	v18 =	vmul.f32 v18, v0;
	v60 =	vadd.f32 v57, v14;
	[tilespmem:s1+$0xFFFFFD80] =	vst v26  }
0xb6: {  	v34 =	vmul.f32 v63, v2;
	v24 =	vmul.f32 v52, v8;
	v63 =	vadd.f32 v61, v6;
	[tilespmem:s1+$0xFFFFFD60] =	vst v27  }
0xb7: {  	v38 =	vbroadcast v20, $0x2;
	v16 =	vadd.f32 v18, v4;
	[tilespmem:s1+$0xFFFFFC60] =	vst v60  }
0xb8: {  	v20 =	vbroadcast v20, $0x1;
	v24 =	vadd.f32 v24, v12;
	[tilespmem:s1+$0x3A0] =	vst v63  }
0xb9: {  	v42 =	vmul.f32 v38, v2;
	v22 =	vadd.f32 v33, v14;
	[tilespmem:s1+$0x380] =	vst v16  }
0xba: {  	v48 =	vmul.f32 v20, v3;
	v43 =	vmul.f32 v37, v9;
	v21 =	vadd.f32 v35, v13;
	[tilespmem:s1+$0xFFFFFE40] =	vst v24  }
0xbb: {  	v50 =	vmul.f32 v20, v2;
	v52 =	vmul.f32 v20, v1;
	v25 =	vadd.f32 v42, v6;
	[tilespmem:s1+$0xFFFFFDE0] =	vst v22  }
0xbc: {  	v55 =	vmul.f32 v17, v11;
	v20 =	vmul.f32 v20, v0;
	v26 =	vadd.f32 v43, v13;
	[tilespmem:s1+$0xFFFFFDD0] =	vst v21  }
0xbd: {  	v59 =	vmul.f32 v17, v9;
	v17 =	vmul.f32 v17, v8;
	v53 =	vadd.f32 v52, v5;
	[tilespmem:s1+$0xFFFFFD20] =	vst v25  }
0xbe: {  	v20 =	vadd.f32 v20, v4;
	[tilespmem:s1+$0xFFFFFD50] =	vst v26  }
0xbf: {  	v40 =	vmul.f32 v38, v3;
	v17 =	vadd.f32 v17, v12;
	[tilespmem:s1+$0xFFFFFC90] =	vst v53  }
0xc0: {  	v47 =	vmul.f32 v46, v11;
	v24 =	vadd.f32 v34, v6;
	[tilespmem:s1+$0xFFFFFC80] =	vst v20  }
0xc1: {  	v21 =	vadd.f32 v40, v7;
	[tilespmem:s1+$0xFFFFFC40] =	vst v17  }
0xc2: {  	v23 =	vmul.f32 v46, v8;
	v25 =	vadd.f32 v47, v15;
	[tilespmem:s1+$0xFFFFFDA0] =	vst v24  }
0xc3: {  	v26 =	vadd.f32 v48, v7;
	[tilespmem:s1+$0xFFFFFD30] =	vst v21  }
0xc4: {  	v54 =	vadd.f32 v23, v12;
	[tilespmem:s1+$0xFFFFFCF0] =	vst v25  }
0xc5: {  	v23 =	vadd.f32 v55, v15;
	[tilespmem:s1+$0xFFFFFCB0] =	vst v26  }
0xc6: {  	v39 =	vmul.f32 v37, v11;
	v20 =	vadd.f32 v59, v13;
	[tilespmem:s1+$0xFFFFFCC0] =	vst v54  }
0xc7: {  	v45 =	vmul.f32 v37, v8;
	v17 =	vadd.f32 v62, v5;
	[tilespmem:s1+$0xFFFFFC70] =	vst v23  }
0xc8: {  	v22 =	vmul.f32 v38, v0;
	v24 =	vadd.f32 v39, v15;
	[tilespmem:s1+$0xFFFFFC50] =	vst v20  }
0xc9: {  	v44 =	vmul.f32 v38, v1;
	v21 =	vadd.f32 v45, v12;
	[tilespmem:s1+$0x390] =	vst v17  }
0xca: {  	v22 =	vadd.f32 v22, v4;
	[tilespmem:s1+$0xFFFFFD70] =	vst v24  }
0xcb: {  	v51 =	vmul.f32 v46, v9;
	v24 =	vadd.f32 v44, v5;
	[tilespmem:s1+$0xFFFFFD40] =	vst v21  }
0xcc: {  	v49 =	vmul.f32 v46, v10;
	[tilespmem:s1+$0xFFFFFD00] =	vst v22;
	v21 =	vadd.f32 v50, v6  }
0xcd: {  	v22 =	vadd.f32 v51, v13;
	[tilespmem:s1+$0xFFFFFD10] =	vst v24  }
0xce: {  	v24 =	vadd.f32 v49, v14;
	[tilespmem:s1+$0xFFFFFCA0] =	vst v21  }
0xcf: {  	[tilespmem:s1+$0xFFFFFCD0] =	vst v22  }
0xd0: {  	s26 =	simm.s32 $0x80;
	s28 =	simm.s32 $0x10;
	[tilespmem:s1+$0xFFFFFCE0] =	vst v24  }
.LBB2_3:
0xd1: {  	p0 =	sne.s32 s26, $0x1C0;
	v17 =	vld [tilespmem:s28+$0x8280];
	_ =	sdelay $0x4  }
0xd2: {  	v18 =	vbroadcast v17, $0xE;
	v16 =	vbroadcast v17, $0xF  }
0xd3: {  	v21 =	vbroadcast v17, $0xC;
	v19 =	vbroadcast v17, $0xD  }
0xd4: {  	v20 =	vmul.f32 v16, v9;
	v22 =	vmul.f32 v16, v10  }
0xd5: {  	v23 =	vmul.f32 v18, v11;
	v24 =	vmul.f32 v16, v8  }
0xd6: {  	v25 =	vmul.f32 v18, v10;
	v26 =	vadd.f32 v20, v13;
	v22 =	vadd.f32 v22, v14  }
0xd7: {  	s1 =	sadd.s32 $0x800, s1;
	v27 =	vmul.f32 v18, v9;
	v23 =	vadd.f32 v23, v15;
	v24 =	vadd.f32 v24, v12  }
0xd8: {  	v28 =	vmul.f32 v19, v11;
	v18 =	vmul.f32 v18, v8;
	v25 =	vadd.f32 v25, v14;
	v20 =	vld [tilespmem:s28+$0x8200];
	[tilespmem:s1+$0x3E0] =	vst v22  }
0xd9: {  	v29 =	vmul.f32 v19, v10;
	v27 =	vadd.f32 v27, v13;
	v22 =	vmul.f32 v19, v9;
	[tilespmem:s1+$0x3D0] =	vst v26  }
0xda: {  	v19 =	vmul.f32 v19, v8;
	v26 =	vadd.f32 v28, v15;
	v28 =	vadd.f32 v18, v12;
	[tilespmem:s1+$0x3C0] =	vst v24  }
0xdb: {  	v18 =	vmul.f32 v21, v11;
	v22 =	vadd.f32 v22, v13;
	v24 =	vadd.f32 v29, v14;
	[tilespmem:s1+$0x370] =	vst v23  }
0xdc: {  	v29 =	vmul.f32 v21, v10;
	v30 =	vadd.f32 v19, v12;
	v23 =	vmul.f32 v21, v9;
	[tilespmem:s1+$0x360] =	vst v25  }
0xdd: {  	v25 =	vadd.f32 v18, v15;
	v19 =	vbroadcast v20, $0x0;
	[tilespmem:s1+$0x350] =	vst v27;
	v18 =	vbroadcast v20, $0xF  }
0xde: {  	v27 =	vadd.f32 v29, v14;
	v29 =	vbroadcast v20, $0xD;
	v31 =	vbroadcast v20, $0xE;
	[tilespmem:s1+$0x340] =	vst v28  }
0xdf: {  	v23 =	vadd.f32 v23, v13;
	v28 =	vmul.f32 v19, v0;
	v32 =	vmul.f32 v19, v1;
	[tilespmem:s1+$0x2F0] =	vst v26  }
0xe0: {  	v26 =	vmul.f32 v18, v3;
	[tilespmem:s1+$0x2E0] =	vst v24;
	v24 =	vmul.f32 v31, v3  }
0xe1: {  	v28 =	vadd.f32 v28, v4;
	v32 =	vadd.f32 v32, v5;
	[tilespmem:s1+$0x2D0] =	vst v22;
	v22 =	vmul.f32 v31, v2  }
0xe2: {  	v26 =	vadd.f32 v26, v7;
	[tilespmem:s1+$0x2C0] =	vst v30;
	v30 =	vmul.f32 v31, v1;
	v24 =	vadd.f32 v24, v7  }
0xe3: {  	v31 =	vmul.f32 v31, v0;
	[tilespmem:s1+$0xFFFFFC10] =	vst v32;
	v32 =	vmul.f32 v29, v3;
	v22 =	vadd.f32 v22, v6  }
0xe4: {  	v33 =	vmul.f32 v29, v2;
	[tilespmem:s1+$0xFFFFFC00] =	vst v28;
	v28 =	vmul.f32 v29, v1;
	v30 =	vadd.f32 v30, v5  }
0xe5: {  	v29 =	vmul.f32 v29, v0;
	v31 =	vadd.f32 v31, v4;
	v32 =	vadd.f32 v32, v7;
	[tilespmem:s1+$0x3B0] =	vst v26  }
0xe6: {  	v33 =	vadd.f32 v33, v6;
	v26 =	vbroadcast v20, $0xC;
	v28 =	vadd.f32 v28, v5;
	[tilespmem:s1+$0x330] =	vst v24  }
0xe7: {  	v21 =	vmul.f32 v21, v8;
	v24 =	vbroadcast v17, $0xB;
	v29 =	vadd.f32 v29, v4;
	[tilespmem:s1+$0x320] =	vst v22  }
0xe8: {  	v22 =	vmul.f32 v26, v2;
	v34 =	vmul.f32 v26, v3;
	[tilespmem:s1+$0x310] =	vst v30  }
0xe9: {  	v21 =	vadd.f32 v21, v12;
	v30 =	vmul.f32 v26, v0;
	v26 =	vmul.f32 v26, v1;
	[tilespmem:s1+$0x300] =	vst v31  }
0xea: {  	v31 =	vmul.f32 v24, v11;
	v22 =	vadd.f32 v22, v6;
	v34 =	vadd.f32 v34, v7;
	[tilespmem:s1+$0x2B0] =	vst v32  }
0xeb: {  	v32 =	vbroadcast v20, $0xB;
	v30 =	vadd.f32 v30, v4;
	v26 =	vadd.f32 v26, v5;
	[tilespmem:s1+$0x2A0] =	vst v33  }
0xec: {  	v35 =	vmul.f32 v24, v10;
	v33 =	vmul.f32 v24, v9;
	v31 =	vadd.f32 v31, v15;
	[tilespmem:s1+$0x290] =	vst v28  }
0xed: {  	v28 =	vmul.f32 v32, v2;
	v36 =	vmul.f32 v32, v3;
	[tilespmem:s1+$0x280] =	vst v29  }
0xee: {  	v35 =	vadd.f32 v35, v14;
	v29 =	vmul.f32 v32, v1;
	v33 =	vadd.f32 v33, v13;
	[tilespmem:s1+$0x270] =	vst v25  }
0xef: {  	v24 =	vmul.f32 v24, v8;
	v25 =	vadd.f32 v28, v6;
	v28 =	vadd.f32 v36, v7;
	[tilespmem:s1+$0x230] =	vst v34  }
0xf0: {  	v32 =	vmul.f32 v32, v0;
	v34 =	vbroadcast v17, $0xA;
	v29 =	vadd.f32 v29, v5;
	[tilespmem:s1+$0x260] =	vst v27  }
0xf1: {  	v24 =	vadd.f32 v24, v12;
	v36 =	vbroadcast v20, $0xA;
	v27 =	vbroadcast v17, $0x9;
	[tilespmem:s1+$0x220] =	vst v22  }
0xf2: {  	v32 =	vadd.f32 v32, v4;
	v22 =	vmul.f32 v34, v10;
	v37 =	vmul.f32 v34, v11;
	[tilespmem:s1+$0x250] =	vst v23  }
0xf3: {  	v38 =	vmul.f32 v36, v3;
	v23 =	vmul.f32 v36, v2;
	[tilespmem:s1+$0x210] =	vst v26  }
0xf4: {  	v26 =	vmul.f32 v34, v9;
	v22 =	vadd.f32 v22, v14;
	v37 =	vadd.f32 v37, v15;
	[tilespmem:s1+$0x240] =	vst v21  }
0xf5: {  	v38 =	vadd.f32 v38, v7;
	v21 =	vmul.f32 v36, v1;
	v23 =	vadd.f32 v23, v6;
	[tilespmem:s1+$0x200] =	vst v30  }
0xf6: {  	v34 =	vmul.f32 v34, v8;
	v30 =	vmul.f32 v36, v0;
	v26 =	vadd.f32 v26, v13;
	[tilespmem:s1+$0x1F0] =	vst v31  }
0xf7: {  	v36 =	vmul.f32 v27, v11;
	v31 =	vbroadcast v20, $0x9;
	v21 =	vadd.f32 v21, v5;
	[tilespmem:s1+$0x1B0] =	vst v28  }
0xf8: {  	v34 =	vadd.f32 v34, v12;
	v28 =	vmul.f32 v27, v10;
	v30 =	vadd.f32 v30, v4;
	[tilespmem:s1+$0x1E0] =	vst v35  }
0xf9: {  	v36 =	vadd.f32 v36, v15;
	v35 =	vmul.f32 v31, v2;
	v39 =	vmul.f32 v31, v3;
	[tilespmem:s1+$0x1A0] =	vst v25  }
0xfa: {  	v40 =	vmul.f32 v27, v9;
	v25 =	vmul.f32 v31, v1;
	v28 =	vadd.f32 v28, v14;
	[tilespmem:s1+$0x1D0] =	vst v33  }
0xfb: {  	v27 =	vmul.f32 v27, v8;
	v33 =	vadd.f32 v35, v6;
	v35 =	vadd.f32 v39, v7;
	[tilespmem:s1+$0x190] =	vst v29  }
0xfc: {  	v29 =	vmul.f32 v31, v0;
	v25 =	vadd.f32 v25, v5;
	v31 =	vadd.f32 v40, v13;
	[tilespmem:s1+$0x1C0] =	vst v24  }
0xfd: {  	v27 =	vadd.f32 v27, v12;
	v39 =	vbroadcast v17, $0x8;
	v24 =	vbroadcast v20, $0x8;
	[tilespmem:s1+$0x180] =	vst v32  }
0xfe: {  	v40 =	vbroadcast v17, $0x7;
	v32 =	vbroadcast v20, $0x7;
	v29 =	vadd.f32 v29, v4;
	[tilespmem:s1+$0x170] =	vst v37  }
0xff: {  	v41 =	vmul.f32 v39, v11;
	v37 =	vmul.f32 v24, v3;
	[tilespmem:s1+$0x130] =	vst v38  }
0x100: {  	v42 =	vmul.f32 v39, v10;
	v38 =	vmul.f32 v24, v2;
	[tilespmem:s1+$0x160] =	vst v22  }
0x101: {  	v41 =	vadd.f32 v41, v15;
	v22 =	vmul.f32 v39, v9;
	v37 =	vadd.f32 v37, v7;
	[tilespmem:s1+$0x120] =	vst v23  }
0x102: {  	v42 =	vadd.f32 v42, v14;
	v23 =	vmul.f32 v24, v1;
	v38 =	vadd.f32 v38, v6;
	[tilespmem:s1+$0x150] =	vst v26  }
0x103: {  	v24 =	vmul.f32 v24, v0;
	v26 =	vmul.f32 v39, v8;
	v22 =	vadd.f32 v22, v13;
	[tilespmem:s1+$0x110] =	vst v21  }
0x104: {  	v39 =	vmul.f32 v40, v11;
	v21 =	vmul.f32 v32, v3;
	v23 =	vadd.f32 v23, v5;
	[tilespmem:s1+$0x140] =	vst v34  }
0x105: {  	v24 =	vadd.f32 v24, v4;
	v34 =	vmul.f32 v40, v10;
	v26 =	vadd.f32 v26, v12;
	[tilespmem:s1+$0x100] =	vst v30  }
0x106: {  	v39 =	vadd.f32 v39, v15;
	v30 =	vmul.f32 v32, v2;
	v21 =	vadd.f32 v21, v7;
	[tilespmem:s1+$0xF0] =	vst v36  }
0x107: {  	v43 =	vmul.f32 v40, v9;
	v36 =	vmul.f32 v32, v1;
	v34 =	vadd.f32 v34, v14;
	[tilespmem:s1+$0xB0] =	vst v35  }
0x108: {  	v32 =	vmul.f32 v32, v0;
	v35 =	vmul.f32 v40, v8;
	v30 =	vadd.f32 v30, v6;
	[tilespmem:s1+$0xE0] =	vst v28  }
0x109: {  	v40 =	vadd.f32 v43, v13;
	v28 =	vbroadcast v17, $0x6;
	v36 =	vadd.f32 v36, v5;
	[tilespmem:s1+$0xA0] =	vst v33  }
0x10a: {  	v32 =	vadd.f32 v32, v4;
	v33 =	vbroadcast v20, $0x6;
	v35 =	vadd.f32 v35, v12;
	[tilespmem:s1+$0xD0] =	vst v31  }
0x10b: {  	v31 =	vmul.f32 v28, v10;
	v43 =	vmul.f32 v28, v11;
	[tilespmem:s1+$0x90] =	vst v25  }
0x10c: {  	v25 =	vmul.f32 v33, v2;
	v44 =	vmul.f32 v33, v3;
	[tilespmem:s1+$0xC0] =	vst v27  }
0x10d: {  	v27 =	vmul.f32 v28, v9;
	v31 =	vadd.f32 v31, v14;
	v43 =	vadd.f32 v43, v15;
	[tilespmem:s1+$0x80] =	vst v29  }
0x10e: {  	v29 =	vmul.f32 v33, v1;
	v25 =	vadd.f32 v25, v6;
	v44 =	vadd.f32 v44, v7;
	[tilespmem:s1+$0x70] =	vst v41  }
0x10f: {  	v28 =	vmul.f32 v28, v8;
	v33 =	vmul.f32 v33, v0;
	v27 =	vadd.f32 v27, v13;
	[tilespmem:s1+$0x30] =	vst v37  }
0x110: {  	v41 =	vbroadcast v17, $0x5;
	v37 =	vbroadcast v20, $0x5;
	v29 =	vadd.f32 v29, v5;
	[tilespmem:s1+$0x60] =	vst v42  }
0x111: {  	v28 =	vadd.f32 v28, v12;
	v33 =	vadd.f32 v33, v4;
	v42 =	vbroadcast v17, $0x4;
	[tilespmem:s1+$0x20] =	vst v38  }
0x112: {  	v45 =	vmul.f32 v41, v11;
	v38 =	vmul.f32 v37, v3;
	[tilespmem:s1+$0x50] =	vst v22  }
0x113: {  	v46 =	vmul.f32 v41, v10;
	v22 =	vmul.f32 v37, v2;
	[tilespmem:s1+$0x10] =	vst v23  }
0x114: {  	v45 =	vadd.f32 v45, v15;
	v23 =	vmul.f32 v41, v9;
	v38 =	vadd.f32 v38, v7;
	[tilespmem:s1+$0x40] =	vst v26  }
0x115: {  	v46 =	vadd.f32 v46, v14;
	v26 =	vmul.f32 v37, v1;
	v22 =	vadd.f32 v22, v6;
	[tilespmem:s1+$0x0] =	vst v24  }
0x116: {  	v24 =	vmul.f32 v37, v0;
	v37 =	vmul.f32 v41, v8;
	v23 =	vadd.f32 v23, v13;
	[tilespmem:s1+$0xFFFFFFF0] =	vst v39  }
0x117: {  	v41 =	vmul.f32 v42, v11;
	v39 =	vbroadcast v20, $0x4;
	v26 =	vadd.f32 v26, v5;
	[tilespmem:s1+$0xFFFFFFB0] =	vst v21  }
0x118: {  	v21 =	vmul.f32 v42, v10;
	v24 =	vadd.f32 v24, v4;
	v37 =	vadd.f32 v37, v12;
	[tilespmem:s1+$0xFFFFFFE0] =	vst v34  }
0x119: {  	v41 =	vadd.f32 v41, v15;
	v34 =	vmul.f32 v39, v2;
	v47 =	vmul.f32 v39, v3;
	[tilespmem:s1+$0xFFFFFFA0] =	vst v30  }
0x11a: {  	v48 =	vmul.f32 v42, v9;
	v30 =	vmul.f32 v39, v1;
	v21 =	vadd.f32 v21, v14;
	[tilespmem:s1+$0xFFFFFFD0] =	vst v40  }
0x11b: {  	v40 =	vmul.f32 v42, v8;
	v34 =	vadd.f32 v34, v6;
	v42 =	vadd.f32 v47, v7;
	[tilespmem:s1+$0xFFFFFF90] =	vst v36  }
0x11c: {  	v36 =	vmul.f32 v39, v0;
	v30 =	vadd.f32 v30, v5;
	v39 =	vadd.f32 v48, v13;
	[tilespmem:s1+$0xFFFFFFC0] =	vst v35  }
0x11d: {  	v47 =	vbroadcast v17, $0x3;
	v35 =	vbroadcast v20, $0x3;
	v40 =	vadd.f32 v40, v12;
	[tilespmem:s1+$0xFFFFFF80] =	vst v32  }
0x11e: {  	v48 =	vbroadcast v17, $0x2;
	v32 =	vbroadcast v20, $0x2;
	v36 =	vadd.f32 v36, v4;
	[tilespmem:s1+$0xFFFFFF70] =	vst v43  }
0x11f: {  	v49 =	vmul.f32 v47, v11;
	v43 =	vmul.f32 v35, v3;
	[tilespmem:s1+$0xFFFFFF30] =	vst v44  }
0x120: {  	v50 =	vmul.f32 v47, v10;
	v44 =	vmul.f32 v35, v2;
	[tilespmem:s1+$0xFFFFFF60] =	vst v31  }
0x121: {  	v49 =	vadd.f32 v49, v15;
	v31 =	vmul.f32 v47, v9;
	v43 =	vadd.f32 v43, v7;
	[tilespmem:s1+$0xFFFFFF20] =	vst v25  }
0x122: {  	v50 =	vadd.f32 v50, v14;
	v25 =	vmul.f32 v35, v1;
	v44 =	vadd.f32 v44, v6;
	[tilespmem:s1+$0xFFFFFF50] =	vst v27  }
0x123: {  	v27 =	vmul.f32 v35, v0;
	v35 =	vmul.f32 v47, v8;
	v31 =	vadd.f32 v31, v13;
	[tilespmem:s1+$0xFFFFFF10] =	vst v29  }
0x124: {  	v47 =	vmul.f32 v48, v11;
	v29 =	vmul.f32 v32, v3;
	v25 =	vadd.f32 v25, v5;
	[tilespmem:s1+$0xFFFFFF40] =	vst v28  }
0x125: {  	v28 =	vmul.f32 v48, v10;
	v27 =	vadd.f32 v27, v4;
	v35 =	vadd.f32 v35, v12;
	[tilespmem:s1+$0xFFFFFF00] =	vst v33  }
0x126: {  	v47 =	vadd.f32 v47, v15;
	v33 =	vmul.f32 v32, v2;
	v29 =	vadd.f32 v29, v7;
	[tilespmem:s1+$0xFFFFFEF0] =	vst v45  }
0x127: {  	v51 =	vmul.f32 v48, v9;
	v45 =	vmul.f32 v32, v1;
	v28 =	vadd.f32 v28, v14;
	[tilespmem:s1+$0xFFFFFEB0] =	vst v38  }
0x128: {  	v32 =	vmul.f32 v32, v0;
	v38 =	vmul.f32 v48, v8;
	v33 =	vadd.f32 v33, v6;
	[tilespmem:s1+$0xFFFFFEE0] =	vst v46  }
0x129: {  	v48 =	vadd.f32 v51, v13;
	v46 =	vbroadcast v17, $0x1;
	v45 =	vadd.f32 v45, v5;
	[tilespmem:s1+$0xFFFFFEA0] =	vst v22  }
0x12a: {  	v20 =	vbroadcast v20, $0x1;
	v22 =	vadd.f32 v32, v4;
	v32 =	vadd.f32 v38, v12;
	[tilespmem:s1+$0xFFFFFED0] =	vst v23  }
0x12b: {  	v23 =	vmul.f32 v46, v10;
	v38 =	vmul.f32 v46, v11;
	[tilespmem:s1+$0xFFFFFE90] =	vst v26  }
0x12c: {  	v51 =	vmul.f32 v20, v3;
	v26 =	vmul.f32 v20, v2;
	[tilespmem:s1+$0xFFFFFEC0] =	vst v37  }
0x12d: {  	v37 =	vmul.f32 v46, v9;
	v23 =	vadd.f32 v23, v14;
	v38 =	vadd.f32 v38, v15;
	[tilespmem:s1+$0xFFFFFE80] =	vst v24  }
0x12e: {  	v51 =	vadd.f32 v51, v7;
	v24 =	vmul.f32 v20, v1;
	v26 =	vadd.f32 v26, v6;
	[tilespmem:s1+$0xFFFFFE70] =	vst v41  }
0x12f: {  	v20 =	vmul.f32 v20, v0;
	v41 =	vmul.f32 v46, v8;
	v37 =	vadd.f32 v37, v13;
	[tilespmem:s1+$0xFFFFFE30] =	vst v42  }
0x130: {  	v17 =	vbroadcast v17, $0x0;
	v42 =	vmul.f32 v19, v3;
	v24 =	vadd.f32 v24, v5;
	[tilespmem:s1+$0xFFFFFE60] =	vst v21  }
0x131: {  	v19 =	vmul.f32 v19, v2;
	v20 =	vadd.f32 v20, v4;
	v21 =	vadd.f32 v41, v12;
	[tilespmem:s1+$0xFFFFFE20] =	vst v34  }
0x132: {  	v34 =	vmul.f32 v17, v10;
	v41 =	vadd.f32 v42, v7;
	v42 =	vmul.f32 v17, v11;
	[tilespmem:s1+$0xFFFFFE50] =	vst v39  }
0x133: {  	v19 =	vadd.f32 v19, v6;
	v39 =	vmul.f32 v17, v8;
	v17 =	vmul.f32 v17, v9;
	[tilespmem:s1+$0xFFFFFE10] =	vst v30  }
0x134: {  	v16 =	vmul.f32 v16, v11;
	v30 =	vadd.f32 v34, v14;
	v34 =	vadd.f32 v42, v15;
	[tilespmem:s1+$0xFFFFFE40] =	vst v40  }
0x135: {  	v39 =	vadd.f32 v39, v12;
	v17 =	vadd.f32 v17, v13;
	[tilespmem:s1+$0xFFFFFE00] =	vst v36;
	v36 =	vmul.f32 v18, v2  }
0x136: {  	v16 =	vadd.f32 v16, v15;
	v40 =	vmul.f32 v18, v0;
	v18 =	vmul.f32 v18, v1;
	[tilespmem:s1+$0xFFFFFDF0] =	vst v49  }
0x137: {  	[tilespmem:s1+$0xFFFFFDB0] =	vst v43;
	v36 =	vadd.f32 v36, v6  }
0x138: {  	v40 =	vadd.f32 v40, v4;
	v18 =	vadd.f32 v18, v5;
	[tilespmem:s1+$0xFFFFFDE0] =	vst v50  }
0x139: {  	[tilespmem:s1+$0xFFFFFDA0] =	vst v44  }
0x13a: {  	[tilespmem:s1+$0xFFFFFDD0] =	vst v31  }
0x13b: {  	[tilespmem:s1+$0xFFFFFD90] =	vst v25  }
0x13c: {  	[tilespmem:s1+$0xFFFFFDC0] =	vst v35  }
0x13d: {  	[tilespmem:s1+$0xFFFFFD80] =	vst v27  }
0x13e: {  	[tilespmem:s1+$0xFFFFFD70] =	vst v47  }
0x13f: {  	[tilespmem:s1+$0xFFFFFD30] =	vst v29  }
0x140: {  	[tilespmem:s1+$0xFFFFFD60] =	vst v28  }
0x141: {  	[tilespmem:s1+$0xFFFFFD20] =	vst v33  }
0x142: {  	[tilespmem:s1+$0xFFFFFD50] =	vst v48  }
0x143: {  	[tilespmem:s1+$0xFFFFFD10] =	vst v45  }
0x144: {  	[tilespmem:s1+$0xFFFFFD40] =	vst v32  }
0x145: {  	[tilespmem:s1+$0xFFFFFD00] =	vst v22  }
0x146: {  	[tilespmem:s1+$0xFFFFFCF0] =	vst v38  }
0x147: {  	[tilespmem:s1+$0xFFFFFCB0] =	vst v51  }
0x148: {  	[tilespmem:s1+$0xFFFFFCE0] =	vst v23  }
0x149: {  	[tilespmem:s1+$0xFFFFFCA0] =	vst v26  }
0x14a: {  	[tilespmem:s1+$0xFFFFFCD0] =	vst v37  }
0x14b: {  	[tilespmem:s1+$0xFFFFFC90] =	vst v24  }
0x14c: {  	[tilespmem:s1+$0xFFFFFCC0] =	vst v21  }
0x14d: {  	[tilespmem:s1+$0xFFFFFC80] =	vst v20  }
0x14e: {  	[tilespmem:s1+$0xFFFFFC70] =	vst v34  }
0x14f: {  	[tilespmem:s1+$0xFFFFFC30] =	vst v41  }
0x150: {  	[tilespmem:s1+$0xFFFFFC60] =	vst v30  }
0x151: {  	[tilespmem:s1+$0xFFFFFC20] =	vst v19  }
0x152: {  	[tilespmem:s1+$0xFFFFFC50] =	vst v17  }
.Ltmp0:
0x153: {  	[tilespmem:s1+$0xFFFFFC40] =	vst v39;
	(pc) =	sbr.rel @p0 .LBB2_3-.Ltmp0, $4  }
0x154: {  	[tilespmem:s1+$0x3F0] =	vst v16  }
0x155: {  	[tilespmem:s1+$0x3A0] =	vst v36  }
0x156: {  	[tilespmem:s1+$0x390] =	vst v18  }
0x157: {  	s28 =	sshra.s32 s26, $0x2;
	s26 =	sadd.s32 $0x40, s26;
	[tilespmem:s1+$0x380] =	vst v40  }
0x158: {  	v17 =	vld [tilespmem:s28+$0x8280];
	_ =	sdelay $0x4  }
0x159: {  	v16 =	vbroadcast v17, $0xF;
	_ =	sdelay $0x1  }
0x15a: {  	v18 =	vmul.f32 v16, v10  }
0x15b: {  	v19 =	vbroadcast v17, $0xE;
	v20 =	vmul.f32 v16, v9  }
0x15c: {  	v21 =	vmul.f32 v16, v8;
	v18 =	vadd.f32 v18, v14  }
0x15d: {  	s1 =	sadd.s32 $0x800, s1;
	v22 =	vmul.f32 v19, v11;
	v23 =	vadd.f32 v20, v13  }
0x15e: {  	v24 =	vmul.f32 v19, v10;
	v20 =	vld [tilespmem:s28+$0x8200];
	v21 =	vadd.f32 v21, v12;
	[tilespmem:s1+$0x3E0] =	vst v18  }
0x15f: {  	v57 =	vbroadcast v17, $0xD;
	v25 =	vmul.f32 v19, v9;
	v22 =	vadd.f32 v22, v15;
	[tilespmem:s1+$0x3D0] =	vst v23  }
0x160: {  	v19 =	vmul.f32 v19, v8;
	v58 =	vadd.f32 v24, v14;
	[tilespmem:s1+$0x3C0] =	vst v21  }
0x161: {  	v28 =	vmul.f32 v57, v8;
	v60 =	vadd.f32 v25, v13;
	[tilespmem:s1+$0x370] =	vst v22  }
0x162: {  	v16 =	vmul.f32 v16, v11;
	v62 =	vadd.f32 v19, v12;
	[tilespmem:s1+$0x360] =	vst v58  }
0x163: {  	v59 =	vmul.f32 v57, v11;
	v30 =	vadd.f32 v28, v12;
	[tilespmem:s1+$0x350] =	vst v60  }
0x164: {  	v49 =	vbroadcast v17, $0xB;
	v61 =	vmul.f32 v57, v10;
	v16 =	vadd.f32 v16, v15;
	[tilespmem:s1+$0x340] =	vst v62  }
0x165: {  	v63 =	vmul.f32 v57, v9;
	v21 =	vadd.f32 v59, v15;
	[tilespmem:s1+$0x2C0] =	vst v30;
	v19 =	vbroadcast v20, $0x0  }
0x166: {  	v22 =	vadd.f32 v61, v14;
	v59 =	vmul.f32 v49, v8;
	[tilespmem:s1+$0x3F0] =	vst v16  }
0x167: {  	v23 =	vadd.f32 v63, v13;
	[tilespmem:s1+$0x2F0] =	vst v21;
	v18 =	vbroadcast v20, $0xF;
	v29 =	vmul.f32 v19, v1  }
0x168: {  	[tilespmem:s1+$0x2E0] =	vst v22;
	v30 =	vadd.f32 v59, v12;
	v31 =	vbroadcast v20, $0xE;
	v26 =	vmul.f32 v19, v0  }
0x169: {  	[tilespmem:s1+$0x2D0] =	vst v23;
	v32 =	vmul.f32 v18, v3;
	v25 =	vadd.f32 v29, v5  }
0x16a: {  	[tilespmem:s1+$0x1C0] =	vst v30;
	v33 =	vmul.f32 v31, v3;
	v26 =	vadd.f32 v26, v4  }
0x16b: {  	v34 =	vmul.f32 v31, v2;
	v22 =	vadd.f32 v32, v7;
	[tilespmem:s1+$0xFFFFFC10] =	vst v25  }
0x16c: {  	v35 =	vbroadcast v20, $0xD;
	v27 =	vmul.f32 v31, v1;
	v23 =	vadd.f32 v33, v7;
	[tilespmem:s1+$0xFFFFFC00] =	vst v26  }
0x16d: {  	v41 =	vbroadcast v20, $0xC;
	v24 =	vmul.f32 v31, v0;
	v21 =	vadd.f32 v34, v6;
	[tilespmem:s1+$0x3B0] =	vst v22  }
0x16e: {  	v51 =	vbroadcast v20, $0xB;
	v40 =	vmul.f32 v35, v1;
	v37 =	vadd.f32 v27, v5;
	[tilespmem:s1+$0x330] =	vst v23  }
0x16f: {  	v50 =	vmul.f32 v41, v0;
	v24 =	vadd.f32 v24, v4;
	[tilespmem:s1+$0x320] =	vst v21  }
0x170: {  	v58 =	vmul.f32 v51, v1;
	v27 =	vadd.f32 v40, v5;
	[tilespmem:s1+$0x310] =	vst v37  }
0x171: {  	v61 =	vmul.f32 v51, v0;
	v53 =	vadd.f32 v50, v4;
	[tilespmem:s1+$0x300] =	vst v24  }
0x172: {  	v39 =	vbroadcast v17, $0xC;
	v36 =	vmul.f32 v35, v3;
	v62 =	vadd.f32 v58, v5;
	[tilespmem:s1+$0x290] =	vst v27  }
0x173: {  	v38 =	vmul.f32 v35, v2;
	v32 =	vadd.f32 v61, v4;
	[tilespmem:s1+$0x200] =	vst v53  }
0x174: {  	v42 =	vmul.f32 v39, v11;
	v60 =	vbroadcast v17, $0xA;
	v22 =	vadd.f32 v36, v7;
	[tilespmem:s1+$0x190] =	vst v62  }
0x175: {  	v46 =	vmul.f32 v41, v2;
	v23 =	vadd.f32 v38, v6;
	[tilespmem:s1+$0x180] =	vst v32  }
0x176: {  	v34 =	vmul.f32 v60, v10;
	v24 =	vadd.f32 v42, v15;
	[tilespmem:s1+$0x2B0] =	vst v22  }
0x177: {  	v25 =	vmul.f32 v35, v0;
	v27 =	vadd.f32 v46, v6;
	[tilespmem:s1+$0x2A0] =	vst v23  }
0x178: {  	v44 =	vmul.f32 v41, v3;
	v26 =	vadd.f32 v34, v14;
	[tilespmem:s1+$0x270] =	vst v24  }
0x179: {  	v45 =	vmul.f32 v39, v10;
	v43 =	vadd.f32 v25, v4;
	[tilespmem:s1+$0x220] =	vst v27  }
0x17a: {  	v47 =	vmul.f32 v39, v9;
	v25 =	vadd.f32 v44, v7;
	[tilespmem:s1+$0x160] =	vst v26  }
0x17b: {  	v48 =	vmul.f32 v41, v1;
	v23 =	vadd.f32 v45, v14;
	[tilespmem:s1+$0x280] =	vst v43  }
0x17c: {  	v63 =	vbroadcast v20, $0xA;
	v21 =	vmul.f32 v39, v8;
	v22 =	vadd.f32 v47, v13;
	[tilespmem:s1+$0x230] =	vst v25  }
0x17d: {  	v52 =	vmul.f32 v49, v11;
	v40 =	vbroadcast v20, $0x9;
	v24 =	vadd.f32 v48, v5;
	[tilespmem:s1+$0x260] =	vst v23  }
0x17e: {  	v55 =	vmul.f32 v49, v10;
	v39 =	vmul.f32 v63, v0;
	v21 =	vadd.f32 v21, v12;
	[tilespmem:s1+$0x250] =	vst v22  }
0x17f: {  	v57 =	vmul.f32 v49, v9;
	v49 =	vmul.f32 v40, v0;
	v27 =	vadd.f32 v52, v15;
	[tilespmem:s1+$0x210] =	vst v24  }
0x180: {  	v54 =	vmul.f32 v51, v3;
	v42 =	vadd.f32 v39, v4;
	[tilespmem:s1+$0x240] =	vst v21  }
0x181: {  	v52 =	vadd.f32 v49, v4;
	[tilespmem:s1+$0x1F0] =	vst v27  }
0x182: {  	v56 =	vmul.f32 v51, v2;
	v23 =	vadd.f32 v54, v7;
	[tilespmem:s1+$0x100] =	vst v42  }
0x183: {  	v24 =	vadd.f32 v55, v14;
	[tilespmem:s1+$0x80] =	vst v52  }
0x184: {  	v31 =	vmul.f32 v60, v11;
	v21 =	vadd.f32 v56, v6;
	[tilespmem:s1+$0x1B0] =	vst v23  }
0x185: {  	v33 =	vmul.f32 v63, v3;
	v22 =	vadd.f32 v57, v13;
	[tilespmem:s1+$0x1E0] =	vst v24  }
0x186: {  	v35 =	vmul.f32 v63, v2;
	[tilespmem:s1+$0x1A0] =	vst v21;
	v23 =	vadd.f32 v31, v15  }
0x187: {  	v36 =	vmul.f32 v60, v9;
	[tilespmem:s1+$0x1D0] =	vst v22;
	v24 =	vadd.f32 v33, v7  }
0x188: {  	v50 =	vbroadcast v20, $0x8;
	v25 =	vmul.f32 v60, v8;
	v21 =	vadd.f32 v35, v6;
	[tilespmem:s1+$0x170] =	vst v23  }
0x189: {  	v43 =	vmul.f32 v40, v3;
	v22 =	vadd.f32 v36, v13;
	[tilespmem:s1+$0x130] =	vst v24  }
0x18a: {  	v38 =	vbroadcast v17, $0x9;
	v27 =	vmul.f32 v50, v0;
	v25 =	vadd.f32 v25, v12;
	[tilespmem:s1+$0x120] =	vst v21  }
0x18b: {  	v37 =	vmul.f32 v63, v1;
	v26 =	vadd.f32 v43, v7;
	[tilespmem:s1+$0x150] =	vst v22  }
0x18c: {  	v41 =	vmul.f32 v38, v11;
	v27 =	vadd.f32 v27, v4;
	[tilespmem:s1+$0x140] =	vst v25  }
0x18d: {  	v58 =	vbroadcast v17, $0x7;
	v45 =	vmul.f32 v40, v2;
	v23 =	vadd.f32 v37, v5;
	[tilespmem:s1+$0xB0] =	vst v26  }
0x18e: {  	v34 =	vbroadcast v20, $0x6;
	v46 =	vmul.f32 v38, v9;
	v21 =	vadd.f32 v41, v15;
	[tilespmem:s1+$0x0] =	vst v27  }
0x18f: {  	v30 =	vmul.f32 v58, v9;
	v25 =	vadd.f32 v45, v6;
	[tilespmem:s1+$0x110] =	vst v23  }
0x190: {  	v42 =	vmul.f32 v34, v0;
	v22 =	vadd.f32 v46, v13;
	[tilespmem:s1+$0xF0] =	vst v21  }
0x191: {  	v44 =	vmul.f32 v38, v10;
	v27 =	vadd.f32 v30, v13;
	[tilespmem:s1+$0xA0] =	vst v25  }
0x192: {  	v47 =	vmul.f32 v40, v1;
	v48 =	vbroadcast v17, $0x8;
	v46 =	vadd.f32 v42, v4;
	[tilespmem:s1+$0xD0] =	vst v22  }
0x193: {  	v24 =	vmul.f32 v38, v8;
	v23 =	vadd.f32 v44, v14;
	[tilespmem:s1+$0xFFFFFFD0] =	vst v27  }
0x194: {  	v51 =	vmul.f32 v48, v11;
	v21 =	vadd.f32 v47, v5;
	[tilespmem:s1+$0xFFFFFF00] =	vst v46  }
0x195: {  	v56 =	vmul.f32 v48, v9;
	v24 =	vadd.f32 v24, v12;
	[tilespmem:s1+$0xE0] =	vst v23  }
0x196: {  	v26 =	vmul.f32 v48, v8;
	v25 =	vadd.f32 v51, v15;
	[tilespmem:s1+$0x90] =	vst v21  }
0x197: {  	v36 =	vmul.f32 v34, v3;
	v22 =	vadd.f32 v56, v13;
	[tilespmem:s1+$0xC0] =	vst v24  }
0x198: {  	v53 =	vmul.f32 v50, v3;
	v26 =	vadd.f32 v26, v12;
	[tilespmem:s1+$0x70] =	vst v25  }
0x199: {  	v54 =	vmul.f32 v48, v10;
	v27 =	vadd.f32 v36, v7;
	[tilespmem:s1+$0x50] =	vst v22  }
0x19a: {  	v59 =	vbroadcast v20, $0x7;
	v55 =	vmul.f32 v50, v2;
	v23 =	vadd.f32 v53, v7;
	[tilespmem:s1+$0x40] =	vst v26  }
0x19b: {  	v57 =	vmul.f32 v50, v1;
	v21 =	vadd.f32 v54, v14;
	[tilespmem:s1+$0xFFFFFF30] =	vst v27  }
0x19c: {  	v61 =	vmul.f32 v59, v3;
	v24 =	vadd.f32 v55, v6;
	[tilespmem:s1+$0x30] =	vst v23  }
0x19d: {  	v63 =	vmul.f32 v59, v2;
	v25 =	vadd.f32 v57, v5;
	[tilespmem:s1+$0x60] =	vst v21  }
0x19e: {  	v60 =	vmul.f32 v58, v11;
	v22 =	vadd.f32 v61, v7;
	[tilespmem:s1+$0x20] =	vst v24  }
0x19f: {  	v62 =	vmul.f32 v58, v10;
	v33 =	vbroadcast v17, $0x6;
	v26 =	vadd.f32 v63, v6;
	[tilespmem:s1+$0x10] =	vst v25  }
0x1a0: {  	v32 =	vmul.f32 v58, v8;
	v41 =	vbroadcast v17, $0x5;
	v24 =	vadd.f32 v60, v15;
	[tilespmem:s1+$0xFFFFFFB0] =	vst v22  }
0x1a1: {  	v35 =	vmul.f32 v33, v11;
	v25 =	vadd.f32 v62, v14;
	[tilespmem:s1+$0xFFFFFFA0] =	vst v26  }
0x1a2: {  	v27 =	vmul.f32 v41, v8;
	v22 =	vadd.f32 v32, v12;
	[tilespmem:s1+$0xFFFFFFF0] =	vst v24  }
0x1a3: {  	v31 =	vmul.f32 v59, v1;
	v26 =	vadd.f32 v35, v15;
	[tilespmem:s1+$0xFFFFFFE0] =	vst v25  }
0x1a4: {  	v21 =	vmul.f32 v59, v0;
	v27 =	vadd.f32 v27, v12;
	[tilespmem:s1+$0xFFFFFFC0] =	vst v22  }
0x1a5: {  	v38 =	vmul.f32 v34, v2;
	v24 =	vadd.f32 v31, v5;
	[tilespmem:s1+$0xFFFFFF70] =	vst v26  }
0x1a6: {  	v40 =	vmul.f32 v34, v1;
	v21 =	vadd.f32 v21, v4;
	[tilespmem:s1+$0xFFFFFEC0] =	vst v27  }
0x1a7: {  	v53 =	vbroadcast v20, $0x4;
	v23 =	vmul.f32 v33, v8;
	v22 =	vadd.f32 v38, v6;
	[tilespmem:s1+$0xFFFFFF90] =	vst v24  }
0x1a8: {  	v45 =	vmul.f32 v41, v11;
	v26 =	vadd.f32 v40, v5;
	[tilespmem:s1+$0xFFFFFF80] =	vst v21  }
0x1a9: {  	v58 =	vmul.f32 v53, v2;
	v44 =	vadd.f32 v23, v12;
	[tilespmem:s1+$0xFFFFFF20] =	vst v22  }
0x1aa: {  	v62 =	vmul.f32 v53, v0;
	v23 =	vadd.f32 v45, v15;
	[tilespmem:s1+$0xFFFFFF10] =	vst v26  }
0x1ab: {  	v37 =	vmul.f32 v33, v10;
	v27 =	vadd.f32 v58, v6;
	[tilespmem:s1+$0xFFFFFF40] =	vst v44  }
0x1ac: {  	v43 =	vbroadcast v20, $0x5;
	v39 =	vmul.f32 v33, v9;
	v31 =	vadd.f32 v62, v4;
	[tilespmem:s1+$0xFFFFFEF0] =	vst v23  }
0x1ad: {  	v48 =	vmul.f32 v41, v10;
	v24 =	vadd.f32 v37, v14;
	[tilespmem:s1+$0xFFFFFE20] =	vst v27  }
0x1ae: {  	v49 =	vmul.f32 v43, v2;
	v21 =	vadd.f32 v39, v13;
	[tilespmem:s1+$0xFFFFFE00] =	vst v31  }
0x1af: {  	v51 =	vmul.f32 v43, v1;
	v26 =	vadd.f32 v48, v14;
	[tilespmem:s1+$0xFFFFFF60] =	vst v24  }
0x1b0: {  	v61 =	vbroadcast v17, $0x3;
	v25 =	vmul.f32 v43, v0;
	v22 =	vadd.f32 v49, v6;
	[tilespmem:s1+$0xFFFFFF50] =	vst v21  }
0x1b1: {  	v56 =	vmul.f32 v53, v3;
	v23 =	vadd.f32 v51, v5;
	[tilespmem:s1+$0xFFFFFEE0] =	vst v26  }
0x1b2: {  	v30 =	vmul.f32 v61, v11;
	v55 =	vadd.f32 v25, v4;
	[tilespmem:s1+$0xFFFFFEA0] =	vst v22  }
0x1b3: {  	v52 =	vbroadcast v17, $0x4;
	v47 =	vmul.f32 v43, v3;
	v25 =	vadd.f32 v56, v7;
	[tilespmem:s1+$0xFFFFFE90] =	vst v23  }
0x1b4: {  	v50 =	vmul.f32 v41, v9;
	v27 =	vadd.f32 v30, v15;
	[tilespmem:s1+$0xFFFFFE80] =	vst v55  }
0x1b5: {  	v54 =	vmul.f32 v52, v11;
	v63 =	vbroadcast v20, $0x3;
	v24 =	vadd.f32 v47, v7;
	[tilespmem:s1+$0xFFFFFE30] =	vst v25  }
0x1b6: {  	v57 =	vmul.f32 v52, v10;
	v21 =	vadd.f32 v50, v13;
	[tilespmem:s1+$0xFFFFFDF0] =	vst v27  }
0x1b7: {  	v36 =	vmul.f32 v63, v1;
	v22 =	vadd.f32 v54, v15;
	[tilespmem:s1+$0xFFFFFEB0] =	vst v24  }
0x1b8: {  	v56 =	vmul.f32 v19, v3;
	v23 =	vadd.f32 v57, v14;
	[tilespmem:s1+$0xFFFFFED0] =	vst v21  }
0x1b9: {  	v19 =	vmul.f32 v19, v2;
	v27 =	vadd.f32 v36, v5;
	[tilespmem:s1+$0xFFFFFE70] =	vst v22  }
0x1ba: {  	v59 =	vmul.f32 v52, v9;
	v58 =	vadd.f32 v56, v7;
	[tilespmem:s1+$0xFFFFFE60] =	vst v23  }
0x1bb: {  	v60 =	vmul.f32 v53, v1;
	v19 =	vadd.f32 v19, v6;
	[tilespmem:s1+$0xFFFFFD90] =	vst v27  }
0x1bc: {  	v46 =	vbroadcast v17, $0x1;
	v32 =	vmul.f32 v63, v3;
	v21 =	vadd.f32 v59, v13;
	[tilespmem:s1+$0xFFFFFC30] =	vst v58  }
0x1bd: {  	v37 =	vbroadcast v17, $0x2;
	v25 =	vmul.f32 v61, v8;
	v22 =	vadd.f32 v60, v5;
	[tilespmem:s1+$0xFFFFFC20] =	vst v19  }
0x1be: {  	v17 =	vbroadcast v17, $0x0;
	v26 =	vmul.f32 v63, v0;
	v23 =	vadd.f32 v32, v7;
	[tilespmem:s1+$0xFFFFFE50] =	vst v21  }
0x1bf: {  	v41 =	vmul.f32 v37, v10;
	v25 =	vadd.f32 v25, v12;
	[tilespmem:s1+$0xFFFFFE10] =	vst v22  }
0x1c0: {  	v33 =	vmul.f32 v61, v10;
	v57 =	vmul.f32 v17, v10;
	v26 =	vadd.f32 v26, v4;
	[tilespmem:s1+$0xFFFFFDB0] =	vst v23  }
0x1c1: {  	v35 =	vmul.f32 v61, v9;
	v61 =	vmul.f32 v18, v2;
	v27 =	vadd.f32 v41, v14;
	[tilespmem:s1+$0xFFFFFDC0] =	vst v25  }
0x1c2: {  	v62 =	vmul.f32 v18, v1;
	v18 =	vmul.f32 v18, v0;
	v60 =	vadd.f32 v57, v14;
	[tilespmem:s1+$0xFFFFFD80] =	vst v26  }
0x1c3: {  	v34 =	vmul.f32 v63, v2;
	v24 =	vmul.f32 v52, v8;
	v63 =	vadd.f32 v61, v6;
	[tilespmem:s1+$0xFFFFFD60] =	vst v27  }
0x1c4: {  	v38 =	vbroadcast v20, $0x2;
	v16 =	vadd.f32 v18, v4;
	[tilespmem:s1+$0xFFFFFC60] =	vst v60  }
0x1c5: {  	v20 =	vbroadcast v20, $0x1;
	v24 =	vadd.f32 v24, v12;
	[tilespmem:s1+$0x3A0] =	vst v63  }
0x1c6: {  	v42 =	vmul.f32 v38, v2;
	v22 =	vadd.f32 v33, v14;
	[tilespmem:s1+$0x380] =	vst v16  }
0x1c7: {  	v48 =	vmul.f32 v20, v3;
	v43 =	vmul.f32 v37, v9;
	v21 =	vadd.f32 v35, v13;
	[tilespmem:s1+$0xFFFFFE40] =	vst v24  }
0x1c8: {  	v50 =	vmul.f32 v20, v2;
	v52 =	vmul.f32 v20, v1;
	v25 =	vadd.f32 v42, v6;
	[tilespmem:s1+$0xFFFFFDE0] =	vst v22  }
0x1c9: {  	v55 =	vmul.f32 v17, v11;
	v20 =	vmul.f32 v20, v0;
	v26 =	vadd.f32 v43, v13;
	[tilespmem:s1+$0xFFFFFDD0] =	vst v21  }
0x1ca: {  	v59 =	vmul.f32 v17, v9;
	v17 =	vmul.f32 v17, v8;
	v53 =	vadd.f32 v52, v5;
	[tilespmem:s1+$0xFFFFFD20] =	vst v25  }
0x1cb: {  	v20 =	vadd.f32 v20, v4;
	[tilespmem:s1+$0xFFFFFD50] =	vst v26  }
0x1cc: {  	v40 =	vmul.f32 v38, v3;
	v17 =	vadd.f32 v17, v12;
	[tilespmem:s1+$0xFFFFFC90] =	vst v53  }
0x1cd: {  	v47 =	vmul.f32 v46, v11;
	v24 =	vadd.f32 v34, v6;
	[tilespmem:s1+$0xFFFFFC80] =	vst v20  }
0x1ce: {  	v21 =	vadd.f32 v40, v7;
	[tilespmem:s1+$0xFFFFFC40] =	vst v17  }
0x1cf: {  	v23 =	vmul.f32 v46, v8;
	v25 =	vadd.f32 v47, v15;
	[tilespmem:s1+$0xFFFFFDA0] =	vst v24  }
0x1d0: {  	v26 =	vadd.f32 v48, v7;
	[tilespmem:s1+$0xFFFFFD30] =	vst v21  }
0x1d1: {  	v54 =	vadd.f32 v23, v12;
	[tilespmem:s1+$0xFFFFFCF0] =	vst v25  }
0x1d2: {  	v23 =	vadd.f32 v55, v15;
	[tilespmem:s1+$0xFFFFFCB0] =	vst v26  }
0x1d3: {  	v39 =	vmul.f32 v37, v11;
	v20 =	vadd.f32 v59, v13;
	[tilespmem:s1+$0xFFFFFCC0] =	vst v54  }
0x1d4: {  	v45 =	vmul.f32 v37, v8;
	v17 =	vadd.f32 v62, v5;
	[tilespmem:s1+$0xFFFFFC70] =	vst v23  }
0x1d5: {  	v22 =	vmul.f32 v38, v0;
	v24 =	vadd.f32 v39, v15;
	[tilespmem:s1+$0xFFFFFC50] =	vst v20  }
0x1d6: {  	v44 =	vmul.f32 v38, v1;
	v21 =	vadd.f32 v45, v12;
	[tilespmem:s1+$0x390] =	vst v17  }
0x1d7: {  	v22 =	vadd.f32 v22, v4;
	[tilespmem:s1+$0xFFFFFD70] =	vst v24  }
0x1d8: {  	v51 =	vmul.f32 v46, v9;
	v24 =	vadd.f32 v44, v5;
	[tilespmem:s1+$0xFFFFFD40] =	vst v21  }
0x1d9: {  	v49 =	vmul.f32 v46, v10;
	[tilespmem:s1+$0xFFFFFD00] =	vst v22;
	v21 =	vadd.f32 v50, v6  }
0x1da: {  	v22 =	vadd.f32 v51, v13;
	[tilespmem:s1+$0xFFFFFD10] =	vst v24  }
0x1db: {  	v24 =	vadd.f32 v49, v14;
	[tilespmem:s1+$0xFFFFFCA0] =	vst v21  }
0x1dc: {  	[tilespmem:s1+$0xFFFFFCD0] =	vst v22  }
0x1dd: {  	[tilespmem:s1+$0xFFFFFCE0] =	vst v24  }
0x1de: {  	_ =	swait.ge [sflag:s9], $0x1000  }
0x1df: {  	[sflag:s9] =	ssyncset.done $0x0  }
0x1e0: {  	[sflag:s9] =	ssyncadd.s32 $0xFFFFF000  }
0x1e1: {  	_ =	swait.ge [sflag:s9], $0x1000  }
0x1e2: {  	[sflag:s9] =	ssyncset.done $0x0  }
0x1e3: {  	[sflag:s9] =	ssyncadd.s32 $0xFFFFF000  }
0x1e4: {  	_ =	swait.ge [sflag:s9], $0x1000  }
0x1e5: {  	[sflag:s9] =	ssyncset.done $0x0  }
0x1e6: {  	[sflag:s9] =	ssyncadd.s32 $0xFFFFF000  }
0x1e7: {  	_ =	swait.ge [sflag:s9], $0x1000  }
0x1e8: {  	s1 =	sshll.u32 s13, $0x5;
	[sflag:s9] =	ssyncset.done $0x0  }
0x1e9: {  	s13 =	sadd.s32 s14, s1;
	[sflag:s9] =	ssyncadd.s32 $0xFFFFF000  }
0x1ea: {  	[hbm4b:s13+s21] =	stream.strided.scatter [tilespmem:s29], [sflag:$0x2], $0x1000, s24, s21, $0x38;
	[tilespmem:$0x8400] =	vst v63  }
0x1eb: {  	_ =	swait.ge [sflag:s22], $0x1000  }
0x1ec: {  	[sflag:s22] =	ssyncset.done $0x0  }
0x1ed: {  	s2 =	sadd.s32 s1, s16;
	[sflag:s22] =	ssyncadd.s32 $0xFFFFF000  }
0x1ee: {  	[hbm4b:s2+s21] =	stream.strided.scatter [tilespmem:s30], [sflag:$0x2], $0x1000, s24, s21, $0x38;
	[tilespmem:$0x8400] =	vst v63  }
0x1ef: {  	_ =	swait.ge [sflag:s22], $0x1000  }
0x1f0: {  	[sflag:s22] =	ssyncset.done $0x0  }
0x1f1: {  	s26 =	sadd.s32 s1, s17;
	[sflag:s22] =	ssyncadd.s32 $0xFFFFF000  }
0x1f2: {  	[hbm4b:s26+s21] =	stream.strided.scatter [tilespmem:s31], [sflag:$0x2], $0x1000, s24, s21, $0x38;
	[tilespmem:$0x8400] =	vst v63  }
0x1f3: {  	_ =	swait.ge [sflag:s22], $0x1000  }
0x1f4: {  	[sflag:s22] =	ssyncset.done $0x0  }
0x1f5: {  	s28 =	sadd.s32 s1, s18;
	[sflag:s22] =	ssyncadd.s32 $0xFFFFF000  }
0x1f6: {  	[hbm4b:s28+s21] =	stream.strided.scatter [tilespmem:s0], [sflag:$0x2], $0x1000, s24, s21, $0x38;
	[tilespmem:$0x8400] =	vst v63  }
0x1f7: {  	s20 =	sadd.s32 $0x1, s20;
	_ =	swait.ge [sflag:s22], $0x1000  }
0x1f8: {  	p0 =	sne.s32 s20, $0x9D;
	s1 =	sadd.s32 s1, s19;
	[sflag:s22] =	ssyncset.done $0x0  }
.Ltmp1:
0x1f9: {  	s2 =	simm.s32 $0x4200;
	[sflag:s22] =	ssyncadd.s32 $0xFFFFF000;
	(pc) =	sbr.rel @p0 .LBB2_2-.Ltmp1, $4  }
0x1fa: {  	[hbm4b:s1+s23] =	stream.strided.scatter [tilespmem:s2], [sflag:$0x2], $0x4000, s24, s23, $0x38;
	[tilespmem:$0x8400] =	vst v63  }
0x1fb: {  	_ =	swait.ge [sflag:s22], $0x4000  }
0x1fc: {  	[sflag:s22] =	ssyncset.done $0x0  }
0x1fd: {  	[sflag:s22] =	ssyncadd.s32 $0xFFFFC000  }
0x1fe: {  	s2 =	rddreg [dreg:$0x5]  }
0x1ff: {  	s1 =	rddreg [dreg:$0x4];
	s2 =	sadd.s32 $0x1, s2  }
0x200: {  	p0 =	sne.s32 s2, s1  }
.Ltmp2:
0x201: {  	_ = 	snop;
	(pc) =	sbr.rel @p0 .LBB2_1-.Ltmp2, $1  }
0x202: {  	_ =	sdelay $0x3  }
0x203: {  	_ =	sfence.sel $0x180000  }
0x204: {  	[bflag:$0x0] =	sbarrier.arrive $0xFFFF  }
0x205: {  	_ =	strace $0x90000047  }
0x206: {  	s0 =	stileid.u32;
	[bflag:$0x2] =	sbarrier.arrive $0xFFFF  }
0x207: {  	p0 =	sne.s32 s0, $0x0;
	s0 =	rddreg [dreg:$0x2]  }
0x208: {  	s0 =	sadd.s32 @!p0 $0x100000, s0  }
0x209: {  	[sflag:s0] =	ssyncadd.tile.s32 @!p0 $0x1;
	_ =	shalt  }
.Lfunc_end2:
_tile_overlayer_lowered:
.L_overlay_start_2:
0x20a: {  	(tag) =	ssettag $0x2  }
0x20b: {  	s0 =	rddreg [dreg:$0x0];
	s2 =	stileid.u32  }
0x20c: {  	s1 =	rddreg [dreg:$0x1];
	p0 =	sne.s32 s2, $0x0  }
0x20d: {  	s3 =	rddreg [dreg:$0x2];
	[bflag:$0x3] =	sbarrier.arrive $0xFFFF;
	s2 =	simm.s32 @!p0 $0x1C02  }
0x20e: {  	[timem:s3], [sflag:s2] =	dma.local @!p0 [hbm:s0], s1  }
0x20f: {  	s0 =	simm.s32 @!p0 $0x2  }
0x210: {  	_ =	swait.ge @!p0 [sflag:s0], s1  }
0x211: {  	s1 =	ssub.s32 @!p0 $0x0, s1;
	[sflag:s0] =	ssyncset.done @!p0 $0x0  }
0x212: {  	[sflag:s0] =	ssyncadd.s32 @!p0 s1  }
0x213: {  	[bflag:$0x3] =	sbarrier.arrive $0xFFFF  }
0x214: {  	_ =	shalt  }

</sc_bundles>
